<compile_context>
chip_gen: v7x
topology: tpu7x:2x2x1
jax: 0.10.2.dev20260603
libtpu: 0.0.44.dev20260713+nightly
codegen_flags: <defaults>
</compile_context>

<pallas_src>
import jax
import jax.numpy as jnp
from jax import lax
from jax.experimental import pallas as pl
from jax.experimental.pallas import tpu as pltpu
from jax.experimental.pallas import tpu_sc as plsc

VOCAB = 100000
EMB = 64
B = 64
T = 2048

NUM_CORES = 2
NUM_SUBCORES = 16
NW = NUM_CORES * NUM_SUBCORES
FPW = EMB // NW
UNROLL = 8
IG = 4
OG = 2
NQ = B // IG


def _embed_body(tokT_hbm, x_hbm, posT_hbm, out_hbm,
                row_v, idx0_v, idx1_v, pos_v, o0_v, o1_v,
                sem_r, sem_i, sem_s):
    wid = lax.axis_index("s") * NUM_CORES + lax.axis_index("c")
    idx = (idx0_v, idx1_v)
    o = (o0_v, o1_v)

    e0 = wid * FPW
    pltpu.async_copy(tokT_hbm.at[e0, pl.ds(0, VOCAB)], row_v, sem_r)
    pltpu.async_copy(posT_hbm.at[e0, pl.ds(0, T)], pos_v, sem_r)
    pltpu.async_copy(x_hbm.at[pl.ds(0, IG), pl.ds(0, T)], idx0_v, sem_i)

    for f in range(FPW):
        e = wid * FPW + f
        pltpu.make_async_copy(
            tokT_hbm.at[e, pl.ds(0, VOCAB)], row_v, sem_r).wait()
        pltpu.make_async_copy(
            posT_hbm.at[e, pl.ds(0, T)], pos_v, sem_r).wait()

        def group_pair(gp, _):
            for par in range(2):
                q = 2 * gp + par
                b0 = q * IG
                iq = idx[par]

                @pl.when((q < NQ - 1) | (f < FPW - 1))
                def _prefetch():
                    nb = lax.rem(b0 + IG, B)
                    pltpu.async_copy(
                        x_hbm.at[pl.ds(nb, IG), pl.ds(0, T)],
                        idx[1 - par], sem_i)

                pltpu.make_async_copy(
                    x_hbm.at[pl.ds(b0, IG), pl.ds(0, T)], iq, sem_i).wait()

                for half in range(IG // OG):
                    bh = b0 + half * OG
                    ov = o[half]

                    @pl.when(q >= 1)
                    def _drain():
                        pltpu.make_async_copy(
                            ov,
                            out_hbm.at[pl.ds(bh - IG, OG), e, pl.ds(0, T)],
                            sem_s).wait()

                    for sub in range(OG):
                        s_b = half * OG + sub

                        @plsc.parallel_loop(0, T // 16, unroll=UNROLL)
                        def _gather_loop(i):
                            s = pl.ds(i * 16, 16)
                            gth = plsc.load_gather(row_v, [iq[s_b, s]])
                            ov[sub, s] = gth + pos_v[s]

                    pltpu.async_copy(
                        ov, out_hbm.at[pl.ds(bh, OG), e, pl.ds(0, T)],
                        sem_s)
            return 0

        lax.fori_loop(0, NQ // 2, group_pair, 0)
        if f + 1 < FPW:
            pltpu.async_copy(
                tokT_hbm.at[e + 1, pl.ds(0, VOCAB)], row_v, sem_r)
            pltpu.async_copy(posT_hbm.at[e + 1, pl.ds(0, T)], pos_v, sem_r)
        pltpu.make_async_copy(
            o[0], out_hbm.at[pl.ds(B - IG, OG), e, pl.ds(0, T)],
            sem_s).wait()
        pltpu.make_async_copy(
            o[1], out_hbm.at[pl.ds(B - OG, OG), e, pl.ds(0, T)],
            sem_s).wait()


@jax.jit
def kernel(x, token_embedding_table, position_embedding_table):
    Bv, Tv = x.shape
    tokT = token_embedding_table.T
    posT = position_embedding_table[:Tv].T
    mesh = plsc.VectorSubcoreMesh(core_axis_name="c", subcore_axis_name="s")
    outT = pl.kernel(
        _embed_body,
        mesh=mesh,
        compiler_params=pltpu.CompilerParams(
            use_tc_tiling_on_sc=True, needs_layout_passes=False),
        out_type=jax.ShapeDtypeStruct((Bv, EMB, Tv), jnp.float32),
        scratch_types=[
            pltpu.VMEM((VOCAB,), jnp.float32),
            pltpu.VMEM((IG, T), jnp.int32),
            pltpu.VMEM((IG, T), jnp.int32),
            pltpu.VMEM((T,), jnp.float32),
            pltpu.VMEM((OG, T), jnp.float32),
            pltpu.VMEM((OG, T), jnp.float32),
            pltpu.SemaphoreType.DMA,
            pltpu.SemaphoreType.DMA,
            pltpu.SemaphoreType.DMA,
        ],
    )(tokT, x.astype(jnp.int32), posT)
    return outT.transpose(0, 2, 1)

# --- scband reference (transcript-rebuilt; emitter-appended) ---
"""Pipeline reference for scband-input-embeddings-41824391528548 (READ-ONLY COPY).

The authoritative reference and input builder live on the scoring server;
editing this copy changes nothing except your own understanding.
"""

import jax, jax.numpy as jnp
import numpy as np

VOCAB = 100000
EMB = 64
BLOCK = 2048
B = 64
T = 2048

def setup_inputs(seed: int = 0) -> dict:
    key = jax.random.key(seed)
    k1, k2, k3 = jax.random.split(key, 3)
    x = jax.random.randint(k1, (B, T), 0, VOCAB, dtype=jnp.int64 if jax.config.jax_enable_x64 else jnp.int32)
    token_embedding_table = jax.random.normal(k2, (VOCAB, EMB), dtype=jnp.float32) * 0.02
    position_embedding_table = jax.random.normal(k3, (BLOCK, EMB), dtype=jnp.float32) * 0.02
    return {"x": x, "token_embedding_table": token_embedding_table, "position_embedding_table": position_embedding_table}

def reference(x, token_embedding_table, position_embedding_table):
    Bv, Tv = x.shape
    tok_embd = jnp.take(token_embedding_table, x, axis=0)          # [B, T, EMB] gather
    pos_idx = jnp.arange(BLOCK)[:Tv]
    pos_embd = jnp.take(position_embedding_table, pos_idx, axis=0)  # [T, EMB]
    return tok_embd + pos_embd[None, :, :]

if __name__ == "__main__":
    import jax
    _d = setup_inputs()
    print(jax.jit(kernel)(*tuple(_d.values())))

</pallas_src>

<mosaic_0001>
#map = affine_map<(d0, d1) -> (0, 0)>
#map1 = affine_map<(d0, d1) -> (0, 0, 0)>
module attributes {stable_mosaic.version = 14 : i64} {
  func.func @_embed_body(%arg0: i32, %arg1: i32, %arg2: memref<64x100000xf32, #tpu.memory_space<hbm>>, %arg3: memref<64x2048xi32, #tpu.memory_space<hbm>>, %arg4: memref<64x2048xf32, #tpu.memory_space<hbm>>, %arg5: memref<64x64x2048xf32, #tpu.memory_space<hbm>>, %arg6: memref<100000xf32, #tpu.memory_space<vmem>>, %arg7: memref<4x2048xi32, #tpu.memory_space<vmem>>, %arg8: memref<4x2048xi32, #tpu.memory_space<vmem>>, %arg9: memref<2048xf32, #tpu.memory_space<vmem>>, %arg10: memref<2x2048xf32, #tpu.memory_space<vmem>>, %arg11: memref<2x2048xf32, #tpu.memory_space<vmem>>, %arg12: memref<!tpu.dma_semaphore, #tpu.memory_space<semaphore_mem>>, %arg13: memref<!tpu.dma_semaphore, #tpu.memory_space<semaphore_mem>>, %arg14: memref<!tpu.dma_semaphore, #tpu.memory_space<semaphore_mem>>) attributes {dimension_semantics = [#tpu.dimension_semantics<core_parallel>, #tpu.dimension_semantics<subcore_parallel>], iteration_bounds = array<i64: 2, 16>, scalar_prefetch = 0 : i64, scratch_operands = 9 : i64, tpu.core_type = #tpu.core_type<sc_vector_subcore>, window_params = [{transform_indices = #map}, {transform_indices = #map}, {transform_indices = #map}, {transform_indices = #map1}]} {
    %mul3A = arith.constant 2 : i32
    %mul3A_0 = arith.muli %arg1, %mul3A : i32
    %add3A = arith.addi %mul3A_0, %arg0 : i32
    %mul3A_1 = arith.constant 2 : i32
    %mul3A_2 = arith.muli %add3A, %mul3A_1 : i32
    %dma_start3A = arith.constant 0 : i32
    %dma_start3A_3 = tpu.memref_slice %arg2[%mul3A_2, %dma_start3A] : memref<64x100000xf32, #tpu.memory_space<hbm>> -> memref<1x100000xf32, #tpu.memory_space<hbm>>
    %dma_start3A_4 = tpu.memref_squeeze %dma_start3A_3 : memref<1x100000xf32, #tpu.memory_space<hbm>> -> memref<100000xf32, #tpu.memory_space<hbm>>
    %dma_start3A_5 = arith.constant 0 : i32
    %dma_start3A_6 = tpu.memref_slice %arg2[%mul3A_2, %dma_start3A_5] : memref<64x100000xf32, #tpu.memory_space<hbm>> -> memref<1x100000xf32, #tpu.memory_space<hbm>>
    %dma_start3A_7 = tpu.memref_squeeze %dma_start3A_6 : memref<1x100000xf32, #tpu.memory_space<hbm>> -> memref<100000xf32, #tpu.memory_space<hbm>>
    tpu.enqueue_dma source(%dma_start3A_7 : memref<100000xf32, #tpu.memory_space<hbm>>) target(%arg6 : memref<100000xf32, #tpu.memory_space<vmem>>) target_semaphore(%arg12 : memref<!tpu.dma_semaphore, #tpu.memory_space<semaphore_mem>>)
    %dma_start3A_8 = arith.constant 0 : i32
    %dma_start3A_9 = tpu.memref_slice %arg4[%mul3A_2, %dma_start3A_8] : memref<64x2048xf32, #tpu.memory_space<hbm>> -> memref<1x2048xf32, #tpu.memory_space<hbm>>
    %dma_start3A_10 = tpu.memref_squeeze %dma_start3A_9 : memref<1x2048xf32, #tpu.memory_space<hbm>> -> memref<2048xf32, #tpu.memory_space<hbm>>
    %dma_start3A_11 = arith.constant 0 : i32
    %dma_start3A_12 = tpu.memref_slice %arg4[%mul3A_2, %dma_start3A_11] : memref<64x2048xf32, #tpu.memory_space<hbm>> -> memref<1x2048xf32, #tpu.memory_space<hbm>>
    %dma_start3A_13 = tpu.memref_squeeze %dma_start3A_12 : memref<1x2048xf32, #tpu.memory_space<hbm>> -> memref<2048xf32, #tpu.memory_space<hbm>>
    tpu.enqueue_dma source(%dma_start3A_13 : memref<2048xf32, #tpu.memory_space<hbm>>) target(%arg9 : memref<2048xf32, #tpu.memory_space<vmem>>) target_semaphore(%arg12 : memref<!tpu.dma_semaphore, #tpu.memory_space<semaphore_mem>>)
    %dma_start3A_14 = arith.constant 0 : i32
    %dma_start3A_15 = arith.constant 0 : i32
    %dma_start3A_16 = tpu.memref_slice %arg3[%dma_start3A_14, %dma_start3A_15] : memref<64x2048xi32, #tpu.memory_space<hbm>> -> memref<4x2048xi32, #tpu.memory_space<hbm>>
    %dma_start3A_17 = arith.constant 0 : i32
    %dma_start3A_18 = arith.constant 0 : i32
    %dma_start3A_19 = tpu.memref_slice %arg3[%dma_start3A_17, %dma_start3A_18] : memref<64x2048xi32, #tpu.memory_space<hbm>> -> memref<4x2048xi32, #tpu.memory_space<hbm>>
    tpu.enqueue_dma source(%dma_start3A_19 : memref<4x2048xi32, #tpu.memory_space<hbm>>) target(%arg7 : memref<4x2048xi32, #tpu.memory_space<vmem>>) target_semaphore(%arg13 : memref<!tpu.dma_semaphore, #tpu.memory_space<semaphore_mem>>)
    %mul3A_20 = arith.constant 2 : i32
    %mul3A_21 = arith.muli %add3A, %mul3A_20 : i32
    %add3A_22 = arith.constant 0 : i32
    %add3A_23 = arith.addi %mul3A_21, %add3A_22 : i32
    %dma_wait3A = arith.constant 0 : i32
    %dma_wait3A_24 = tpu.memref_slice %arg2[%add3A_23, %dma_wait3A] : memref<64x100000xf32, #tpu.memory_space<hbm>> -> memref<1x100000xf32, #tpu.memory_space<hbm>>
    %dma_wait3A_25 = tpu.memref_squeeze %dma_wait3A_24 : memref<1x100000xf32, #tpu.memory_space<hbm>> -> memref<100000xf32, #tpu.memory_space<hbm>>
    %dma_wait3A_26 = arith.constant 0 : i32
    %dma_wait3A_27 = tpu.memref_slice %arg2[%add3A_23, %dma_wait3A_26] : memref<64x100000xf32, #tpu.memory_space<hbm>> -> memref<1x100000xf32, #tpu.memory_space<hbm>>
    %dma_wait3A_28 = tpu.memref_squeeze %dma_wait3A_27 : memref<1x100000xf32, #tpu.memory_space<hbm>> -> memref<100000xf32, #tpu.memory_space<hbm>>
    tpu.wait_dma2 semaphore(%arg12 : memref<!tpu.dma_semaphore, #tpu.memory_space<semaphore_mem>>) src(%dma_wait3A_28 : memref<100000xf32, #tpu.memory_space<hbm>>) dst(%arg6 : memref<100000xf32, #tpu.memory_space<vmem>>)
    %dma_wait3A_29 = arith.constant 0 : i32
    %dma_wait3A_30 = tpu.memref_slice %arg4[%add3A_23, %dma_wait3A_29] : memref<64x2048xf32, #tpu.memory_space<hbm>> -> memref<1x2048xf32, #tpu.memory_space<hbm>>
    %dma_wait3A_31 = tpu.memref_squeeze %dma_wait3A_30 : memref<1x2048xf32, #tpu.memory_space<hbm>> -> memref<2048xf32, #tpu.memory_space<hbm>>
    %dma_wait3A_32 = arith.constant 0 : i32
    %dma_wait3A_33 = tpu.memref_slice %arg4[%add3A_23, %dma_wait3A_32] : memref<64x2048xf32, #tpu.memory_space<hbm>> -> memref<1x2048xf32, #tpu.memory_space<hbm>>
    %dma_wait3A_34 = tpu.memref_squeeze %dma_wait3A_33 : memref<1x2048xf32, #tpu.memory_space<hbm>> -> memref<2048xf32, #tpu.memory_space<hbm>>
    tpu.wait_dma2 semaphore(%arg12 : memref<!tpu.dma_semaphore, #tpu.memory_space<semaphore_mem>>) src(%dma_wait3A_34 : memref<2048xf32, #tpu.memory_space<hbm>>) dst(%arg9 : memref<2048xf32, #tpu.memory_space<vmem>>)
    %scan3A = arith.constant 0 : i32
    %scan3A_35 = arith.constant 0 : i32
    %scan3A_36 = arith.constant 8 : i32
    %scan3A_37 = arith.addi %scan3A_35, %scan3A_36 : i32
    %scan3A_38 = arith.constant 1 : i32
    %scan3A_39 = scf.for %scan3A_112 = %scan3A_35 to %scan3A_37 step %scan3A_38 iter_args(%scan3A_113 = %scan3A) -> (i32)  : i32 {
      %mul3A_114 = arith.constant 2 : i32
      %mul3A_115 = arith.muli %mul3A_114, %scan3A_112 : i32
      %add3A_116 = arith.constant 0 : i32
      %add3A_117 = arith.addi %mul3A_115, %add3A_116 : i32
      %mul3A_118 = arith.constant 4 : i32
      %mul3A_119 = arith.muli %add3A_117, %mul3A_118 : i32
      %lt3A = arith.constant 15 : i32
      %lt3A_120 = arith.cmpi slt, %add3A_117, %lt3A : i32
      %or3A = arith.constant true
      %or3A_121 = arith.ori %lt3A_120, %or3A : i1
      %convert_element_type3A = arith.extui %or3A_121 : i1 to i32
      %cond3A = arith.constant 0 : i32
      %cond3A_122 = arith.cmpi ne, %convert_element_type3A, %cond3A : i32
      scf.if %cond3A_122 {
        %add3A_219 = arith.constant 4 : i32
        %add3A_220 = arith.addi %mul3A_119, %add3A_219 : i32
        %rem3A = arith.constant 64 : i32
        %rem3A_221 = arith.remsi %add3A_220, %rem3A : i32
        %dma_start3A_222 = arith.constant 0 : i32
        %dma_start3A_223 = tpu.memref_slice %arg3[%rem3A_221, %dma_start3A_222] : memref<64x2048xi32, #tpu.memory_space<hbm>> -> memref<4x2048xi32, #tpu.memory_space<hbm>>
        %dma_start3A_224 = arith.constant 0 : i32
        %dma_start3A_225 = tpu.memref_slice %arg3[%rem3A_221, %dma_start3A_224] : memref<64x2048xi32, #tpu.memory_space<hbm>> -> memref<4x2048xi32, #tpu.memory_space<hbm>>
        tpu.enqueue_dma source(%dma_start3A_225 : memref<4x2048xi32, #tpu.memory_space<hbm>>) target(%arg8 : memref<4x2048xi32, #tpu.memory_space<vmem>>) target_semaphore(%arg13 : memref<!tpu.dma_semaphore, #tpu.memory_space<semaphore_mem>>)
      } else {
      }
      %dma_wait3A_123 = arith.constant 0 : i32
      %dma_wait3A_124 = tpu.memref_slice %arg3[%mul3A_119, %dma_wait3A_123] : memref<64x2048xi32, #tpu.memory_space<hbm>> -> memref<4x2048xi32, #tpu.memory_space<hbm>>
      %dma_wait3A_125 = arith.constant 0 : i32
      %dma_wait3A_126 = tpu.memref_slice %arg3[%mul3A_119, %dma_wait3A_125] : memref<64x2048xi32, #tpu.memory_space<hbm>> -> memref<4x2048xi32, #tpu.memory_space<hbm>>
      tpu.wait_dma2 semaphore(%arg13 : memref<!tpu.dma_semaphore, #tpu.memory_space<semaphore_mem>>) src(%dma_wait3A_126 : memref<4x2048xi32, #tpu.memory_space<hbm>>) dst(%arg7 : memref<4x2048xi32, #tpu.memory_space<vmem>>)
      %add3A_127 = arith.constant 0 : i32
      %add3A_128 = arith.addi %mul3A_119, %add3A_127 : i32
      %ge3A = arith.constant 1 : i32
      %ge3A_129 = arith.cmpi sge, %add3A_117, %ge3A : i32
      %convert_element_type3A_130 = arith.extui %ge3A_129 : i1 to i32
      %cond3A_131 = arith.constant 0 : i32
      %cond3A_132 = arith.cmpi ne, %convert_element_type3A_130, %cond3A_131 : i32
      scf.if %cond3A_132 {
        %sub3A = arith.constant 4 : i32
        %sub3A_219 = arith.subi %add3A_128, %sub3A : i32
        %dma_wait3A_220 = arith.constant 0 : i32
        %dma_wait3A_221 = tpu.memref_slice %arg5[%sub3A_219, %add3A_23, %dma_wait3A_220] : memref<64x64x2048xf32, #tpu.memory_space<hbm>> -> memref<2x1x2048xf32, #tpu.memory_space<hbm>>
        %dma_wait3A_222 = tpu.memref_squeeze %dma_wait3A_221 : memref<2x1x2048xf32, #tpu.memory_space<hbm>> -> memref<2x2048xf32, #tpu.memory_space<hbm>>
        %dma_wait3A_223 = arith.constant 0 : i32
        %dma_wait3A_224 = tpu.memref_slice %arg5[%sub3A_219, %add3A_23, %dma_wait3A_223] : memref<64x64x2048xf32, #tpu.memory_space<hbm>> -> memref<2x1x2048xf32, #tpu.memory_space<hbm>>
        %dma_wait3A_225 = tpu.memref_squeeze %dma_wait3A_224 : memref<2x1x2048xf32, #tpu.memory_space<hbm>> -> memref<2x2048xf32, #tpu.memory_space<hbm>>
        tpu.wait_dma2 semaphore(%arg14 : memref<!tpu.dma_semaphore, #tpu.memory_space<semaphore_mem>>) src(%arg10 : memref<2x2048xf32, #tpu.memory_space<vmem>>) dst(%dma_wait3A_225 : memref<2x2048xf32, #tpu.memory_space<hbm>>)
      } else {
      }
      %parallel_loop3A = arith.constant 0 : i32
      %parallel_loop3A_133 = arith.constant 128 : i32
      %parallel_loop3A_134 = arith.constant 1 : i32
      scf.for %parallel_loop3A_219 = %parallel_loop3A to %parallel_loop3A_133 step %parallel_loop3A_134  : i32 {
        %parallel_loop3A_220 = arith.constant 16 : i32
        %parallel_loop3A_221 = arith.muli %parallel_loop3A_219, %parallel_loop3A_220 : i32
        %parallel_loop3A_222 = arith.constant 0 : i32
        %parallel_loop3A_223 = arith.index_cast %parallel_loop3A_222 : i32 to index
        %parallel_loop3A_224 = arith.index_cast %parallel_loop3A_221 : i32 to index
        %parallel_loop3A_225 = tpu.vector_load %arg7[%parallel_loop3A_223, %parallel_loop3A_224] {strides = array<i32>} : memref<4x2048xi32, #tpu.memory_space<vmem>>, vector<16xi32>,
        %parallel_loop3A_226 = tpu.vector_load_idx %arg6[%parallel_loop3A_225] : memref<100000xf32, #tpu.memory_space<vmem>>[vector<16xi32>], vector<16xf32>,
        %parallel_loop3A_227 = arith.index_cast %parallel_loop3A_221 : i32 to index
        %parallel_loop3A_228 = tpu.vector_load %arg9[%parallel_loop3A_227] {strides = array<i32>} : memref<2048xf32, #tpu.memory_space<vmem>>, vector<16xf32>,
        %parallel_loop3A_229 = arith.addf %parallel_loop3A_226, %parallel_loop3A_228 : vector<16xf32>
        %parallel_loop3A_230 = arith.constant 0 : i32
        %parallel_loop3A_231 = arith.index_cast %parallel_loop3A_230 : i32 to index
        %parallel_loop3A_232 = arith.index_cast %parallel_loop3A_221 : i32 to index
        %parallel_loop3A_233 = tpu.vector_load %arg10[%parallel_loop3A_231, %parallel_loop3A_232] {strides = array<i32>} : memref<2x2048xf32, #tpu.memory_space<vmem>>, vector<16xf32>,
        tpu.vector_store %arg10[%parallel_loop3A_231, %parallel_loop3A_232], %parallel_loop3A_229 {strides = array<i32>} : memref<2x2048xf32, #tpu.memory_space<vmem>>, vector<16xf32>,
      } {sc.loop_unroll_factor = 8 : i64, sc.parallel_access}
      %parallel_loop3A_135 = arith.constant 0 : i32
      %parallel_loop3A_136 = arith.constant 128 : i32
      %parallel_loop3A_137 = arith.constant 1 : i32
      scf.for %parallel_loop3A_219 = %parallel_loop3A_135 to %parallel_loop3A_136 step %parallel_loop3A_137  : i32 {
        %parallel_loop3A_220 = arith.constant 16 : i32
        %parallel_loop3A_221 = arith.muli %parallel_loop3A_219, %parallel_loop3A_220 : i32
        %parallel_loop3A_222 = arith.constant 1 : i32
        %parallel_loop3A_223 = arith.index_cast %parallel_loop3A_222 : i32 to index
        %parallel_loop3A_224 = arith.index_cast %parallel_loop3A_221 : i32 to index
        %parallel_loop3A_225 = tpu.vector_load %arg7[%parallel_loop3A_223, %parallel_loop3A_224] {strides = array<i32>} : memref<4x2048xi32, #tpu.memory_space<vmem>>, vector<16xi32>,
        %parallel_loop3A_226 = tpu.vector_load_idx %arg6[%parallel_loop3A_225] : memref<100000xf32, #tpu.memory_space<vmem>>[vector<16xi32>], vector<16xf32>,
        %parallel_loop3A_227 = arith.index_cast %parallel_loop3A_221 : i32 to index
        %parallel_loop3A_228 = tpu.vector_load %arg9[%parallel_loop3A_227] {strides = array<i32>} : memref<2048xf32, #tpu.memory_space<vmem>>, vector<16xf32>,
        %parallel_loop3A_229 = arith.addf %parallel_loop3A_226, %parallel_loop3A_228 : vector<16xf32>
        %parallel_loop3A_230 = arith.constant 1 : i32
        %parallel_loop3A_231 = arith.index_cast %parallel_loop3A_230 : i32 to index
        %parallel_loop3A_232 = arith.index_cast %parallel_loop3A_221 : i32 to index
        %parallel_loop3A_233 = tpu.vector_load %arg10[%parallel_loop3A_231, %parallel_loop3A_232] {strides = array<i32>} : memref<2x2048xf32, #tpu.memory_space<vmem>>, vector<16xf32>,
        tpu.vector_store %arg10[%parallel_loop3A_231, %parallel_loop3A_232], %parallel_loop3A_229 {strides = array<i32>} : memref<2x2048xf32, #tpu.memory_space<vmem>>, vector<16xf32>,
      } {sc.loop_unroll_factor = 8 : i64, sc.parallel_access}
      %dma_start3A_138 = arith.constant 0 : i32
      %dma_start3A_139 = tpu.memref_slice %arg5[%add3A_128, %add3A_23, %dma_start3A_138] : memref<64x64x2048xf32, #tpu.memory_space<hbm>> -> memref<2x1x2048xf32, #tpu.memory_space<hbm>>
      %dma_start3A_140 = tpu.memref_squeeze %dma_start3A_139 : memref<2x1x2048xf32, #tpu.memory_space<hbm>> -> memref<2x2048xf32, #tpu.memory_space<hbm>>
      %dma_start3A_141 = arith.constant 0 : i32
      %dma_start3A_142 = tpu.memref_slice %arg5[%add3A_128, %add3A_23, %dma_start3A_141] : memref<64x64x2048xf32, #tpu.memory_space<hbm>> -> memref<2x1x2048xf32, #tpu.memory_space<hbm>>
      %dma_start3A_143 = tpu.memref_squeeze %dma_start3A_142 : memref<2x1x2048xf32, #tpu.memory_space<hbm>> -> memref<2x2048xf32, #tpu.memory_space<hbm>>
      tpu.enqueue_dma source(%arg10 : memref<2x2048xf32, #tpu.memory_space<vmem>>) target(%dma_start3A_143 : memref<2x2048xf32, #tpu.memory_space<hbm>>) target_semaphore(%arg14 : memref<!tpu.dma_semaphore, #tpu.memory_space<semaphore_mem>>)
      %add3A_144 = arith.constant 2 : i32
      %add3A_145 = arith.addi %mul3A_119, %add3A_144 : i32
      %ge3A_146 = arith.constant 1 : i32
      %ge3A_147 = arith.cmpi sge, %add3A_117, %ge3A_146 : i32
      %convert_element_type3A_148 = arith.extui %ge3A_147 : i1 to i32
      %cond3A_149 = arith.constant 0 : i32
      %cond3A_150 = arith.cmpi ne, %convert_element_type3A_148, %cond3A_149 : i32
      scf.if %cond3A_150 {
        %sub3A = arith.constant 4 : i32
        %sub3A_219 = arith.subi %add3A_145, %sub3A : i32
        %dma_wait3A_220 = arith.constant 0 : i32
        %dma_wait3A_221 = tpu.memref_slice %arg5[%sub3A_219, %add3A_23, %dma_wait3A_220] : memref<64x64x2048xf32, #tpu.memory_space<hbm>> -> memref<2x1x2048xf32, #tpu.memory_space<hbm>>
        %dma_wait3A_222 = tpu.memref_squeeze %dma_wait3A_221 : memref<2x1x2048xf32, #tpu.memory_space<hbm>> -> memref<2x2048xf32, #tpu.memory_space<hbm>>
        %dma_wait3A_223 = arith.constant 0 : i32
        %dma_wait3A_224 = tpu.memref_slice %arg5[%sub3A_219, %add3A_23, %dma_wait3A_223] : memref<64x64x2048xf32, #tpu.memory_space<hbm>> -> memref<2x1x2048xf32, #tpu.memory_space<hbm>>
        %dma_wait3A_225 = tpu.memref_squeeze %dma_wait3A_224 : memref<2x1x2048xf32, #tpu.memory_space<hbm>> -> memref<2x2048xf32, #tpu.memory_space<hbm>>
        tpu.wait_dma2 semaphore(%arg14 : memref<!tpu.dma_semaphore, #tpu.memory_space<semaphore_mem>>) src(%arg11 : memref<2x2048xf32, #tpu.memory_space<vmem>>) dst(%dma_wait3A_225 : memref<2x2048xf32, #tpu.memory_space<hbm>>)
      } else {
      }
      %parallel_loop3A_151 = arith.constant 0 : i32
      %parallel_loop3A_152 = arith.constant 128 : i32
      %parallel_loop3A_153 = arith.constant 1 : i32
      scf.for %parallel_loop3A_219 = %parallel_loop3A_151 to %parallel_loop3A_152 step %parallel_loop3A_153  : i32 {
        %parallel_loop3A_220 = arith.constant 16 : i32
        %parallel_loop3A_221 = arith.muli %parallel_loop3A_219, %parallel_loop3A_220 : i32
        %parallel_loop3A_222 = arith.constant 2 : i32
        %parallel_loop3A_223 = arith.index_cast %parallel_loop3A_222 : i32 to index
        %parallel_loop3A_224 = arith.index_cast %parallel_loop3A_221 : i32 to index
        %parallel_loop3A_225 = tpu.vector_load %arg7[%parallel_loop3A_223, %parallel_loop3A_224] {strides = array<i32>} : memref<4x2048xi32, #tpu.memory_space<vmem>>, vector<16xi32>,
        %parallel_loop3A_226 = tpu.vector_load_idx %arg6[%parallel_loop3A_225] : memref<100000xf32, #tpu.memory_space<vmem>>[vector<16xi32>], vector<16xf32>,
        %parallel_loop3A_227 = arith.index_cast %parallel_loop3A_221 : i32 to index
        %parallel_loop3A_228 = tpu.vector_load %arg9[%parallel_loop3A_227] {strides = array<i32>} : memref<2048xf32, #tpu.memory_space<vmem>>, vector<16xf32>,
        %parallel_loop3A_229 = arith.addf %parallel_loop3A_226, %parallel_loop3A_228 : vector<16xf32>
        %parallel_loop3A_230 = arith.constant 0 : i32
        %parallel_loop3A_231 = arith.index_cast %parallel_loop3A_230 : i32 to index
        %parallel_loop3A_232 = arith.index_cast %parallel_loop3A_221 : i32 to index
        %parallel_loop3A_233 = tpu.vector_load %arg11[%parallel_loop3A_231, %parallel_loop3A_232] {strides = array<i32>} : memref<2x2048xf32, #tpu.memory_space<vmem>>, vector<16xf32>,
        tpu.vector_store %arg11[%parallel_loop3A_231, %parallel_loop3A_232], %parallel_loop3A_229 {strides = array<i32>} : memref<2x2048xf32, #tpu.memory_space<vmem>>, vector<16xf32>,
      } {sc.loop_unroll_factor = 8 : i64, sc.parallel_access}
      %parallel_loop3A_154 = arith.constant 0 : i32
      %parallel_loop3A_155 = arith.constant 128 : i32
      %parallel_loop3A_156 = arith.constant 1 : i32
      scf.for %parallel_loop3A_219 = %parallel_loop3A_154 to %parallel_loop3A_155 step %parallel_loop3A_156  : i32 {
        %parallel_loop3A_220 = arith.constant 16 : i32
        %parallel_loop3A_221 = arith.muli %parallel_loop3A_219, %parallel_loop3A_220 : i32
        %parallel_loop3A_222 = arith.constant 3 : i32
        %parallel_loop3A_223 = arith.index_cast %parallel_loop3A_222 : i32 to index
        %parallel_loop3A_224 = arith.index_cast %parallel_loop3A_221 : i32 to index
        %parallel_loop3A_225 = tpu.vector_load %arg7[%parallel_loop3A_223, %parallel_loop3A_224] {strides = array<i32>} : memref<4x2048xi32, #tpu.memory_space<vmem>>, vector<16xi32>,
        %parallel_loop3A_226 = tpu.vector_load_idx %arg6[%parallel_loop3A_225] : memref<100000xf32, #tpu.memory_space<vmem>>[vector<16xi32>], vector<16xf32>,
        %parallel_loop3A_227 = arith.index_cast %parallel_loop3A_221 : i32 to index
        %parallel_loop3A_228 = tpu.vector_load %arg9[%parallel_loop3A_227] {strides = array<i32>} : memref<2048xf32, #tpu.memory_space<vmem>>, vector<16xf32>,
        %parallel_loop3A_229 = arith.addf %parallel_loop3A_226, %parallel_loop3A_228 : vector<16xf32>
        %parallel_loop3A_230 = arith.constant 1 : i32
        %parallel_loop3A_231 = arith.index_cast %parallel_loop3A_230 : i32 to index
        %parallel_loop3A_232 = arith.index_cast %parallel_loop3A_221 : i32 to index
        %parallel_loop3A_233 = tpu.vector_load %arg11[%parallel_loop3A_231, %parallel_loop3A_232] {strides = array<i32>} : memref<2x2048xf32, #tpu.memory_space<vmem>>, vector<16xf32>,
        tpu.vector_store %arg11[%parallel_loop3A_231, %parallel_loop3A_232], %parallel_loop3A_229 {strides = array<i32>} : memref<2x2048xf32, #tpu.memory_space<vmem>>, vector<16xf32>,
      } {sc.loop_unroll_factor = 8 : i64, sc.parallel_access}
      %dma_start3A_157 = arith.constant 0 : i32
      %dma_start3A_158 = tpu.memref_slice %arg5[%add3A_145, %add3A_23, %dma_start3A_157] : memref<64x64x2048xf32, #tpu.memory_space<hbm>> -> memref<2x1x2048xf32, #tpu.memory_space<hbm>>
      %dma_start3A_159 = tpu.memref_squeeze %dma_start3A_158 : memref<2x1x2048xf32, #tpu.memory_space<hbm>> -> memref<2x2048xf32, #tpu.memory_space<hbm>>
      %dma_start3A_160 = arith.constant 0 : i32
      %dma_start3A_161 = tpu.memref_slice %arg5[%add3A_145, %add3A_23, %dma_start3A_160] : memref<64x64x2048xf32, #tpu.memory_space<hbm>> -> memref<2x1x2048xf32, #tpu.memory_space<hbm>>
      %dma_start3A_162 = tpu.memref_squeeze %dma_start3A_161 : memref<2x1x2048xf32, #tpu.memory_space<hbm>> -> memref<2x2048xf32, #tpu.memory_space<hbm>>
      tpu.enqueue_dma source(%arg11 : memref<2x2048xf32, #tpu.memory_space<vmem>>) target(%dma_start3A_162 : memref<2x2048xf32, #tpu.memory_space<hbm>>) target_semaphore(%arg14 : memref<!tpu.dma_semaphore, #tpu.memory_space<semaphore_mem>>)
      %mul3A_163 = arith.constant 2 : i32
      %mul3A_164 = arith.muli %mul3A_163, %scan3A_112 : i32
      %add3A_165 = arith.constant 1 : i32
      %add3A_166 = arith.addi %mul3A_164, %add3A_165 : i32
      %mul3A_167 = arith.constant 4 : i32
      %mul3A_168 = arith.muli %add3A_166, %mul3A_167 : i32
      %lt3A_169 = arith.constant 15 : i32
      %lt3A_170 = arith.cmpi slt, %add3A_166, %lt3A_169 : i32
      %or3A_171 = arith.constant true
      %or3A_172 = arith.ori %lt3A_170, %or3A_171 : i1
      %convert_element_type3A_173 = arith.extui %or3A_172 : i1 to i32
      %cond3A_174 = arith.constant 0 : i32
      %cond3A_175 = arith.cmpi ne, %convert_element_type3A_173, %cond3A_174 : i32
      scf.if %cond3A_175 {
        %add3A_219 = arith.constant 4 : i32
        %add3A_220 = arith.addi %mul3A_168, %add3A_219 : i32
        %rem3A = arith.constant 64 : i32
        %rem3A_221 = arith.remsi %add3A_220, %rem3A : i32
        %dma_start3A_222 = arith.constant 0 : i32
        %dma_start3A_223 = tpu.memref_slice %arg3[%rem3A_221, %dma_start3A_222] : memref<64x2048xi32, #tpu.memory_space<hbm>> -> memref<4x2048xi32, #tpu.memory_space<hbm>>
        %dma_start3A_224 = arith.constant 0 : i32
        %dma_start3A_225 = tpu.memref_slice %arg3[%rem3A_221, %dma_start3A_224] : memref<64x2048xi32, #tpu.memory_space<hbm>> -> memref<4x2048xi32, #tpu.memory_space<hbm>>
        tpu.enqueue_dma source(%dma_start3A_225 : memref<4x2048xi32, #tpu.memory_space<hbm>>) target(%arg7 : memref<4x2048xi32, #tpu.memory_space<vmem>>) target_semaphore(%arg13 : memref<!tpu.dma_semaphore, #tpu.memory_space<semaphore_mem>>)
      } else {
      }
      %dma_wait3A_176 = arith.constant 0 : i32
      %dma_wait3A_177 = tpu.memref_slice %arg3[%mul3A_168, %dma_wait3A_176] : memref<64x2048xi32, #tpu.memory_space<hbm>> -> memref<4x2048xi32, #tpu.memory_space<hbm>>
      %dma_wait3A_178 = arith.constant 0 : i32
      %dma_wait3A_179 = tpu.memref_slice %arg3[%mul3A_168, %dma_wait3A_178] : memref<64x2048xi32, #tpu.memory_space<hbm>> -> memref<4x2048xi32, #tpu.memory_space<hbm>>
      tpu.wait_dma2 semaphore(%arg13 : memref<!tpu.dma_semaphore, #tpu.memory_space<semaphore_mem>>) src(%dma_wait3A_179 : memref<4x2048xi32, #tpu.memory_space<hbm>>) dst(%arg8 : memref<4x2048xi32, #tpu.memory_space<vmem>>)
      %add3A_180 = arith.constant 0 : i32
      %add3A_181 = arith.addi %mul3A_168, %add3A_180 : i32
      %ge3A_182 = arith.constant 1 : i32
      %ge3A_183 = arith.cmpi sge, %add3A_166, %ge3A_182 : i32
      %convert_element_type3A_184 = arith.extui %ge3A_183 : i1 to i32
      %cond3A_185 = arith.constant 0 : i32
      %cond3A_186 = arith.cmpi ne, %convert_element_type3A_184, %cond3A_185 : i32
      scf.if %cond3A_186 {
        %sub3A = arith.constant 4 : i32
        %sub3A_219 = arith.subi %add3A_181, %sub3A : i32
        %dma_wait3A_220 = arith.constant 0 : i32
        %dma_wait3A_221 = tpu.memref_slice %arg5[%sub3A_219, %add3A_23, %dma_wait3A_220] : memref<64x64x2048xf32, #tpu.memory_space<hbm>> -> memref<2x1x2048xf32, #tpu.memory_space<hbm>>
        %dma_wait3A_222 = tpu.memref_squeeze %dma_wait3A_221 : memref<2x1x2048xf32, #tpu.memory_space<hbm>> -> memref<2x2048xf32, #tpu.memory_space<hbm>>
        %dma_wait3A_223 = arith.constant 0 : i32
        %dma_wait3A_224 = tpu.memref_slice %arg5[%sub3A_219, %add3A_23, %dma_wait3A_223] : memref<64x64x2048xf32, #tpu.memory_space<hbm>> -> memref<2x1x2048xf32, #tpu.memory_space<hbm>>
        %dma_wait3A_225 = tpu.memref_squeeze %dma_wait3A_224 : memref<2x1x2048xf32, #tpu.memory_space<hbm>> -> memref<2x2048xf32, #tpu.memory_space<hbm>>
        tpu.wait_dma2 semaphore(%arg14 : memref<!tpu.dma_semaphore, #tpu.memory_space<semaphore_mem>>) src(%arg10 : memref<2x2048xf32, #tpu.memory_space<vmem>>) dst(%dma_wait3A_225 : memref<2x2048xf32, #tpu.memory_space<hbm>>)
      } else {
      }
      %parallel_loop3A_187 = arith.constant 0 : i32
      %parallel_loop3A_188 = arith.constant 128 : i32
      %parallel_loop3A_189 = arith.constant 1 : i32
      scf.for %parallel_loop3A_219 = %parallel_loop3A_187 to %parallel_loop3A_188 step %parallel_loop3A_189  : i32 {
        %parallel_loop3A_220 = arith.constant 16 : i32
        %parallel_loop3A_221 = arith.muli %parallel_loop3A_219, %parallel_loop3A_220 : i32
        %parallel_loop3A_222 = arith.constant 0 : i32
        %parallel_loop3A_223 = arith.index_cast %parallel_loop3A_222 : i32 to index
        %parallel_loop3A_224 = arith.index_cast %parallel_loop3A_221 : i32 to index
        %parallel_loop3A_225 = tpu.vector_load %arg8[%parallel_loop3A_223, %parallel_loop3A_224] {strides = array<i32>} : memref<4x2048xi32, #tpu.memory_space<vmem>>, vector<16xi32>,
        %parallel_loop3A_226 = tpu.vector_load_idx %arg6[%parallel_loop3A_225] : memref<100000xf32, #tpu.memory_space<vmem>>[vector<16xi32>], vector<16xf32>,
        %parallel_loop3A_227 = arith.index_cast %parallel_loop3A_221 : i32 to index
        %parallel_loop3A_228 = tpu.vector_load %arg9[%parallel_loop3A_227] {strides = array<i32>} : memref<2048xf32, #tpu.memory_space<vmem>>, vector<16xf32>,
        %parallel_loop3A_229 = arith.addf %parallel_loop3A_226, %parallel_loop3A_228 : vector<16xf32>
        %parallel_loop3A_230 = arith.constant 0 : i32
        %parallel_loop3A_231 = arith.index_cast %parallel_loop3A_230 : i32 to index
        %parallel_loop3A_232 = arith.index_cast %parallel_loop3A_221 : i32 to index
        %parallel_loop3A_233 = tpu.vector_load %arg10[%parallel_loop3A_231, %parallel_loop3A_232] {strides = array<i32>} : memref<2x2048xf32, #tpu.memory_space<vmem>>, vector<16xf32>,
        tpu.vector_store %arg10[%parallel_loop3A_231, %parallel_loop3A_232], %parallel_loop3A_229 {strides = array<i32>} : memref<2x2048xf32, #tpu.memory_space<vmem>>, vector<16xf32>,
      } {sc.loop_unroll_factor = 8 : i64, sc.parallel_access}
      %parallel_loop3A_190 = arith.constant 0 : i32
      %parallel_loop3A_191 = arith.constant 128 : i32
      %parallel_loop3A_192 = arith.constant 1 : i32
      scf.for %parallel_loop3A_219 = %parallel_loop3A_190 to %parallel_loop3A_191 step %parallel_loop3A_192  : i32 {
        %parallel_loop3A_220 = arith.constant 16 : i32
        %parallel_loop3A_221 = arith.muli %parallel_loop3A_219, %parallel_loop3A_220 : i32
        %parallel_loop3A_222 = arith.constant 1 : i32
        %parallel_loop3A_223 = arith.index_cast %parallel_loop3A_222 : i32 to index
        %parallel_loop3A_224 = arith.index_cast %parallel_loop3A_221 : i32 to index
        %parallel_loop3A_225 = tpu.vector_load %arg8[%parallel_loop3A_223, %parallel_loop3A_224] {strides = array<i32>} : memref<4x2048xi32, #tpu.memory_space<vmem>>, vector<16xi32>,
        %parallel_loop3A_226 = tpu.vector_load_idx %arg6[%parallel_loop3A_225] : memref<100000xf32, #tpu.memory_space<vmem>>[vector<16xi32>], vector<16xf32>,
        %parallel_loop3A_227 = arith.index_cast %parallel_loop3A_221 : i32 to index
        %parallel_loop3A_228 = tpu.vector_load %arg9[%parallel_loop3A_227] {strides = array<i32>} : memref<2048xf32, #tpu.memory_space<vmem>>, vector<16xf32>,
        %parallel_loop3A_229 = arith.addf %parallel_loop3A_226, %parallel_loop3A_228 : vector<16xf32>
        %parallel_loop3A_230 = arith.constant 1 : i32
        %parallel_loop3A_231 = arith.index_cast %parallel_loop3A_230 : i32 to index
        %parallel_loop3A_232 = arith.index_cast %parallel_loop3A_221 : i32 to index
        %parallel_loop3A_233 = tpu.vector_load %arg10[%parallel_loop3A_231, %parallel_loop3A_232] {strides = array<i32>} : memref<2x2048xf32, #tpu.memory_space<vmem>>, vector<16xf32>,
        tpu.vector_store %arg10[%parallel_loop3A_231, %parallel_loop3A_232], %parallel_loop3A_229 {strides = array<i32>} : memref<2x2048xf32, #tpu.memory_space<vmem>>, vector<16xf32>,
      } {sc.loop_unroll_factor = 8 : i64, sc.parallel_access}
      %dma_start3A_193 = arith.constant 0 : i32
      %dma_start3A_194 = tpu.memref_slice %arg5[%add3A_181, %add3A_23, %dma_start3A_193] : memref<64x64x2048xf32, #tpu.memory_space<hbm>> -> memref<2x1x2048xf32, #tpu.memory_space<hbm>>
      %dma_start3A_195 = tpu.memref_squeeze %dma_start3A_194 : memref<2x1x2048xf32, #tpu.memory_space<hbm>> -> memref<2x2048xf32, #tpu.memory_space<hbm>>
      %dma_start3A_196 = arith.constant 0 : i32
      %dma_start3A_197 = tpu.memref_slice %arg5[%add3A_181, %add3A_23, %dma_start3A_196] : memref<64x64x2048xf32, #tpu.memory_space<hbm>> -> memref<2x1x2048xf32, #tpu.memory_space<hbm>>
      %dma_start3A_198 = tpu.memref_squeeze %dma_start3A_197 : memref<2x1x2048xf32, #tpu.memory_space<hbm>> -> memref<2x2048xf32, #tpu.memory_space<hbm>>
      tpu.enqueue_dma source(%arg10 : memref<2x2048xf32, #tpu.memory_space<vmem>>) target(%dma_start3A_198 : memref<2x2048xf32, #tpu.memory_space<hbm>>) target_semaphore(%arg14 : memref<!tpu.dma_semaphore, #tpu.memory_space<semaphore_mem>>)
      %add3A_199 = arith.constant 2 : i32
      %add3A_200 = arith.addi %mul3A_168, %add3A_199 : i32
      %ge3A_201 = arith.constant 1 : i32
      %ge3A_202 = arith.cmpi sge, %add3A_166, %ge3A_201 : i32
      %convert_element_type3A_203 = arith.extui %ge3A_202 : i1 to i32
      %cond3A_204 = arith.constant 0 : i32
      %cond3A_205 = arith.cmpi ne, %convert_element_type3A_203, %cond3A_204 : i32
      scf.if %cond3A_205 {
        %sub3A = arith.constant 4 : i32
        %sub3A_219 = arith.subi %add3A_200, %sub3A : i32
        %dma_wait3A_220 = arith.constant 0 : i32
        %dma_wait3A_221 = tpu.memref_slice %arg5[%sub3A_219, %add3A_23, %dma_wait3A_220] : memref<64x64x2048xf32, #tpu.memory_space<hbm>> -> memref<2x1x2048xf32, #tpu.memory_space<hbm>>
        %dma_wait3A_222 = tpu.memref_squeeze %dma_wait3A_221 : memref<2x1x2048xf32, #tpu.memory_space<hbm>> -> memref<2x2048xf32, #tpu.memory_space<hbm>>
        %dma_wait3A_223 = arith.constant 0 : i32
        %dma_wait3A_224 = tpu.memref_slice %arg5[%sub3A_219, %add3A_23, %dma_wait3A_223] : memref<64x64x2048xf32, #tpu.memory_space<hbm>> -> memref<2x1x2048xf32, #tpu.memory_space<hbm>>
        %dma_wait3A_225 = tpu.memref_squeeze %dma_wait3A_224 : memref<2x1x2048xf32, #tpu.memory_space<hbm>> -> memref<2x2048xf32, #tpu.memory_space<hbm>>
        tpu.wait_dma2 semaphore(%arg14 : memref<!tpu.dma_semaphore, #tpu.memory_space<semaphore_mem>>) src(%arg11 : memref<2x2048xf32, #tpu.memory_space<vmem>>) dst(%dma_wait3A_225 : memref<2x2048xf32, #tpu.memory_space<hbm>>)
      } else {
      }
      %parallel_loop3A_206 = arith.constant 0 : i32
      %parallel_loop3A_207 = arith.constant 128 : i32
      %parallel_loop3A_208 = arith.constant 1 : i32
      scf.for %parallel_loop3A_219 = %parallel_loop3A_206 to %parallel_loop3A_207 step %parallel_loop3A_208  : i32 {
        %parallel_loop3A_220 = arith.constant 16 : i32
        %parallel_loop3A_221 = arith.muli %parallel_loop3A_219, %parallel_loop3A_220 : i32
        %parallel_loop3A_222 = arith.constant 2 : i32
        %parallel_loop3A_223 = arith.index_cast %parallel_loop3A_222 : i32 to index
        %parallel_loop3A_224 = arith.index_cast %parallel_loop3A_221 : i32 to index
        %parallel_loop3A_225 = tpu.vector_load %arg8[%parallel_loop3A_223, %parallel_loop3A_224] {strides = array<i32>} : memref<4x2048xi32, #tpu.memory_space<vmem>>, vector<16xi32>,
        %parallel_loop3A_226 = tpu.vector_load_idx %arg6[%parallel_loop3A_225] : memref<100000xf32, #tpu.memory_space<vmem>>[vector<16xi32>], vector<16xf32>,
        %parallel_loop3A_227 = arith.index_cast %parallel_loop3A_221 : i32 to index
        %parallel_loop3A_228 = tpu.vector_load %arg9[%parallel_loop3A_227] {strides = array<i32>} : memref<2048xf32, #tpu.memory_space<vmem>>, vector<16xf32>,
        %parallel_loop3A_229 = arith.addf %parallel_loop3A_226, %parallel_loop3A_228 : vector<16xf32>
        %parallel_loop3A_230 = arith.constant 0 : i32
        %parallel_loop3A_231 = arith.index_cast %parallel_loop3A_230 : i32 to index
        %parallel_loop3A_232 = arith.index_cast %parallel_loop3A_221 : i32 to index
        %parallel_loop3A_233 = tpu.vector_load %arg11[%parallel_loop3A_231, %parallel_loop3A_232] {strides = array<i32>} : memref<2x2048xf32, #tpu.memory_space<vmem>>, vector<16xf32>,
        tpu.vector_store %arg11[%parallel_loop3A_231, %parallel_loop3A_232], %parallel_loop3A_229 {strides = array<i32>} : memref<2x2048xf32, #tpu.memory_space<vmem>>, vector<16xf32>,
      } {sc.loop_unroll_factor = 8 : i64, sc.parallel_access}
      %parallel_loop3A_209 = arith.constant 0 : i32
      %parallel_loop3A_210 = arith.constant 128 : i32
      %parallel_loop3A_211 = arith.constant 1 : i32
      scf.for %parallel_loop3A_219 = %parallel_loop3A_209 to %parallel_loop3A_210 step %parallel_loop3A_211  : i32 {
        %parallel_loop3A_220 = arith.constant 16 : i32
        %parallel_loop3A_221 = arith.muli %parallel_loop3A_219, %parallel_loop3A_220 : i32
        %parallel_loop3A_222 = arith.constant 3 : i32
        %parallel_loop3A_223 = arith.index_cast %parallel_loop3A_222 : i32 to index
        %parallel_loop3A_224 = arith.index_cast %parallel_loop3A_221 : i32 to index
        %parallel_loop3A_225 = tpu.vector_load %arg8[%parallel_loop3A_223, %parallel_loop3A_224] {strides = array<i32>} : memref<4x2048xi32, #tpu.memory_space<vmem>>, vector<16xi32>,
        %parallel_loop3A_226 = tpu.vector_load_idx %arg6[%parallel_loop3A_225] : memref<100000xf32, #tpu.memory_space<vmem>>[vector<16xi32>], vector<16xf32>,
        %parallel_loop3A_227 = arith.index_cast %parallel_loop3A_221 : i32 to index
        %parallel_loop3A_228 = tpu.vector_load %arg9[%parallel_loop3A_227] {strides = array<i32>} : memref<2048xf32, #tpu.memory_space<vmem>>, vector<16xf32>,
        %parallel_loop3A_229 = arith.addf %parallel_loop3A_226, %parallel_loop3A_228 : vector<16xf32>
        %parallel_loop3A_230 = arith.constant 1 : i32
        %parallel_loop3A_231 = arith.index_cast %parallel_loop3A_230 : i32 to index
        %parallel_loop3A_232 = arith.index_cast %parallel_loop3A_221 : i32 to index
        %parallel_loop3A_233 = tpu.vector_load %arg11[%parallel_loop3A_231, %parallel_loop3A_232] {strides = array<i32>} : memref<2x2048xf32, #tpu.memory_space<vmem>>, vector<16xf32>,
        tpu.vector_store %arg11[%parallel_loop3A_231, %parallel_loop3A_232], %parallel_loop3A_229 {strides = array<i32>} : memref<2x2048xf32, #tpu.memory_space<vmem>>, vector<16xf32>,
      } {sc.loop_unroll_factor = 8 : i64, sc.parallel_access}
      %dma_start3A_212 = arith.constant 0 : i32
      %dma_start3A_213 = tpu.memref_slice %arg5[%add3A_200, %add3A_23, %dma_start3A_212] : memref<64x64x2048xf32, #tpu.memory_space<hbm>> -> memref<2x1x2048xf32, #tpu.memory_space<hbm>>
      %dma_start3A_214 = tpu.memref_squeeze %dma_start3A_213 : memref<2x1x2048xf32, #tpu.memory_space<hbm>> -> memref<2x2048xf32, #tpu.memory_space<hbm>>
      %dma_start3A_215 = arith.constant 0 : i32
      %dma_start3A_216 = tpu.memref_slice %arg5[%add3A_200, %add3A_23, %dma_start3A_215] : memref<64x64x2048xf32, #tpu.memory_space<hbm>> -> memref<2x1x2048xf32, #tpu.memory_space<hbm>>
      %dma_start3A_217 = tpu.memref_squeeze %dma_start3A_216 : memref<2x1x2048xf32, #tpu.memory_space<hbm>> -> memref<2x2048xf32, #tpu.memory_space<hbm>>
      tpu.enqueue_dma source(%arg11 : memref<2x2048xf32, #tpu.memory_space<vmem>>) target(%dma_start3A_217 : memref<2x2048xf32, #tpu.memory_space<hbm>>) target_semaphore(%arg14 : memref<!tpu.dma_semaphore, #tpu.memory_space<semaphore_mem>>)
      %scan3A_218 = arith.constant 0 : i32
      scf.yield %scan3A_218 : i32
    }
    %scan3A_40 = arith.constant 8 : i32
    %add3A_41 = arith.constant 1 : i32
    %add3A_42 = arith.addi %add3A_23, %add3A_41 : i32
    %dma_start3A_43 = arith.constant 0 : i32
    %dma_start3A_44 = tpu.memref_slice %arg2[%add3A_42, %dma_start3A_43] : memref<64x100000xf32, #tpu.memory_space<hbm>> -> memref<1x100000xf32, #tpu.memory_space<hbm>>
    %dma_start3A_45 = tpu.memref_squeeze %dma_start3A_44 : memref<1x100000xf32, #tpu.memory_space<hbm>> -> memref<100000xf32, #tpu.memory_space<hbm>>
    %dma_start3A_46 = arith.constant 0 : i32
    %dma_start3A_47 = tpu.memref_slice %arg2[%add3A_42, %dma_start3A_46] : memref<64x100000xf32, #tpu.memory_space<hbm>> -> memref<1x100000xf32, #tpu.memory_space<hbm>>
    %dma_start3A_48 = tpu.memref_squeeze %dma_start3A_47 : memref<1x100000xf32, #tpu.memory_space<hbm>> -> memref<100000xf32, #tpu.memory_space<hbm>>
    tpu.enqueue_dma source(%dma_start3A_48 : memref<100000xf32, #tpu.memory_space<hbm>>) target(%arg6 : memref<100000xf32, #tpu.memory_space<vmem>>) target_semaphore(%arg12 : memref<!tpu.dma_semaphore, #tpu.memory_space<semaphore_mem>>)
    %add3A_49 = arith.constant 1 : i32
    %add3A_50 = arith.addi %add3A_23, %add3A_49 : i32
    %dma_start3A_51 = arith.constant 0 : i32
    %dma_start3A_52 = tpu.memref_slice %arg4[%add3A_50, %dma_start3A_51] : memref<64x2048xf32, #tpu.memory_space<hbm>> -> memref<1x2048xf32, #tpu.memory_space<hbm>>
    %dma_start3A_53 = tpu.memref_squeeze %dma_start3A_52 : memref<1x2048xf32, #tpu.memory_space<hbm>> -> memref<2048xf32, #tpu.memory_space<hbm>>
    %dma_start3A_54 = arith.constant 0 : i32
    %dma_start3A_55 = tpu.memref_slice %arg4[%add3A_50, %dma_start3A_54] : memref<64x2048xf32, #tpu.memory_space<hbm>> -> memref<1x2048xf32, #tpu.memory_space<hbm>>
    %dma_start3A_56 = tpu.memref_squeeze %dma_start3A_55 : memref<1x2048xf32, #tpu.memory_space<hbm>> -> memref<2048xf32, #tpu.memory_space<hbm>>
    tpu.enqueue_dma source(%dma_start3A_56 : memref<2048xf32, #tpu.memory_space<hbm>>) target(%arg9 : memref<2048xf32, #tpu.memory_space<vmem>>) target_semaphore(%arg12 : memref<!tpu.dma_semaphore, #tpu.memory_space<semaphore_mem>>)
    %dma_wait3A_57 = arith.constant 60 : i32
    %dma_wait3A_58 = arith.constant 0 : i32
    %dma_wait3A_59 = tpu.memref_slice %arg5[%dma_wait3A_57, %add3A_23, %dma_wait3A_58] : memref<64x64x2048xf32, #tpu.memory_space<hbm>> -> memref<2x1x2048xf32, #tpu.memory_space<hbm>>
    %dma_wait3A_60 = tpu.memref_squeeze %dma_wait3A_59 : memref<2x1x2048xf32, #tpu.memory_space<hbm>> -> memref<2x2048xf32, #tpu.memory_space<hbm>>
    %dma_wait3A_61 = arith.constant 60 : i32
    %dma_wait3A_62 = arith.constant 0 : i32
    %dma_wait3A_63 = tpu.memref_slice %arg5[%dma_wait3A_61, %add3A_23, %dma_wait3A_62] : memref<64x64x2048xf32, #tpu.memory_space<hbm>> -> memref<2x1x2048xf32, #tpu.memory_space<hbm>>
    %dma_wait3A_64 = tpu.memref_squeeze %dma_wait3A_63 : memref<2x1x2048xf32, #tpu.memory_space<hbm>> -> memref<2x2048xf32, #tpu.memory_space<hbm>>
    tpu.wait_dma2 semaphore(%arg14 : memref<!tpu.dma_semaphore, #tpu.memory_space<semaphore_mem>>) src(%arg10 : memref<2x2048xf32, #tpu.memory_space<vmem>>) dst(%dma_wait3A_64 : memref<2x2048xf32, #tpu.memory_space<hbm>>)
    %dma_wait3A_65 = arith.constant 62 : i32
    %dma_wait3A_66 = arith.constant 0 : i32
    %dma_wait3A_67 = tpu.memref_slice %arg5[%dma_wait3A_65, %add3A_23, %dma_wait3A_66] : memref<64x64x2048xf32, #tpu.memory_space<hbm>> -> memref<2x1x2048xf32, #tpu.memory_space<hbm>>
    %dma_wait3A_68 = tpu.memref_squeeze %dma_wait3A_67 : memref<2x1x2048xf32, #tpu.memory_space<hbm>> -> memref<2x2048xf32, #tpu.memory_space<hbm>>
    %dma_wait3A_69 = arith.constant 62 : i32
    %dma_wait3A_70 = arith.constant 0 : i32
    %dma_wait3A_71 = tpu.memref_slice %arg5[%dma_wait3A_69, %add3A_23, %dma_wait3A_70] : memref<64x64x2048xf32, #tpu.memory_space<hbm>> -> memref<2x1x2048xf32, #tpu.memory_space<hbm>>
    %dma_wait3A_72 = tpu.memref_squeeze %dma_wait3A_71 : memref<2x1x2048xf32, #tpu.memory_space<hbm>> -> memref<2x2048xf32, #tpu.memory_space<hbm>>
    tpu.wait_dma2 semaphore(%arg14 : memref<!tpu.dma_semaphore, #tpu.memory_space<semaphore_mem>>) src(%arg11 : memref<2x2048xf32, #tpu.memory_space<vmem>>) dst(%dma_wait3A_72 : memref<2x2048xf32, #tpu.memory_space<hbm>>)
    %mul3A_73 = arith.constant 2 : i32
    %mul3A_74 = arith.muli %add3A, %mul3A_73 : i32
    %add3A_75 = arith.constant 1 : i32
    %add3A_76 = arith.addi %mul3A_74, %add3A_75 : i32
    %dma_wait3A_77 = arith.constant 0 : i32
    %dma_wait3A_78 = tpu.memref_slice %arg2[%add3A_76, %dma_wait3A_77] : memref<64x100000xf32, #tpu.memory_space<hbm>> -> memref<1x100000xf32, #tpu.memory_space<hbm>>
    %dma_wait3A_79 = tpu.memref_squeeze %dma_wait3A_78 : memref<1x100000xf32, #tpu.memory_space<hbm>> -> memref<100000xf32, #tpu.memory_space<hbm>>
    %dma_wait3A_80 = arith.constant 0 : i32
    %dma_wait3A_81 = tpu.memref_slice %arg2[%add3A_76, %dma_wait3A_80] : memref<64x100000xf32, #tpu.memory_space<hbm>> -> memref<1x100000xf32, #tpu.memory_space<hbm>>
    %dma_wait3A_82 = tpu.memref_squeeze %dma_wait3A_81 : memref<1x100000xf32, #tpu.memory_space<hbm>> -> memref<100000xf32, #tpu.memory_space<hbm>>
    tpu.wait_dma2 semaphore(%arg12 : memref<!tpu.dma_semaphore, #tpu.memory_space<semaphore_mem>>) src(%dma_wait3A_82 : memref<100000xf32, #tpu.memory_space<hbm>>) dst(%arg6 : memref<100000xf32, #tpu.memory_space<vmem>>)
    %dma_wait3A_83 = arith.constant 0 : i32
    %dma_wait3A_84 = tpu.memref_slice %arg4[%add3A_76, %dma_wait3A_83] : memref<64x2048xf32, #tpu.memory_space<hbm>> -> memref<1x2048xf32, #tpu.memory_space<hbm>>
    %dma_wait3A_85 = tpu.memref_squeeze %dma_wait3A_84 : memref<1x2048xf32, #tpu.memory_space<hbm>> -> memref<2048xf32, #tpu.memory_space<hbm>>
    %dma_wait3A_86 = arith.constant 0 : i32
    %dma_wait3A_87 = tpu.memref_slice %arg4[%add3A_76, %dma_wait3A_86] : memref<64x2048xf32, #tpu.memory_space<hbm>> -> memref<1x2048xf32, #tpu.memory_space<hbm>>
    %dma_wait3A_88 = tpu.memref_squeeze %dma_wait3A_87 : memref<1x2048xf32, #tpu.memory_space<hbm>> -> memref<2048xf32, #tpu.memory_space<hbm>>
    tpu.wait_dma2 semaphore(%arg12 : memref<!tpu.dma_semaphore, #tpu.memory_space<semaphore_mem>>) src(%dma_wait3A_88 : memref<2048xf32, #tpu.memory_space<hbm>>) dst(%arg9 : memref<2048xf32, #tpu.memory_space<vmem>>)
    %scan3A_89 = arith.constant 0 : i32
    %scan3A_90 = arith.constant 0 : i32
    %scan3A_91 = arith.constant 8 : i32
    %scan3A_92 = arith.addi %scan3A_90, %scan3A_91 : i32
    %scan3A_93 = arith.constant 1 : i32
    %scan3A_94 = scf.for %scan3A_112 = %scan3A_90 to %scan3A_92 step %scan3A_93 iter_args(%scan3A_113 = %scan3A_89) -> (i32)  : i32 {
      %mul3A_114 = arith.constant 2 : i32
      %mul3A_115 = arith.muli %mul3A_114, %scan3A_112 : i32
      %add3A_116 = arith.constant 0 : i32
      %add3A_117 = arith.addi %mul3A_115, %add3A_116 : i32
      %mul3A_118 = arith.constant 4 : i32
      %mul3A_119 = arith.muli %add3A_117, %mul3A_118 : i32
      %lt3A = arith.constant 15 : i32
      %lt3A_120 = arith.cmpi slt, %add3A_117, %lt3A : i32
      %or3A = arith.constant false
      %or3A_121 = arith.ori %lt3A_120, %or3A : i1
      %convert_element_type3A = arith.extui %or3A_121 : i1 to i32
      %cond3A = arith.constant 0 : i32
      %cond3A_122 = arith.cmpi ne, %convert_element_type3A, %cond3A : i32
      scf.if %cond3A_122 {
        %add3A_219 = arith.constant 4 : i32
        %add3A_220 = arith.addi %mul3A_119, %add3A_219 : i32
        %rem3A = arith.constant 64 : i32
        %rem3A_221 = arith.remsi %add3A_220, %rem3A : i32
        %dma_start3A_222 = arith.constant 0 : i32
        %dma_start3A_223 = tpu.memref_slice %arg3[%rem3A_221, %dma_start3A_222] : memref<64x2048xi32, #tpu.memory_space<hbm>> -> memref<4x2048xi32, #tpu.memory_space<hbm>>
        %dma_start3A_224 = arith.constant 0 : i32
        %dma_start3A_225 = tpu.memref_slice %arg3[%rem3A_221, %dma_start3A_224] : memref<64x2048xi32, #tpu.memory_space<hbm>> -> memref<4x2048xi32, #tpu.memory_space<hbm>>
        tpu.enqueue_dma source(%dma_start3A_225 : memref<4x2048xi32, #tpu.memory_space<hbm>>) target(%arg8 : memref<4x2048xi32, #tpu.memory_space<vmem>>) target_semaphore(%arg13 : memref<!tpu.dma_semaphore, #tpu.memory_space<semaphore_mem>>)
      } else {
      }
      %dma_wait3A_123 = arith.constant 0 : i32
      %dma_wait3A_124 = tpu.memref_slice %arg3[%mul3A_119, %dma_wait3A_123] : memref<64x2048xi32, #tpu.memory_space<hbm>> -> memref<4x2048xi32, #tpu.memory_space<hbm>>
      %dma_wait3A_125 = arith.constant 0 : i32
      %dma_wait3A_126 = tpu.memref_slice %arg3[%mul3A_119, %dma_wait3A_125] : memref<64x2048xi32, #tpu.memory_space<hbm>> -> memref<4x2048xi32, #tpu.memory_space<hbm>>
      tpu.wait_dma2 semaphore(%arg13 : memref<!tpu.dma_semaphore, #tpu.memory_space<semaphore_mem>>) src(%dma_wait3A_126 : memref<4x2048xi32, #tpu.memory_space<hbm>>) dst(%arg7 : memref<4x2048xi32, #tpu.memory_space<vmem>>)
      %add3A_127 = arith.constant 0 : i32
      %add3A_128 = arith.addi %mul3A_119, %add3A_127 : i32
      %ge3A = arith.constant 1 : i32
      %ge3A_129 = arith.cmpi sge, %add3A_117, %ge3A : i32
      %convert_element_type3A_130 = arith.extui %ge3A_129 : i1 to i32
      %cond3A_131 = arith.constant 0 : i32
      %cond3A_132 = arith.cmpi ne, %convert_element_type3A_130, %cond3A_131 : i32
      scf.if %cond3A_132 {
        %sub3A = arith.constant 4 : i32
        %sub3A_219 = arith.subi %add3A_128, %sub3A : i32
        %dma_wait3A_220 = arith.constant 0 : i32
        %dma_wait3A_221 = tpu.memref_slice %arg5[%sub3A_219, %add3A_76, %dma_wait3A_220] : memref<64x64x2048xf32, #tpu.memory_space<hbm>> -> memref<2x1x2048xf32, #tpu.memory_space<hbm>>
        %dma_wait3A_222 = tpu.memref_squeeze %dma_wait3A_221 : memref<2x1x2048xf32, #tpu.memory_space<hbm>> -> memref<2x2048xf32, #tpu.memory_space<hbm>>
        %dma_wait3A_223 = arith.constant 0 : i32
        %dma_wait3A_224 = tpu.memref_slice %arg5[%sub3A_219, %add3A_76, %dma_wait3A_223] : memref<64x64x2048xf32, #tpu.memory_space<hbm>> -> memref<2x1x2048xf32, #tpu.memory_space<hbm>>
        %dma_wait3A_225 = tpu.memref_squeeze %dma_wait3A_224 : memref<2x1x2048xf32, #tpu.memory_space<hbm>> -> memref<2x2048xf32, #tpu.memory_space<hbm>>
        tpu.wait_dma2 semaphore(%arg14 : memref<!tpu.dma_semaphore, #tpu.memory_space<semaphore_mem>>) src(%arg10 : memref<2x2048xf32, #tpu.memory_space<vmem>>) dst(%dma_wait3A_225 : memref<2x2048xf32, #tpu.memory_space<hbm>>)
      } else {
      }
      %parallel_loop3A = arith.constant 0 : i32
      %parallel_loop3A_133 = arith.constant 128 : i32
      %parallel_loop3A_134 = arith.constant 1 : i32
      scf.for %parallel_loop3A_219 = %parallel_loop3A to %parallel_loop3A_133 step %parallel_loop3A_134  : i32 {
        %parallel_loop3A_220 = arith.constant 16 : i32
        %parallel_loop3A_221 = arith.muli %parallel_loop3A_219, %parallel_loop3A_220 : i32
        %parallel_loop3A_222 = arith.constant 0 : i32
        %parallel_loop3A_223 = arith.index_cast %parallel_loop3A_222 : i32 to index
        %parallel_loop3A_224 = arith.index_cast %parallel_loop3A_221 : i32 to index
        %parallel_loop3A_225 = tpu.vector_load %arg7[%parallel_loop3A_223, %parallel_loop3A_224] {strides = array<i32>} : memref<4x2048xi32, #tpu.memory_space<vmem>>, vector<16xi32>,
        %parallel_loop3A_226 = tpu.vector_load_idx %arg6[%parallel_loop3A_225] : memref<100000xf32, #tpu.memory_space<vmem>>[vector<16xi32>], vector<16xf32>,
        %parallel_loop3A_227 = arith.index_cast %parallel_loop3A_221 : i32 to index
        %parallel_loop3A_228 = tpu.vector_load %arg9[%parallel_loop3A_227] {strides = array<i32>} : memref<2048xf32, #tpu.memory_space<vmem>>, vector<16xf32>,
        %parallel_loop3A_229 = arith.addf %parallel_loop3A_226, %parallel_loop3A_228 : vector<16xf32>
        %parallel_loop3A_230 = arith.constant 0 : i32
        %parallel_loop3A_231 = arith.index_cast %parallel_loop3A_230 : i32 to index
        %parallel_loop3A_232 = arith.index_cast %parallel_loop3A_221 : i32 to index
        %parallel_loop3A_233 = tpu.vector_load %arg10[%parallel_loop3A_231, %parallel_loop3A_232] {strides = array<i32>} : memref<2x2048xf32, #tpu.memory_space<vmem>>, vector<16xf32>,
        tpu.vector_store %arg10[%parallel_loop3A_231, %parallel_loop3A_232], %parallel_loop3A_229 {strides = array<i32>} : memref<2x2048xf32, #tpu.memory_space<vmem>>, vector<16xf32>,
      } {sc.loop_unroll_factor = 8 : i64, sc.parallel_access}
      %parallel_loop3A_135 = arith.constant 0 : i32
      %parallel_loop3A_136 = arith.constant 128 : i32
      %parallel_loop3A_137 = arith.constant 1 : i32
      scf.for %parallel_loop3A_219 = %parallel_loop3A_135 to %parallel_loop3A_136 step %parallel_loop3A_137  : i32 {
        %parallel_loop3A_220 = arith.constant 16 : i32
        %parallel_loop3A_221 = arith.muli %parallel_loop3A_219, %parallel_loop3A_220 : i32
        %parallel_loop3A_222 = arith.constant 1 : i32
        %parallel_loop3A_223 = arith.index_cast %parallel_loop3A_222 : i32 to index
        %parallel_loop3A_224 = arith.index_cast %parallel_loop3A_221 : i32 to index
        %parallel_loop3A_225 = tpu.vector_load %arg7[%parallel_loop3A_223, %parallel_loop3A_224] {strides = array<i32>} : memref<4x2048xi32, #tpu.memory_space<vmem>>, vector<16xi32>,
        %parallel_loop3A_226 = tpu.vector_load_idx %arg6[%parallel_loop3A_225] : memref<100000xf32, #tpu.memory_space<vmem>>[vector<16xi32>], vector<16xf32>,
        %parallel_loop3A_227 = arith.index_cast %parallel_loop3A_221 : i32 to index
        %parallel_loop3A_228 = tpu.vector_load %arg9[%parallel_loop3A_227] {strides = array<i32>} : memref<2048xf32, #tpu.memory_space<vmem>>, vector<16xf32>,
        %parallel_loop3A_229 = arith.addf %parallel_loop3A_226, %parallel_loop3A_228 : vector<16xf32>
        %parallel_loop3A_230 = arith.constant 1 : i32
        %parallel_loop3A_231 = arith.index_cast %parallel_loop3A_230 : i32 to index
        %parallel_loop3A_232 = arith.index_cast %parallel_loop3A_221 : i32 to index
        %parallel_loop3A_233 = tpu.vector_load %arg10[%parallel_loop3A_231, %parallel_loop3A_232] {strides = array<i32>} : memref<2x2048xf32, #tpu.memory_space<vmem>>, vector<16xf32>,
        tpu.vector_store %arg10[%parallel_loop3A_231, %parallel_loop3A_232], %parallel_loop3A_229 {strides = array<i32>} : memref<2x2048xf32, #tpu.memory_space<vmem>>, vector<16xf32>,
      } {sc.loop_unroll_factor = 8 : i64, sc.parallel_access}
      %dma_start3A_138 = arith.constant 0 : i32
      %dma_start3A_139 = tpu.memref_slice %arg5[%add3A_128, %add3A_76, %dma_start3A_138] : memref<64x64x2048xf32, #tpu.memory_space<hbm>> -> memref<2x1x2048xf32, #tpu.memory_space<hbm>>
      %dma_start3A_140 = tpu.memref_squeeze %dma_start3A_139 : memref<2x1x2048xf32, #tpu.memory_space<hbm>> -> memref<2x2048xf32, #tpu.memory_space<hbm>>
      %dma_start3A_141 = arith.constant 0 : i32
      %dma_start3A_142 = tpu.memref_slice %arg5[%add3A_128, %add3A_76, %dma_start3A_141] : memref<64x64x2048xf32, #tpu.memory_space<hbm>> -> memref<2x1x2048xf32, #tpu.memory_space<hbm>>
      %dma_start3A_143 = tpu.memref_squeeze %dma_start3A_142 : memref<2x1x2048xf32, #tpu.memory_space<hbm>> -> memref<2x2048xf32, #tpu.memory_space<hbm>>
      tpu.enqueue_dma source(%arg10 : memref<2x2048xf32, #tpu.memory_space<vmem>>) target(%dma_start3A_143 : memref<2x2048xf32, #tpu.memory_space<hbm>>) target_semaphore(%arg14 : memref<!tpu.dma_semaphore, #tpu.memory_space<semaphore_mem>>)
      %add3A_144 = arith.constant 2 : i32
      %add3A_145 = arith.addi %mul3A_119, %add3A_144 : i32
      %ge3A_146 = arith.constant 1 : i32
      %ge3A_147 = arith.cmpi sge, %add3A_117, %ge3A_146 : i32
      %convert_element_type3A_148 = arith.extui %ge3A_147 : i1 to i32
      %cond3A_149 = arith.constant 0 : i32
      %cond3A_150 = arith.cmpi ne, %convert_element_type3A_148, %cond3A_149 : i32
      scf.if %cond3A_150 {
        %sub3A = arith.constant 4 : i32
        %sub3A_219 = arith.subi %add3A_145, %sub3A : i32
        %dma_wait3A_220 = arith.constant 0 : i32
        %dma_wait3A_221 = tpu.memref_slice %arg5[%sub3A_219, %add3A_76, %dma_wait3A_220] : memref<64x64x2048xf32, #tpu.memory_space<hbm>> -> memref<2x1x2048xf32, #tpu.memory_space<hbm>>
        %dma_wait3A_222 = tpu.memref_squeeze %dma_wait3A_221 : memref<2x1x2048xf32, #tpu.memory_space<hbm>> -> memref<2x2048xf32, #tpu.memory_space<hbm>>
        %dma_wait3A_223 = arith.constant 0 : i32
        %dma_wait3A_224 = tpu.memref_slice %arg5[%sub3A_219, %add3A_76, %dma_wait3A_223] : memref<64x64x2048xf32, #tpu.memory_space<hbm>> -> memref<2x1x2048xf32, #tpu.memory_space<hbm>>
        %dma_wait3A_225 = tpu.memref_squeeze %dma_wait3A_224 : memref<2x1x2048xf32, #tpu.memory_space<hbm>> -> memref<2x2048xf32, #tpu.memory_space<hbm>>
        tpu.wait_dma2 semaphore(%arg14 : memref<!tpu.dma_semaphore, #tpu.memory_space<semaphore_mem>>) src(%arg11 : memref<2x2048xf32, #tpu.memory_space<vmem>>) dst(%dma_wait3A_225 : memref<2x2048xf32, #tpu.memory_space<hbm>>)
      } else {
      }
      %parallel_loop3A_151 = arith.constant 0 : i32
      %parallel_loop3A_152 = arith.constant 128 : i32
      %parallel_loop3A_153 = arith.constant 1 : i32
      scf.for %parallel_loop3A_219 = %parallel_loop3A_151 to %parallel_loop3A_152 step %parallel_loop3A_153  : i32 {
        %parallel_loop3A_220 = arith.constant 16 : i32
        %parallel_loop3A_221 = arith.muli %parallel_loop3A_219, %parallel_loop3A_220 : i32
        %parallel_loop3A_222 = arith.constant 2 : i32
        %parallel_loop3A_223 = arith.index_cast %parallel_loop3A_222 : i32 to index
        %parallel_loop3A_224 = arith.index_cast %parallel_loop3A_221 : i32 to index
        %parallel_loop3A_225 = tpu.vector_load %arg7[%parallel_loop3A_223, %parallel_loop3A_224] {strides = array<i32>} : memref<4x2048xi32, #tpu.memory_space<vmem>>, vector<16xi32>,
        %parallel_loop3A_226 = tpu.vector_load_idx %arg6[%parallel_loop3A_225] : memref<100000xf32, #tpu.memory_space<vmem>>[vector<16xi32>], vector<16xf32>,
        %parallel_loop3A_227 = arith.index_cast %parallel_loop3A_221 : i32 to index
        %parallel_loop3A_228 = tpu.vector_load %arg9[%parallel_loop3A_227] {strides = array<i32>} : memref<2048xf32, #tpu.memory_space<vmem>>, vector<16xf32>,
        %parallel_loop3A_229 = arith.addf %parallel_loop3A_226, %parallel_loop3A_228 : vector<16xf32>
        %parallel_loop3A_230 = arith.constant 0 : i32
        %parallel_loop3A_231 = arith.index_cast %parallel_loop3A_230 : i32 to index
        %parallel_loop3A_232 = arith.index_cast %parallel_loop3A_221 : i32 to index
        %parallel_loop3A_233 = tpu.vector_load %arg11[%parallel_loop3A_231, %parallel_loop3A_232] {strides = array<i32>} : memref<2x2048xf32, #tpu.memory_space<vmem>>, vector<16xf32>,
        tpu.vector_store %arg11[%parallel_loop3A_231, %parallel_loop3A_232], %parallel_loop3A_229 {strides = array<i32>} : memref<2x2048xf32, #tpu.memory_space<vmem>>, vector<16xf32>,
      } {sc.loop_unroll_factor = 8 : i64, sc.parallel_access}
      %parallel_loop3A_154 = arith.constant 0 : i32
      %parallel_loop3A_155 = arith.constant 128 : i32
      %parallel_loop3A_156 = arith.constant 1 : i32
      scf.for %parallel_loop3A_219 = %parallel_loop3A_154 to %parallel_loop3A_155 step %parallel_loop3A_156  : i32 {
        %parallel_loop3A_220 = arith.constant 16 : i32
        %parallel_loop3A_221 = arith.muli %parallel_loop3A_219, %parallel_loop3A_220 : i32
        %parallel_loop3A_222 = arith.constant 3 : i32
        %parallel_loop3A_223 = arith.index_cast %parallel_loop3A_222 : i32 to index
        %parallel_loop3A_224 = arith.index_cast %parallel_loop3A_221 : i32 to index
        %parallel_loop3A_225 = tpu.vector_load %arg7[%parallel_loop3A_223, %parallel_loop3A_224] {strides = array<i32>} : memref<4x2048xi32, #tpu.memory_space<vmem>>, vector<16xi32>,
        %parallel_loop3A_226 = tpu.vector_load_idx %arg6[%parallel_loop3A_225] : memref<100000xf32, #tpu.memory_space<vmem>>[vector<16xi32>], vector<16xf32>,
        %parallel_loop3A_227 = arith.index_cast %parallel_loop3A_221 : i32 to index
        %parallel_loop3A_228 = tpu.vector_load %arg9[%parallel_loop3A_227] {strides = array<i32>} : memref<2048xf32, #tpu.memory_space<vmem>>, vector<16xf32>,
        %parallel_loop3A_229 = arith.addf %parallel_loop3A_226, %parallel_loop3A_228 : vector<16xf32>
        %parallel_loop3A_230 = arith.constant 1 : i32
        %parallel_loop3A_231 = arith.index_cast %parallel_loop3A_230 : i32 to index
        %parallel_loop3A_232 = arith.index_cast %parallel_loop3A_221 : i32 to index
        %parallel_loop3A_233 = tpu.vector_load %arg11[%parallel_loop3A_231, %parallel_loop3A_232] {strides = array<i32>} : memref<2x2048xf32, #tpu.memory_space<vmem>>, vector<16xf32>,
        tpu.vector_store %arg11[%parallel_loop3A_231, %parallel_loop3A_232], %parallel_loop3A_229 {strides = array<i32>} : memref<2x2048xf32, #tpu.memory_space<vmem>>, vector<16xf32>,
      } {sc.loop_unroll_factor = 8 : i64, sc.parallel_access}
      %dma_start3A_157 = arith.constant 0 : i32
      %dma_start3A_158 = tpu.memref_slice %arg5[%add3A_145, %add3A_76, %dma_start3A_157] : memref<64x64x2048xf32, #tpu.memory_space<hbm>> -> memref<2x1x2048xf32, #tpu.memory_space<hbm>>
      %dma_start3A_159 = tpu.memref_squeeze %dma_start3A_158 : memref<2x1x2048xf32, #tpu.memory_space<hbm>> -> memref<2x2048xf32, #tpu.memory_space<hbm>>
      %dma_start3A_160 = arith.constant 0 : i32
      %dma_start3A_161 = tpu.memref_slice %arg5[%add3A_145, %add3A_76, %dma_start3A_160] : memref<64x64x2048xf32, #tpu.memory_space<hbm>> -> memref<2x1x2048xf32, #tpu.memory_space<hbm>>
      %dma_start3A_162 = tpu.memref_squeeze %dma_start3A_161 : memref<2x1x2048xf32, #tpu.memory_space<hbm>> -> memref<2x2048xf32, #tpu.memory_space<hbm>>
      tpu.enqueue_dma source(%arg11 : memref<2x2048xf32, #tpu.memory_space<vmem>>) target(%dma_start3A_162 : memref<2x2048xf32, #tpu.memory_space<hbm>>) target_semaphore(%arg14 : memref<!tpu.dma_semaphore, #tpu.memory_space<semaphore_mem>>)
      %mul3A_163 = arith.constant 2 : i32
      %mul3A_164 = arith.muli %mul3A_163, %scan3A_112 : i32
      %add3A_165 = arith.constant 1 : i32
      %add3A_166 = arith.addi %mul3A_164, %add3A_165 : i32
      %mul3A_167 = arith.constant 4 : i32
      %mul3A_168 = arith.muli %add3A_166, %mul3A_167 : i32
      %lt3A_169 = arith.constant 15 : i32
      %lt3A_170 = arith.cmpi slt, %add3A_166, %lt3A_169 : i32
      %or3A_171 = arith.constant false
      %or3A_172 = arith.ori %lt3A_170, %or3A_171 : i1
      %convert_element_type3A_173 = arith.extui %or3A_172 : i1 to i32
      %cond3A_174 = arith.constant 0 : i32
      %cond3A_175 = arith.cmpi ne, %convert_element_type3A_173, %cond3A_174 : i32
      scf.if %cond3A_175 {
        %add3A_219 = arith.constant 4 : i32
        %add3A_220 = arith.addi %mul3A_168, %add3A_219 : i32
        %rem3A = arith.constant 64 : i32
        %rem3A_221 = arith.remsi %add3A_220, %rem3A : i32
        %dma_start3A_222 = arith.constant 0 : i32
        %dma_start3A_223 = tpu.memref_slice %arg3[%rem3A_221, %dma_start3A_222] : memref<64x2048xi32, #tpu.memory_space<hbm>> -> memref<4x2048xi32, #tpu.memory_space<hbm>>
        %dma_start3A_224 = arith.constant 0 : i32
        %dma_start3A_225 = tpu.memref_slice %arg3[%rem3A_221, %dma_start3A_224] : memref<64x2048xi32, #tpu.memory_space<hbm>> -> memref<4x2048xi32, #tpu.memory_space<hbm>>
        tpu.enqueue_dma source(%dma_start3A_225 : memref<4x2048xi32, #tpu.memory_space<hbm>>) target(%arg7 : memref<4x2048xi32, #tpu.memory_space<vmem>>) target_semaphore(%arg13 : memref<!tpu.dma_semaphore, #tpu.memory_space<semaphore_mem>>)
      } else {
      }
      %dma_wait3A_176 = arith.constant 0 : i32
      %dma_wait3A_177 = tpu.memref_slice %arg3[%mul3A_168, %dma_wait3A_176] : memref<64x2048xi32, #tpu.memory_space<hbm>> -> memref<4x2048xi32, #tpu.memory_space<hbm>>
      %dma_wait3A_178 = arith.constant 0 : i32
      %dma_wait3A_179 = tpu.memref_slice %arg3[%mul3A_168, %dma_wait3A_178] : memref<64x2048xi32, #tpu.memory_space<hbm>> -> memref<4x2048xi32, #tpu.memory_space<hbm>>
      tpu.wait_dma2 semaphore(%arg13 : memref<!tpu.dma_semaphore, #tpu.memory_space<semaphore_mem>>) src(%dma_wait3A_179 : memref<4x2048xi32, #tpu.memory_space<hbm>>) dst(%arg8 : memref<4x2048xi32, #tpu.memory_space<vmem>>)
      %add3A_180 = arith.constant 0 : i32
      %add3A_181 = arith.addi %mul3A_168, %add3A_180 : i32
      %ge3A_182 = arith.constant 1 : i32
      %ge3A_183 = arith.cmpi sge, %add3A_166, %ge3A_182 : i32
      %convert_element_type3A_184 = arith.extui %ge3A_183 : i1 to i32
      %cond3A_185 = arith.constant 0 : i32
      %cond3A_186 = arith.cmpi ne, %convert_element_type3A_184, %cond3A_185 : i32
      scf.if %cond3A_186 {
        %sub3A = arith.constant 4 : i32
        %sub3A_219 = arith.subi %add3A_181, %sub3A : i32
        %dma_wait3A_220 = arith.constant 0 : i32
        %dma_wait3A_221 = tpu.memref_slice %arg5[%sub3A_219, %add3A_76, %dma_wait3A_220] : memref<64x64x2048xf32, #tpu.memory_space<hbm>> -> memref<2x1x2048xf32, #tpu.memory_space<hbm>>
        %dma_wait3A_222 = tpu.memref_squeeze %dma_wait3A_221 : memref<2x1x2048xf32, #tpu.memory_space<hbm>> -> memref<2x2048xf32, #tpu.memory_space<hbm>>
        %dma_wait3A_223 = arith.constant 0 : i32
        %dma_wait3A_224 = tpu.memref_slice %arg5[%sub3A_219, %add3A_76, %dma_wait3A_223] : memref<64x64x2048xf32, #tpu.memory_space<hbm>> -> memref<2x1x2048xf32, #tpu.memory_space<hbm>>
        %dma_wait3A_225 = tpu.memref_squeeze %dma_wait3A_224 : memref<2x1x2048xf32, #tpu.memory_space<hbm>> -> memref<2x2048xf32, #tpu.memory_space<hbm>>
        tpu.wait_dma2 semaphore(%arg14 : memref<!tpu.dma_semaphore, #tpu.memory_space<semaphore_mem>>) src(%arg10 : memref<2x2048xf32, #tpu.memory_space<vmem>>) dst(%dma_wait3A_225 : memref<2x2048xf32, #tpu.memory_space<hbm>>)
      } else {
      }
      %parallel_loop3A_187 = arith.constant 0 : i32
      %parallel_loop3A_188 = arith.constant 128 : i32
      %parallel_loop3A_189 = arith.constant 1 : i32
      scf.for %parallel_loop3A_219 = %parallel_loop3A_187 to %parallel_loop3A_188 step %parallel_loop3A_189  : i32 {
        %parallel_loop3A_220 = arith.constant 16 : i32
        %parallel_loop3A_221 = arith.muli %parallel_loop3A_219, %parallel_loop3A_220 : i32
        %parallel_loop3A_222 = arith.constant 0 : i32
        %parallel_loop3A_223 = arith.index_cast %parallel_loop3A_222 : i32 to index
        %parallel_loop3A_224 = arith.index_cast %parallel_loop3A_221 : i32 to index
        %parallel_loop3A_225 = tpu.vector_load %arg8[%parallel_loop3A_223, %parallel_loop3A_224] {strides = array<i32>} : memref<4x2048xi32, #tpu.memory_space<vmem>>, vector<16xi32>,
        %parallel_loop3A_226 = tpu.vector_load_idx %arg6[%parallel_loop3A_225] : memref<100000xf32, #tpu.memory_space<vmem>>[vector<16xi32>], vector<16xf32>,
        %parallel_loop3A_227 = arith.index_cast %parallel_loop3A_221 : i32 to index
        %parallel_loop3A_228 = tpu.vector_load %arg9[%parallel_loop3A_227] {strides = array<i32>} : memref<2048xf32, #tpu.memory_space<vmem>>, vector<16xf32>,
        %parallel_loop3A_229 = arith.addf %parallel_loop3A_226, %parallel_loop3A_228 : vector<16xf32>
        %parallel_loop3A_230 = arith.constant 0 : i32
        %parallel_loop3A_231 = arith.index_cast %parallel_loop3A_230 : i32 to index
        %parallel_loop3A_232 = arith.index_cast %parallel_loop3A_221 : i32 to index
        %parallel_loop3A_233 = tpu.vector_load %arg10[%parallel_loop3A_231, %parallel_loop3A_232] {strides = array<i32>} : memref<2x2048xf32, #tpu.memory_space<vmem>>, vector<16xf32>,
        tpu.vector_store %arg10[%parallel_loop3A_231, %parallel_loop3A_232], %parallel_loop3A_229 {strides = array<i32>} : memref<2x2048xf32, #tpu.memory_space<vmem>>, vector<16xf32>,
      } {sc.loop_unroll_factor = 8 : i64, sc.parallel_access}
      %parallel_loop3A_190 = arith.constant 0 : i32
      %parallel_loop3A_191 = arith.constant 128 : i32
      %parallel_loop3A_192 = arith.constant 1 : i32
      scf.for %parallel_loop3A_219 = %parallel_loop3A_190 to %parallel_loop3A_191 step %parallel_loop3A_192  : i32 {
        %parallel_loop3A_220 = arith.constant 16 : i32
        %parallel_loop3A_221 = arith.muli %parallel_loop3A_219, %parallel_loop3A_220 : i32
        %parallel_loop3A_222 = arith.constant 1 : i32
        %parallel_loop3A_223 = arith.index_cast %parallel_loop3A_222 : i32 to index
        %parallel_loop3A_224 = arith.index_cast %parallel_loop3A_221 : i32 to index
        %parallel_loop3A_225 = tpu.vector_load %arg8[%parallel_loop3A_223, %parallel_loop3A_224] {strides = array<i32>} : memref<4x2048xi32, #tpu.memory_space<vmem>>, vector<16xi32>,
        %parallel_loop3A_226 = tpu.vector_load_idx %arg6[%parallel_loop3A_225] : memref<100000xf32, #tpu.memory_space<vmem>>[vector<16xi32>], vector<16xf32>,
        %parallel_loop3A_227 = arith.index_cast %parallel_loop3A_221 : i32 to index
        %parallel_loop3A_228 = tpu.vector_load %arg9[%parallel_loop3A_227] {strides = array<i32>} : memref<2048xf32, #tpu.memory_space<vmem>>, vector<16xf32>,
        %parallel_loop3A_229 = arith.addf %parallel_loop3A_226, %parallel_loop3A_228 : vector<16xf32>
        %parallel_loop3A_230 = arith.constant 1 : i32
        %parallel_loop3A_231 = arith.index_cast %parallel_loop3A_230 : i32 to index
        %parallel_loop3A_232 = arith.index_cast %parallel_loop3A_221 : i32 to index
        %parallel_loop3A_233 = tpu.vector_load %arg10[%parallel_loop3A_231, %parallel_loop3A_232] {strides = array<i32>} : memref<2x2048xf32, #tpu.memory_space<vmem>>, vector<16xf32>,
        tpu.vector_store %arg10[%parallel_loop3A_231, %parallel_loop3A_232], %parallel_loop3A_229 {strides = array<i32>} : memref<2x2048xf32, #tpu.memory_space<vmem>>, vector<16xf32>,
      } {sc.loop_unroll_factor = 8 : i64, sc.parallel_access}
      %dma_start3A_193 = arith.constant 0 : i32
      %dma_start3A_194 = tpu.memref_slice %arg5[%add3A_181, %add3A_76, %dma_start3A_193] : memref<64x64x2048xf32, #tpu.memory_space<hbm>> -> memref<2x1x2048xf32, #tpu.memory_space<hbm>>
      %dma_start3A_195 = tpu.memref_squeeze %dma_start3A_194 : memref<2x1x2048xf32, #tpu.memory_space<hbm>> -> memref<2x2048xf32, #tpu.memory_space<hbm>>
      %dma_start3A_196 = arith.constant 0 : i32
      %dma_start3A_197 = tpu.memref_slice %arg5[%add3A_181, %add3A_76, %dma_start3A_196] : memref<64x64x2048xf32, #tpu.memory_space<hbm>> -> memref<2x1x2048xf32, #tpu.memory_space<hbm>>
      %dma_start3A_198 = tpu.memref_squeeze %dma_start3A_197 : memref<2x1x2048xf32, #tpu.memory_space<hbm>> -> memref<2x2048xf32, #tpu.memory_space<hbm>>
      tpu.enqueue_dma source(%arg10 : memref<2x2048xf32, #tpu.memory_space<vmem>>) target(%dma_start3A_198 : memref<2x2048xf32, #tpu.memory_space<hbm>>) target_semaphore(%arg14 : memref<!tpu.dma_semaphore, #tpu.memory_space<semaphore_mem>>)
      %add3A_199 = arith.constant 2 : i32
      %add3A_200 = arith.addi %mul3A_168, %add3A_199 : i32
      %ge3A_201 = arith.constant 1 : i32
      %ge3A_202 = arith.cmpi sge, %add3A_166, %ge3A_201 : i32
      %convert_element_type3A_203 = arith.extui %ge3A_202 : i1 to i32
      %cond3A_204 = arith.constant 0 : i32
      %cond3A_205 = arith.cmpi ne, %convert_element_type3A_203, %cond3A_204 : i32
      scf.if %cond3A_205 {
        %sub3A = arith.constant 4 : i32
        %sub3A_219 = arith.subi %add3A_200, %sub3A : i32
        %dma_wait3A_220 = arith.constant 0 : i32
        %dma_wait3A_221 = tpu.memref_slice %arg5[%sub3A_219, %add3A_76, %dma_wait3A_220] : memref<64x64x2048xf32, #tpu.memory_space<hbm>> -> memref<2x1x2048xf32, #tpu.memory_space<hbm>>
        %dma_wait3A_222 = tpu.memref_squeeze %dma_wait3A_221 : memref<2x1x2048xf32, #tpu.memory_space<hbm>> -> memref<2x2048xf32, #tpu.memory_space<hbm>>
        %dma_wait3A_223 = arith.constant 0 : i32
        %dma_wait3A_224 = tpu.memref_slice %arg5[%sub3A_219, %add3A_76, %dma_wait3A_223] : memref<64x64x2048xf32, #tpu.memory_space<hbm>> -> memref<2x1x2048xf32, #tpu.memory_space<hbm>>
        %dma_wait3A_225 = tpu.memref_squeeze %dma_wait3A_224 : memref<2x1x2048xf32, #tpu.memory_space<hbm>> -> memref<2x2048xf32, #tpu.memory_space<hbm>>
        tpu.wait_dma2 semaphore(%arg14 : memref<!tpu.dma_semaphore, #tpu.memory_space<semaphore_mem>>) src(%arg11 : memref<2x2048xf32, #tpu.memory_space<vmem>>) dst(%dma_wait3A_225 : memref<2x2048xf32, #tpu.memory_space<hbm>>)
      } else {
      }
      %parallel_loop3A_206 = arith.constant 0 : i32
      %parallel_loop3A_207 = arith.constant 128 : i32
      %parallel_loop3A_208 = arith.constant 1 : i32
      scf.for %parallel_loop3A_219 = %parallel_loop3A_206 to %parallel_loop3A_207 step %parallel_loop3A_208  : i32 {
        %parallel_loop3A_220 = arith.constant 16 : i32
        %parallel_loop3A_221 = arith.muli %parallel_loop3A_219, %parallel_loop3A_220 : i32
        %parallel_loop3A_222 = arith.constant 2 : i32
        %parallel_loop3A_223 = arith.index_cast %parallel_loop3A_222 : i32 to index
        %parallel_loop3A_224 = arith.index_cast %parallel_loop3A_221 : i32 to index
        %parallel_loop3A_225 = tpu.vector_load %arg8[%parallel_loop3A_223, %parallel_loop3A_224] {strides = array<i32>} : memref<4x2048xi32, #tpu.memory_space<vmem>>, vector<16xi32>,
        %parallel_loop3A_226 = tpu.vector_load_idx %arg6[%parallel_loop3A_225] : memref<100000xf32, #tpu.memory_space<vmem>>[vector<16xi32>], vector<16xf32>,
        %parallel_loop3A_227 = arith.index_cast %parallel_loop3A_221 : i32 to index
        %parallel_loop3A_228 = tpu.vector_load %arg9[%parallel_loop3A_227] {strides = array<i32>} : memref<2048xf32, #tpu.memory_space<vmem>>, vector<16xf32>,
        %parallel_loop3A_229 = arith.addf %parallel_loop3A_226, %parallel_loop3A_228 : vector<16xf32>
        %parallel_loop3A_230 = arith.constant 0 : i32
        %parallel_loop3A_231 = arith.index_cast %parallel_loop3A_230 : i32 to index
        %parallel_loop3A_232 = arith.index_cast %parallel_loop3A_221 : i32 to index
        %parallel_loop3A_233 = tpu.vector_load %arg11[%parallel_loop3A_231, %parallel_loop3A_232] {strides = array<i32>} : memref<2x2048xf32, #tpu.memory_space<vmem>>, vector<16xf32>,
        tpu.vector_store %arg11[%parallel_loop3A_231, %parallel_loop3A_232], %parallel_loop3A_229 {strides = array<i32>} : memref<2x2048xf32, #tpu.memory_space<vmem>>, vector<16xf32>,
      } {sc.loop_unroll_factor = 8 : i64, sc.parallel_access}
      %parallel_loop3A_209 = arith.constant 0 : i32
      %parallel_loop3A_210 = arith.constant 128 : i32
      %parallel_loop3A_211 = arith.constant 1 : i32
      scf.for %parallel_loop3A_219 = %parallel_loop3A_209 to %parallel_loop3A_210 step %parallel_loop3A_211  : i32 {
        %parallel_loop3A_220 = arith.constant 16 : i32
        %parallel_loop3A_221 = arith.muli %parallel_loop3A_219, %parallel_loop3A_220 : i32
        %parallel_loop3A_222 = arith.constant 3 : i32
        %parallel_loop3A_223 = arith.index_cast %parallel_loop3A_222 : i32 to index
        %parallel_loop3A_224 = arith.index_cast %parallel_loop3A_221 : i32 to index
        %parallel_loop3A_225 = tpu.vector_load %arg8[%parallel_loop3A_223, %parallel_loop3A_224] {strides = array<i32>} : memref<4x2048xi32, #tpu.memory_space<vmem>>, vector<16xi32>,
        %parallel_loop3A_226 = tpu.vector_load_idx %arg6[%parallel_loop3A_225] : memref<100000xf32, #tpu.memory_space<vmem>>[vector<16xi32>], vector<16xf32>,
        %parallel_loop3A_227 = arith.index_cast %parallel_loop3A_221 : i32 to index
        %parallel_loop3A_228 = tpu.vector_load %arg9[%parallel_loop3A_227] {strides = array<i32>} : memref<2048xf32, #tpu.memory_space<vmem>>, vector<16xf32>,
        %parallel_loop3A_229 = arith.addf %parallel_loop3A_226, %parallel_loop3A_228 : vector<16xf32>
        %parallel_loop3A_230 = arith.constant 1 : i32
        %parallel_loop3A_231 = arith.index_cast %parallel_loop3A_230 : i32 to index
        %parallel_loop3A_232 = arith.index_cast %parallel_loop3A_221 : i32 to index
        %parallel_loop3A_233 = tpu.vector_load %arg11[%parallel_loop3A_231, %parallel_loop3A_232] {strides = array<i32>} : memref<2x2048xf32, #tpu.memory_space<vmem>>, vector<16xf32>,
        tpu.vector_store %arg11[%parallel_loop3A_231, %parallel_loop3A_232], %parallel_loop3A_229 {strides = array<i32>} : memref<2x2048xf32, #tpu.memory_space<vmem>>, vector<16xf32>,
      } {sc.loop_unroll_factor = 8 : i64, sc.parallel_access}
      %dma_start3A_212 = arith.constant 0 : i32
      %dma_start3A_213 = tpu.memref_slice %arg5[%add3A_200, %add3A_76, %dma_start3A_212] : memref<64x64x2048xf32, #tpu.memory_space<hbm>> -> memref<2x1x2048xf32, #tpu.memory_space<hbm>>
      %dma_start3A_214 = tpu.memref_squeeze %dma_start3A_213 : memref<2x1x2048xf32, #tpu.memory_space<hbm>> -> memref<2x2048xf32, #tpu.memory_space<hbm>>
      %dma_start3A_215 = arith.constant 0 : i32
      %dma_start3A_216 = tpu.memref_slice %arg5[%add3A_200, %add3A_76, %dma_start3A_215] : memref<64x64x2048xf32, #tpu.memory_space<hbm>> -> memref<2x1x2048xf32, #tpu.memory_space<hbm>>
      %dma_start3A_217 = tpu.memref_squeeze %dma_start3A_216 : memref<2x1x2048xf32, #tpu.memory_space<hbm>> -> memref<2x2048xf32, #tpu.memory_space<hbm>>
      tpu.enqueue_dma source(%arg11 : memref<2x2048xf32, #tpu.memory_space<vmem>>) target(%dma_start3A_217 : memref<2x2048xf32, #tpu.memory_space<hbm>>) target_semaphore(%arg14 : memref<!tpu.dma_semaphore, #tpu.memory_space<semaphore_mem>>)
      %scan3A_218 = arith.constant 0 : i32
      scf.yield %scan3A_218 : i32
    }
    %scan3A_95 = arith.constant 8 : i32
    %dma_wait3A_96 = arith.constant 60 : i32
    %dma_wait3A_97 = arith.constant 0 : i32
    %dma_wait3A_98 = tpu.memref_slice %arg5[%dma_wait3A_96, %add3A_76, %dma_wait3A_97] : memref<64x64x2048xf32, #tpu.memory_space<hbm>> -> memref<2x1x2048xf32, #tpu.memory_space<hbm>>
    %dma_wait3A_99 = tpu.memref_squeeze %dma_wait3A_98 : memref<2x1x2048xf32, #tpu.memory_space<hbm>> -> memref<2x2048xf32, #tpu.memory_space<hbm>>
    %dma_wait3A_100 = arith.constant 60 : i32
    %dma_wait3A_101 = arith.constant 0 : i32
    %dma_wait3A_102 = tpu.memref_slice %arg5[%dma_wait3A_100, %add3A_76, %dma_wait3A_101] : memref<64x64x2048xf32, #tpu.memory_space<hbm>> -> memref<2x1x2048xf32, #tpu.memory_space<hbm>>
    %dma_wait3A_103 = tpu.memref_squeeze %dma_wait3A_102 : memref<2x1x2048xf32, #tpu.memory_space<hbm>> -> memref<2x2048xf32, #tpu.memory_space<hbm>>
    tpu.wait_dma2 semaphore(%arg14 : memref<!tpu.dma_semaphore, #tpu.memory_space<semaphore_mem>>) src(%arg10 : memref<2x2048xf32, #tpu.memory_space<vmem>>) dst(%dma_wait3A_103 : memref<2x2048xf32, #tpu.memory_space<hbm>>)
    %dma_wait3A_104 = arith.constant 62 : i32
    %dma_wait3A_105 = arith.constant 0 : i32
    %dma_wait3A_106 = tpu.memref_slice %arg5[%dma_wait3A_104, %add3A_76, %dma_wait3A_105] : memref<64x64x2048xf32, #tpu.memory_space<hbm>> -> memref<2x1x2048xf32, #tpu.memory_space<hbm>>
    %dma_wait3A_107 = tpu.memref_squeeze %dma_wait3A_106 : memref<2x1x2048xf32, #tpu.memory_space<hbm>> -> memref<2x2048xf32, #tpu.memory_space<hbm>>
    %dma_wait3A_108 = arith.constant 62 : i32
    %dma_wait3A_109 = arith.constant 0 : i32
    %dma_wait3A_110 = tpu.memref_slice %arg5[%dma_wait3A_108, %add3A_76, %dma_wait3A_109] : memref<64x64x2048xf32, #tpu.memory_space<hbm>> -> memref<2x1x2048xf32, #tpu.memory_space<hbm>>
    %dma_wait3A_111 = tpu.memref_squeeze %dma_wait3A_110 : memref<2x1x2048xf32, #tpu.memory_space<hbm>> -> memref<2x2048xf32, #tpu.memory_space<hbm>>
    tpu.wait_dma2 semaphore(%arg14 : memref<!tpu.dma_semaphore, #tpu.memory_space<semaphore_mem>>) src(%arg11 : memref<2x2048xf32, #tpu.memory_space<vmem>>) dst(%dma_wait3A_111 : memref<2x2048xf32, #tpu.memory_space<hbm>>)
    return
  }
}

</mosaic_0001>

<sc_bundles>
// kernel: kernel.3.cloned.1.call-start
scs
__scs_entry_jumppad:
0x0: {  	(pc) =	sbr.rel $0x88, $3  }
0x1: {  	(tag) =	ssettag $0x0;
	lr =	simm.s32 $0x1  }
0x2: {  	[smem:$0x3F9E] =	sst lr;
	_ =	strace $0xD0000000  }
0x3: {  	_ = 	snop  }
0x4: {  	_ = 	snop  }
0x5: {  	_ = 	snop  }
0x6: {  	_ = 	snop  }
0x7: {  	_ = 	snop  }
__scs_overlays_trampoline_lowered:
0x8: {  	[smem:$0x3FAD] =	sst s0  }
0x9: {  	[smem:$0x3FAE] =	sst s1  }
0xa: {  	[smem:$0x3FAF] =	sst s2  }
0xb: {  	[smem:$0x3FB0] =	sst s3  }
0xc: {  	[smem:$0x3FB1] =	sst s4  }
0xd: {  	[smem:$0x3FB2] =	sst s5  }
0xe: {  	[smem:$0x3FB3] =	sst s6  }
0xf: {  	[smem:$0x3FB4] =	sst s7  }
0x10: {  	[smem:$0x3FB5] =	sst s8  }
0x11: {  	[smem:$0x3FB6] =	sst s9;
	s0 =	simm.s32 @!p0 $0x0  }
0x12: {  	s1 =	sld [smem:$0x3F9C];
	s0 =	simm.s32 @p0 $0x1  }
0x13: {  	[smem:$0x3FB7] =	sst s0;
	s0 =	simm.s32 @!p1 $0x0  }
0x14: {  	s2 =	sld [smem:$0x3F9B];
	s0 =	simm.s32 @p1 $0x1  }
0x15: {  	[smem:$0x3FB8] =	sst s0;
	s0 =	simm.s32 @!p2 $0x0  }
0x16: {  	s3 =	sld [smem:$0x3FDB];
	s0 =	simm.s32 @p2 $0x1  }
0x17: {  	s4 =	simm.s32 $0x1BF5;
	[smem:$0x3FBA] =	sst s0  }
0x18: {  	s0 =	sld [smem:$0x3F9D];
	_ =	swait.ge [sflag:s4], $0x0  }
0x19: {  	s7 =	sld [smem:$0x3F9E]  }
0x1a: {  	s8 =	sadd.s32 $0xFFFFE003, lr  }
0x1b: {  	s9 =	sadd.s32 $0xFFFFFEF7, lr;
	s5 =	simm.s32 $0xFFFFFFFF;
	p2 =	slt.u32 s8, $0xFFFFF086  }
0x1c: {  	p1 =	slt.u32 s9, $0xF7A;
	s5 =	simm.s32 @!p2 $0x0  }
0x1d: {  	s5 =	simm.s32 @p1 $0x1;
	p0 =	seq.s32 s7, s2  }
0x1e: {  	s7 =	smul.u32 @!p0 $0xF7A, s2;
	p2 =	seq.s32 @!p0 s5, $0x0  }
0x1f: {  	s9 =	smul.u32 $0xF7A, s1;
	s8 =	simm.s32 @!p0 $0x1BF5;
	p2 =	por !p2, p0  }
0x20: {  	[sflag:s8] =	ssyncset.s32 @!p0 $0xFFFFF086;
	s6 =	sadd.s32 @!p0 s3, s7;
	s7 =	simm.s32 @!p0 $0x108  }
0x21: {  	s3 =	sadd.s32 s3, s9;
	s6 =	sadd.s32 @!p0 $0x88, s6;
	s7 =	simm.s32 @p2 $0x1082  }
0x22: {  	[simem:s7], [sflag:s8] =	dma.local @!p0 [hbm:s6], $0xF7A  }
0x23: {  	s9 =	sor.u32 $0xD0000000, s2;
	s6 =	simm.s32 $0x108;
	_ =	swait.ge @!p0 [sflag:s8], $0x0  }
0x24: {  	s3 =	sadd.s32 $0x88, s3;
	s6 =	simm.s32 @!p1 $0x1082;
	[sflag:s4] =	ssyncset.s32 $0xFFFFF086  }
0x25: {  	[simem:s6], [sflag:s4] =	dma.local [hbm:s3], $0xF7A  }
0x26: {  	[smem:$0x3F9E] =	sst s1;
	(tag) =	ssettag s2;
	_ =	strace s9  }
0x27: {  	s1 =	sld [smem:$0x3FAE]  }
0x28: {  	s2 =	sld [smem:$0x3FAF]  }
0x29: {  	s4 =	sld [smem:$0x3FB1]  }
0x2a: {  	p0 =	seq.s32 s5, $0x0;
	s5 =	sld [smem:$0x3FB2]  }
0x2b: {  	s6 =	sld [smem:$0x3FB3]  }
0x2c: {  	s7 =	sld [smem:$0x3FB4]  }
0x2d: {  	s3 =	simm.s32 $0x108;
	s8 =	sld [smem:$0x3FB5]  }
0x2e: {  	s3 =	simm.s32 @!p0 $0x1082;
	s9 =	sld [smem:$0x3FB6]  }
0x2f: {  	lr =	sadd.s32 s0, s3;
	s0 =	sld [smem:$0x3FAD]  }
0x30: {  	s3 =	sld [smem:$0x3FB0]  }
0x31: {  	[smem:$0x3FB9] =	sst s10  }
0x32: {  	s10 =	sld [smem:$0x3FB7];
	_ =	sdelay $0x3  }
0x33: {  	p0 =	seq.s32 s10, $0x1;
	s10 =	sld [smem:$0x3FB9];
	_ =	sdelay $0x3  }
0x34: {  	[smem:$0x3FB9] =	sst s10  }
0x35: {  	s10 =	sld [smem:$0x3FB8];
	_ =	sdelay $0x3  }
0x36: {  	p1 =	seq.s32 s10, $0x1;
	s10 =	sld [smem:$0x3FB9];
	_ =	sdelay $0x3  }
0x37: {  	[smem:$0x3FB9] =	sst s10  }
0x38: {  	s10 =	sld [smem:$0x3FBA]  }
0x39: {  	_ = 	snop;
	(pc) =	sbr.ind lr, $3  }
0x3a: {  	_ = 	snop  }
0x3b: {  	_ = 	snop  }
0x3c: {  	p2 =	seq.s32 s10, $0x1;
	s10 =	sld [smem:$0x3FB9]  }
0x3d: {  	_ =	shalt  }
0x3e: {  	_ =	shalt  }
0x3f: {  	_ =	shalt  }
0x40: {  	_ =	shalt  }
0x41: {  	_ =	shalt  }
0x42: {  	_ =	shalt  }
0x43: {  	_ =	shalt  }
0x44: {  	_ =	shalt  }
0x45: {  	_ =	shalt  }
0x46: {  	_ =	shalt  }
0x47: {  	_ =	shalt  }
0x48: {  	_ =	shalt  }
0x49: {  	_ =	shalt  }
0x4a: {  	_ =	shalt  }
0x4b: {  	_ =	shalt  }
0x4c: {  	_ =	shalt  }
0x4d: {  	_ =	shalt  }
0x4e: {  	_ =	shalt  }
0x4f: {  	_ =	shalt  }
0x50: {  	_ =	shalt  }
0x51: {  	_ =	shalt  }
0x52: {  	_ =	shalt  }
0x53: {  	_ =	shalt  }
0x54: {  	_ =	shalt  }
0x55: {  	_ =	shalt  }
0x56: {  	_ =	shalt  }
0x57: {  	_ =	shalt  }
0x58: {  	_ =	shalt  }
0x59: {  	_ =	shalt  }
0x5a: {  	_ =	shalt  }
0x5b: {  	_ =	shalt  }
0x5c: {  	_ =	shalt  }
0x5d: {  	_ =	shalt  }
0x5e: {  	_ =	shalt  }
0x5f: {  	_ =	shalt  }
0x60: {  	_ =	shalt  }
0x61: {  	_ =	shalt  }
0x62: {  	_ =	shalt  }
0x63: {  	_ =	shalt  }
0x64: {  	_ =	shalt  }
0x65: {  	_ =	shalt  }
0x66: {  	_ =	shalt  }
0x67: {  	_ =	shalt  }
0x68: {  	_ =	shalt  }
0x69: {  	_ =	shalt  }
0x6a: {  	_ =	shalt  }
0x6b: {  	_ =	shalt  }
0x6c: {  	_ =	shalt  }
0x6d: {  	_ =	shalt  }
0x6e: {  	_ =	shalt  }
0x6f: {  	_ =	shalt  }
0x70: {  	_ =	shalt  }
0x71: {  	_ =	shalt  }
0x72: {  	_ =	shalt  }
0x73: {  	_ =	shalt  }
0x74: {  	_ =	shalt  }
0x75: {  	_ =	shalt  }
0x76: {  	_ =	shalt  }
0x77: {  	_ =	shalt  }
0x78: {  	_ =	shalt  }
0x79: {  	_ =	shalt  }
0x7a: {  	_ =	shalt  }
0x7b: {  	_ =	shalt  }
0x7c: {  	_ =	shalt  }
0x7d: {  	_ =	shalt  }
0x7e: {  	_ =	shalt  }
0x7f: {  	_ =	shalt  }
0x80: {  	_ =	shalt  }
0x81: {  	_ =	shalt  }
0x82: {  	_ =	shalt  }
0x83: {  	_ =	shalt  }
0x84: {  	_ =	shalt  }
0x85: {  	_ =	shalt  }
0x86: {  	_ =	shalt  }
0x87: {  	_ =	shalt  }
.Lfunc_end0:
.L_simem_size_0:
called_computation_lowered:
.L_overlay_start_0:
0x88: {  	s2 =	sld [smem:$0x3FD9]  }
0x89: {  	s3 =	sld [smem:$0x3FFE];
	_ =	sdelay $0x1  }
0x8a: {  	s1 =	srdreg.scid  }
0x8b: {  	s0 =	sand.u32 $0x1, s1  }
0x8c: {  	s18 =	sshll.u32 s0, $0xA;
	s2 =	sadd.s32 s3, s2  }
0x8d: {  	s2 =	sadd.s32 s2, s18  }
0x8e: {  	[smem:$0x3FC5] =	sst s2  }
0x8f: {  	_ = 	snop  }
0x90: {  	s2 =	sld [smem:$0x3FC9]  }
0x91: {  	s19 =	sld [smem:$0x3FC8]  }
0x92: {  	s4 =	sld [smem:$0x3FC7]  }
0x93: {  	s5 =	sld [smem:$0x3FD0];
	(tm) =	ssettm $0x1  }
0x94: {  	s6 =	sld [smem:$0x3FFB];
	_ =	sdelay $0x3  }
0x95: {  	_ =	strace s6  }
0x96: {  	s6 =	sld [smem:$0x3FFC];
	_ =	sdelay $0x3  }
0x97: {  	_ =	strace s6  }
0x98: {  	s6 =	sld [smem:$0x3FFD];
	_ =	sdelay $0x3  }
0x99: {  	_ =	strace s6  }
0x9a: {  	_ =	strace $0x8FFFFFFF  }
0x9b: {  	s20 =	sld [smem:$0x3FDB];
	_ =	sdelay $0x1  }
0x9c: {  	s7 =	simm.s32 $_scs_section_size  }
0x9d: {  	s8 =	simm.s32 $_size__tile_overlayer_lowered;
	s9 =	simm.s32 $_tile_overlayer_lowered  }
0x9e: {  	s23 =	simm.s32 $0x1BFF;
	s22 =	sshll.u32 s9, $0x1;
	s6 =	sadd.s32 s7, s20  }
0x9f: {  	s10 =	simm.s32 $0x0;
	s21 =	sshll.u32 s8, $0x1;
	s8 =	sadd.s32 s22, s6  }
0xa0: {  	[timem:s10], [sflag:s23] =	dma.local [hbm:s8], s21  }
0xa1: {  	_ =	swait.ge [sflag:s23], s21  }
0xa2: {  	s7 =	ssub.s32 $0x0, s21;
	[sflag:s23] =	ssyncset.done $0x0  }
0xa3: {  	[sflag:s23] =	ssyncadd.s32 s7;
	_ =	sdelay $0x1  }
0xa4: {  	s24 =	simm.s32 $0x1B8B  }
0xa5: {  	_ =	swait.ge [sflag:s24], $0x1  }
0xa6: {  	[sflag:s24] =	ssyncset.done $0x0  }
0xa7: {  	s25 =	simm.s32 $0x1B8E;
	[sflag:s24] =	ssyncadd.s32 $0xFFFFFFFF  }
0xa8: {  	s26 =	simm.s32 $execute0_lowered;
	[smem:$0x3FD2] =	sst s25  }
0xa9: {  	s7 =	sshll.u32 s26, $0x1;
	_ =	strace $0x80000046;
	[dreg:$0x1] =	wrdreg $0xFFFFFFFF  }
0xaa: {  	s28 =	simm.s32 $_size_execute0_lowered;
	s6 =	sadd.s32 s6, s7;
	[dreg:$0x0] =	wrdreg $0x0  }
0xab: {  	s7 =	sshll.u32 s28, $0x1;
	[dreg:$0x2] =	wrdreg s6  }
0xac: {  	[dreg:$0x3] =	wrdreg s7  }
0xad: {  	[dreg:$0x4] =	wrdreg $0xC0  }
0xae: {  	_ =	task [dreg:s10], $0x5FFFF  }
0xaf: {  	[dreg:$0x1] =	wrdreg $0xFFFFFFFF  }
0xb0: {  	[dreg:$0x0] =	wrdreg $0x60  }
0xb1: {  	[dreg:$0x2] =	wrdreg s19  }
0xb2: {  	[dreg:$0x3] =	wrdreg s2  }
0xb3: {  	[dreg:$0x4] =	wrdreg s4  }
0xb4: {  	[dreg:$0x5] =	wrdreg s5  }
0xb5: {  	[dreg:$0x6] =	wrdreg $0x9  }
0xb6: {  	_ =	task.clear_ibuf [dreg:s10], $0x7FFFF;
	_ =	strace $0x90000046  }
0xb7: {  	s29 =	simm.s32 $0x9;
	_ =	strace $0x80000048  }
0xb8: {  	_ =	swait.ge [sflag:s29], $0x1  }
0xb9: {  	[sflag:s29] =	ssyncadd.s32 $0xFFFFFFFF  }
0xba: {  	_ =	strace $0x90000048  }
0xbb: {  	_ =	sfence  }
0xbc: {  	s30 =	sld [smem:$0x0];
	_ =	sdelay $0x2  }
0xbd: {  	s31 =	sshll.u32 s1, $0xD;
	s1 =	sshrl.u32 s1, $0x2  }
0xbe: {  	s3 =	sand.u32 $0x4000, s31;
	s1 =	sadd.s32 s1, s30  }
0xbf: {  	s0 =	sor.u32 s3, s0;
	s1 =	sshll.u32 s1, $0x11  }
0xc0: {  	s0 =	sor.u32 s1, s0  }
0xc1: {  	s0 =	sadd.s32 $0x8F2B, s0  }
0xc2: {  	[sflag:s0] =	ssyncadd.remote.s32 $0x1  }
0xc3: {  	_ =	sfence.sel $0xFFFF  }
0xc4: {  	[dreg:$0x0] =	wrdreg $0xFFFFFFFF;
	(pc) =	sbr.abs _section_cstart, $3  }
0xc5: {  	[dreg:$0x1] =	wrdreg $0xFFFFFFFF  }
0xc6: {  	_ =	task.clear_ibuf [dreg:s10], $0x2FFFF;
	_ =	strace $0x9FFFFFFF  }
0xc7: {  	(tm) =	ssettm $0x7FFFFFFF  }
tec
execute0_lowered:
.L_overlay_start_1:
0x0: {  	(tag) =	ssettag $0x1  }
0x1: {  	s0 =	rddreg [dreg:$0x0]  }
0x2: {  	s9 =	rddreg [dreg:$0x1]  }
0x3: {  	s1 =	rddreg [dreg:$0x2]  }
0x4: {  	s19 =	rddreg [dreg:$0x3];
	s4 =	simm.s32 $0x0  }
0x5: {  	s2 =	srdreg.scid;
	s6 =	stileid.u32;
	s14 =	simm.s32 $0x80  }
0x6: {  	s17 =	simm.s32 $0x1E300;
	s15 =	simm.s32 $0x1E400;
	s28 =	simm.s32 $0x1ED00  }
0x7: {  	s29 =	simm.s32 $0x1EE00;
	s30 =	simm.s32 $0x3;
	[smem:$0x7FF] =	sst s4  }
0x8: {  	s2 =	sand.u32 $0x1, s2;
	s5 =	sshll.u32 s6, $0x9;
	s6 =	sshrl.u32 s6, $0x1  }
0x9: {  	s25 =	sadd.s32 $0x40, s9;
	s10 =	sadd.s32 $0x8000, s19;
	s9 =	simm.s32 $0x1E800  }
0xa: {  	_ =	strace $0x80000047;
	s3 =	ssub.s32 $0x2, s2;
	s2 =	sshll.u32 s2, $0x8  }
0xb: {  	s5 =	sand.u32 $0x200, s5;
	s7 =	smul.u32 $0xC3800, s6;
	s20 =	sshll.u32 s6, $0xE  }
0xc: {  	[dreg:$0x8] =	wrdreg s25;
	s25 =	simm.s32 $0x1EB00;
	s8 =	sshrl.u32 s3, $0x1  }
0xd: {  	s2 =	sor.u32 s2, s5;
	s5 =	simm.s32 $0x1E600;
	s3 =	ssub.s32 s3, s8  }
0xe: {  	s21 =	sor.u32 s7, s2;
	s22 =	sor.u32 s20, s2;
	s2 =	sor.u32 $0x80, s2  }
0xf: {  	s6 =	sshrl.u32 s21, $0x3;
	[dreg:$0x5] =	wrdreg s22;
	s8 =	sshrl.u32 s22, $0x3  }
0x10: {  	s24 =	sor.u32 s7, s2;
	s2 =	sor.u32 s20, s2;
	s31 =	smax.u32 s3, $0x1  }
0x11: {  	s21 =	simm.s32 $0x2;
	s22 =	simm.s32 $0x20000;
	s20 =	simm.s32 $0x1E200  }
0x12: {  	s6 =	sadd.s32 s0, s6;
	s23 =	sadd.s32 s1, s8;
	[dreg:$0x9] =	wrdreg s2  }
0x13: {  	s26 =	sshrl.u32 s2, $0x3;
	[dreg:$0xc] =	wrdreg s31;
	s2 =	simm.s32 $0x1E500  }
0x14: {  	s8 =	simm.s32 $0x1E700;
	[dreg:$0x6] =	wrdreg s6;
	s6 =	sshrl.u32 s24, $0x3  }
0x15: {  	[dreg:$0x7] =	wrdreg s23;
	s23 =	simm.s32 $0x1E900;
	s0 =	sadd.s32 s0, s6  }
0x16: {  	s24 =	simm.s32 $0x1EA00;
	[dreg:$0xa] =	wrdreg s0;
	s0 =	sadd.s32 s1, s26  }
0x17: {  	s26 =	simm.s32 $0x1EC00;
	s1 =	simm.s32 $0x0;
	[dreg:$0xb] =	wrdreg s0  }
.LBB2_1:
0x18: {  	[dreg:$0xd] =	wrdreg s1  }
0x19: {  	s0 =	rddreg [dreg:$0x6]  }
0x1a: {  	s3 =	simm.s32 $0x400;
	s12 =	rddreg [dreg:$0x7]  }
0x1b: {  	[tilespmem:s4], [sflag:$0x1] =	stream.strided.gather [hbm4b:s0+s14], $0x18700, s3, s14, $0x38;
	[tilespmem:$0x1EF00] =	vst v63  }
0x1c: {  	s13 =	simm.s32 $0x1C700;
	s16 =	rddreg [dreg:$0x1]  }
0x1d: {  	[tilespmem:s13], [sflag:$0x1] =	stream.strided.gather [hbm4b:s12+s14], $0x800, s3, s14, $0x38;
	[tilespmem:$0x1EF00] =	vst v63  }
0x1e: {  	s6 =	simm.s32 $0x200;
	s7 =	simm.s32 $0x18700;
	s18 =	simm.s32 $0x1  }
0x1f: {  	[tilespmem:s7], [sflag:$0x2] =	stream.strided.gather [hbm4b:s16+s6], $0x2000, s3, s6, $0x38;
	[tilespmem:$0x1EF00] =	vst v63  }
0x20: {  	_ =	swait.ge [sflag:s18], $0x18700  }
0x21: {  	[sflag:s18] =	ssyncset.done $0x0  }
0x22: {  	[sflag:s18] =	ssyncadd.s32 $0xFFFE7900  }
0x23: {  	_ =	swait.ge [sflag:s18], $0x800  }
0x24: {  	[sflag:s18] =	ssyncset.done $0x0  }
0x25: {  	s1 =	simm.s32 $0x400;
	s31 =	simm.s32 $0x0;
	[sflag:s18] =	ssyncadd.s32 $0xFFFFF800  }
.LBB2_2:
0x26: {  	s0 =	sshll.u32 s31, $0xB;
	s3 =	rddreg [dreg:$0x8]  }
0x27: {  	s16 =	simm.s32 $0x200;
	s6 =	simm.s32 $0x1A700;
	s0 =	sadd.s32 s0, s3  }
0x28: {  	[tilespmem:s6], [sflag:$0x2] =	stream.strided.gather [hbm4b:s0+s16], $0x2000, s1, s16, $0x38;
	[tilespmem:$0x1EF00] =	vst v63  }
0x29: {  	_ =	swait.ge [sflag:s21], $0x2000  }
0x2a: {  	p0 =	seq.s32 s31, $0x0;
	[sflag:s21] =	ssyncset.done $0x0  }
0x2b: {  	s0 =	simm.s32 @!p0 $0x3;
	[sflag:s21] =	ssyncadd.s32 $0xFFFFE000  }
0x2c: {  	_ =	swait.ge @!p0 [sflag:s0], $0x1000  }
0x2d: {  	[sflag:s0] =	ssyncset.done @!p0 $0x0  }
0x2e: {  	s18 =	simm.s32 $0x18740;
	[sflag:s0] =	ssyncadd.s32 @!p0 $0xFFFFF000  }
0x2f: {  	v0 =	vld [tilespmem:s18+$0x30]  }
0x30: {  	v1 =	vld [tilespmem:s18+$0xFFFFFFD0]  }
0x31: {  	v2 =	vld [tilespmem:s18+$0xFFFFFFE0]  }
0x32: {  	v3 =	vld [tilespmem:s18+$0xFFFFFFF0]  }
0x33: {  	v5 =	vld [tilespmem:s18+$0x0]  }
0x34: {  	v6 =	vld [tilespmem:s18+$0x10]  }
0x35: {  	v7 =	vld [tilespmem:s18+$0x20]  }
0x36: {  	s3 =	simm.s32 $0x1C740;
	v8 =	vld [tilespmem:s18+$0xFFFFFFC0]  }
0x37: {  	v11 =	vld [tilespmem:s3+$0x30]  }
0x38: {  	v13 =	vld [tilespmem:s3+$0xFFFFFFC0]  }
0x39: {  	v14 =	vld [tilespmem:s3+$0xFFFFFFD0]  }
0x3a: {  	v9 =	vld [tilespmem:s3+$0xFFFFFFE0]  }
0x3b: {  	v10 =	vld.idx.msk [tilespmem:v0+s4+$0x0], $0xffff  }
0x3c: {  	v12 =	vld.idx.msk [tilespmem:v1+s4+$0x0], $0xffff  }
0x3d: {  	v4 =	vld.idx.msk [tilespmem:v2+s4+$0x0], $0xffff  }
0x3e: {  	v3 =	vld.idx.msk [tilespmem:v3+s4+$0x0], $0xffff  }
0x3f: {  	v2 =	vld.idx.msk [tilespmem:v5+s4+$0x0], $0xffff  }
0x40: {  	v8 =	vld.idx.msk [tilespmem:v8+s4+$0x0], $0xffff  }
0x41: {  	v0 =	vld.idx.msk [tilespmem:v6+s4+$0x0], $0xffff  }
0x42: {  	v1 =	vld.idx.msk [tilespmem:v7+s4+$0x0], $0xffff  }
0x43: {  	v6 =	vld [tilespmem:s3+$0xFFFFFFF0]  }
0x44: {  	s7 =	simm.s32 $0x1CF40;
	v5 =	vld [tilespmem:s3+$0x0];
	v10 =	vadd.f32 v11, v10  }
0x45: {  	s11 =	simm.s32 $0x0;
	s12 =	simm.s32 $0x18940;
	s13 =	simm.s32 $0x1C740;
	v7 =	vld [tilespmem:s3+$0x10];
	v11 =	vadd.f32 v13, v8  }
0x46: {  	s6 =	simm.s32 $0x187F0;
	s16 =	simm.s32 $0x1CFF0;
	s0 =	sshll.u32 s31, $0x1;
	v8 =	vld [tilespmem:s3+$0x20];
	[tilespmem:s7+$0x30] =	vst v10;
	v10 =	vadd.f32 v14, v12  }
.LBB2_3:
0x47: {  	v12 =	vld [tilespmem:s12+$0x30];
	s11 =	sadd.s32 $0x8, s11;
	[tilespmem:s7+$0xFFFFFFC0] =	vst v11;
	v4 =	vadd.f32 v9, v4  }
0x48: {  	v9 =	vld [tilespmem:s12+$0xFFFFFFD0];
	p1 =	slt.u32 s11, $0x78;
	[tilespmem:s7+$0xFFFFFFD0] =	vst v10;
	v3 =	vadd.f32 v6, v3  }
0x49: {  	v6 =	vld [tilespmem:s12+$0xFFFFFFE0];
	[tilespmem:s7+$0xFFFFFFE0] =	vst v4;
	v2 =	vadd.f32 v5, v2  }
0x4a: {  	v5 =	vld [tilespmem:s12+$0xFFFFFFF0];
	[tilespmem:s7+$0xFFFFFFF0] =	vst v3;
	v0 =	vadd.f32 v7, v0  }
0x4b: {  	v7 =	vld [tilespmem:s12+$0x0];
	[tilespmem:s7+$0x0] =	vst v2;
	v1 =	vadd.f32 v8, v1  }
0x4c: {  	v8 =	vld [tilespmem:s12+$0x10];
	[tilespmem:s7+$0x10] =	vst v0  }
0x4d: {  	v10 =	vld [tilespmem:s12+$0x20];
	[tilespmem:s7+$0x20] =	vst v1  }
0x4e: {  	v1 =	vld [tilespmem:s12+$0xFFFFFFC0]  }
0x4f: {  	s13 =	sadd.s32 $0x80, s13;
	v11 =	vld.idx.msk [tilespmem:v12+s4+$0x0], $0xffff  }
0x50: {  	v12 =	vld [tilespmem:s13+$0x30]  }
0x51: {  	v13 =	vld.idx.msk [tilespmem:v9+s4+$0x0], $0xffff  }
0x52: {  	v4 =	vld.idx.msk [tilespmem:v6+s4+$0x0], $0xffff  }
0x53: {  	v3 =	vld.idx.msk [tilespmem:v5+s4+$0x0], $0xffff  }
0x54: {  	v2 =	vld.idx.msk [tilespmem:v7+s4+$0x0], $0xffff  }
0x55: {  	v0 =	vld.idx.msk [tilespmem:v8+s4+$0x0], $0xffff;
	v5 =	vadd.f32 v12, v11  }
0x56: {  	s7 =	sadd.s32 $0x100, s7;
	v7 =	vld.idx.msk [tilespmem:v1+s4+$0x0], $0xffff  }
0x57: {  	v1 =	vld.idx.msk [tilespmem:v10+s4+$0x0], $0xffff;
	[tilespmem:s7+$0x30] =	vst v5  }
0x58: {  	v8 =	vld [tilespmem:s13+$0xFFFFFFC0]  }
0x59: {  	v10 =	vld [tilespmem:s13+$0xFFFFFFD0]  }
.Ltmp0:
0x5a: {  	v9 =	vld [tilespmem:s13+$0xFFFFFFE0];
	(pc) =	sbr.rel @p1 .LBB2_3-.Ltmp0, $4  }
0x5b: {  	v6 =	vld [tilespmem:s13+$0xFFFFFFF0]  }
0x5c: {  	v5 =	vld [tilespmem:s13+$0x0]  }
0x5d: {  	v11 =	vadd.f32 v8, v7;
	v7 =	vld [tilespmem:s13+$0x10]  }
0x5e: {  	s12 =	sadd.s32 $0x200, s12;
	v10 =	vadd.f32 v10, v13;
	v8 =	vld [tilespmem:s13+$0x20]  }
0x5f: {  	[tilespmem:s7+$0xFFFFFFC0] =	vst v11;
	v4 =	vadd.f32 v9, v4  }
0x60: {  	[tilespmem:s7+$0xFFFFFFD0] =	vst v10;
	v3 =	vadd.f32 v6, v3  }
0x61: {  	[tilespmem:s7+$0xFFFFFFE0] =	vst v4;
	v2 =	vadd.f32 v5, v2  }
0x62: {  	[tilespmem:s7+$0xFFFFFFF0] =	vst v3;
	v0 =	vadd.f32 v7, v0  }
0x63: {  	[tilespmem:s7+$0x0] =	vst v2;
	v1 =	vadd.f32 v8, v1  }
0x64: {  	[tilespmem:s7+$0x10] =	vst v0  }
0x65: {  	[tilespmem:s7+$0x20] =	vst v1  }
0x66: {  	v0 =	vld [tilespmem:s6+$0x0]  }
0x67: {  	v1 =	vld [tilespmem:s6+$0xFFFFFFA0]  }
0x68: {  	v2 =	vld [tilespmem:s6+$0xFFFFFFB0]  }
0x69: {  	v3 =	vld [tilespmem:s6+$0xFFFFFFC0]  }
0x6a: {  	v5 =	vld [tilespmem:s6+$0xFFFFFFD0]  }
0x6b: {  	v6 =	vld [tilespmem:s6+$0xFFFFFFE0]  }
0x6c: {  	v7 =	vld [tilespmem:s6+$0xFFFFFFF0]  }
0x6d: {  	v8 =	vld [tilespmem:s6+$0xFFFFFF90]  }
0x6e: {  	v11 =	vld [tilespmem:s3+$0x30]  }
0x6f: {  	v13 =	vld [tilespmem:s3+$0xFFFFFFC0]  }
0x70: {  	v14 =	vld [tilespmem:s3+$0xFFFFFFD0]  }
0x71: {  	v9 =	vld [tilespmem:s3+$0xFFFFFFE0]  }
0x72: {  	v10 =	vld.idx.msk [tilespmem:v0+s4+$0x0], $0xffff  }
0x73: {  	v12 =	vld.idx.msk [tilespmem:v1+s4+$0x0], $0xffff  }
0x74: {  	v4 =	vld.idx.msk [tilespmem:v2+s4+$0x0], $0xffff  }
0x75: {  	v3 =	vld.idx.msk [tilespmem:v3+s4+$0x0], $0xffff  }
0x76: {  	v0 =	vld.idx.msk [tilespmem:v6+s4+$0x0], $0xffff  }
0x77: {  	v6 =	vld.idx.msk [tilespmem:v8+s4+$0x0], $0xffff  }
0x78: {  	v2 =	vld.idx.msk [tilespmem:v5+s4+$0x0], $0xffff  }
0x79: {  	v1 =	vld.idx.msk [tilespmem:v7+s4+$0x0], $0xffff  }
0x7a: {  	v8 =	vld [tilespmem:s3+$0xFFFFFFF0]  }
0x7b: {  	v7 =	vld [tilespmem:s3+$0x0];
	v10 =	vadd.f32 v11, v10  }
0x7c: {  	v5 =	vld [tilespmem:s3+$0x10];
	v11 =	vadd.f32 v13, v6  }
0x7d: {  	s7 =	simm.s32 $0x189F0;
	s6 =	simm.s32 $0x0;
	v6 =	vld [tilespmem:s3+$0x20];
	[tilespmem:s16+$0x0] =	vst v10;
	v10 =	vadd.f32 v14, v12  }
.LBB2_5:
0x7e: {  	v12 =	vld [tilespmem:s7+$0x0];
	s6 =	sadd.s32 $0x8, s6;
	[tilespmem:s16+$0xFFFFFF90] =	vst v11;
	v4 =	vadd.f32 v9, v4  }
0x7f: {  	v9 =	vld [tilespmem:s7+$0xFFFFFFA0];
	p1 =	slt.u32 s6, $0x78;
	[tilespmem:s16+$0xFFFFFFA0] =	vst v10;
	v3 =	vadd.f32 v8, v3  }
0x80: {  	v8 =	vld [tilespmem:s7+$0xFFFFFFB0];
	[tilespmem:s16+$0xFFFFFFB0] =	vst v4;
	v2 =	vadd.f32 v7, v2  }
0x81: {  	v7 =	vld [tilespmem:s7+$0xFFFFFFC0];
	[tilespmem:s16+$0xFFFFFFC0] =	vst v3;
	v0 =	vadd.f32 v5, v0  }
0x82: {  	v5 =	vld [tilespmem:s7+$0xFFFFFFD0];
	[tilespmem:s16+$0xFFFFFFD0] =	vst v2;
	v1 =	vadd.f32 v6, v1  }
0x83: {  	v6 =	vld [tilespmem:s7+$0xFFFFFFE0];
	[tilespmem:s16+$0xFFFFFFE0] =	vst v0  }
0x84: {  	v10 =	vld [tilespmem:s7+$0xFFFFFFF0];
	[tilespmem:s16+$0xFFFFFFF0] =	vst v1  }
0x85: {  	v1 =	vld [tilespmem:s7+$0xFFFFFF90]  }
0x86: {  	s3 =	sadd.s32 $0x80, s3;
	v11 =	vld.idx.msk [tilespmem:v12+s4+$0x0], $0xffff  }
0x87: {  	v12 =	vld [tilespmem:s3+$0x30]  }
0x88: {  	v13 =	vld.idx.msk [tilespmem:v9+s4+$0x0], $0xffff  }
0x89: {  	v4 =	vld.idx.msk [tilespmem:v8+s4+$0x0], $0xffff  }
0x8a: {  	v3 =	vld.idx.msk [tilespmem:v7+s4+$0x0], $0xffff  }
0x8b: {  	v2 =	vld.idx.msk [tilespmem:v5+s4+$0x0], $0xffff  }
0x8c: {  	v0 =	vld.idx.msk [tilespmem:v6+s4+$0x0], $0xffff;
	v5 =	vadd.f32 v12, v11  }
0x8d: {  	s16 =	sadd.s32 $0x100, s16;
	v6 =	vld.idx.msk [tilespmem:v1+s4+$0x0], $0xffff  }
0x8e: {  	v1 =	vld.idx.msk [tilespmem:v10+s4+$0x0], $0xffff;
	[tilespmem:s16+$0x0] =	vst v5  }
0x8f: {  	v5 =	vld [tilespmem:s3+$0xFFFFFFC0]  }
0x90: {  	v10 =	vld [tilespmem:s3+$0xFFFFFFD0]  }
.Ltmp1:
0x91: {  	v9 =	vld [tilespmem:s3+$0xFFFFFFE0];
	(pc) =	sbr.rel @p1 .LBB2_5-.Ltmp1, $4  }
0x92: {  	v8 =	vld [tilespmem:s3+$0xFFFFFFF0]  }
0x93: {  	v7 =	vld [tilespmem:s3+$0x0]  }
0x94: {  	v11 =	vadd.f32 v5, v6;
	v5 =	vld [tilespmem:s3+$0x10]  }
0x95: {  	s7 =	sadd.s32 $0x200, s7;
	v10 =	vadd.f32 v10, v13;
	v6 =	vld [tilespmem:s3+$0x20]  }
0x96: {  	[tilespmem:s16+$0xFFFFFF90] =	vst v11;
	v4 =	vadd.f32 v9, v4  }
0x97: {  	[tilespmem:s16+$0xFFFFFFA0] =	vst v10;
	v3 =	vadd.f32 v8, v3  }
0x98: {  	[tilespmem:s16+$0xFFFFFFB0] =	vst v4;
	v2 =	vadd.f32 v7, v2  }
0x99: {  	[tilespmem:s16+$0xFFFFFFC0] =	vst v3  }
0x9a: {  	[tilespmem:s16+$0xFFFFFFD0] =	vst v2  }
0x9b: {  	s3 =	sshll.u32 s31, $0x14;
	v0 =	vadd.f32 v5, v0;
	s6 =	rddreg [dreg:$0x5]  }
0x9c: {  	v1 =	vadd.f32 v6, v1;
	s3 =	sor.u32 s6, s3  }
0x9d: {  	[tilespmem:s16+$0xFFFFFFE0] =	vst v0;
	s3 =	sshrl.u32 s3, $0x3  }
0x9e: {  	s7 =	simm.s32 $0x1CF00;
	[tilespmem:s16+$0xFFFFFFF0] =	vst v1;
	s6 =	sadd.s32 s19, s3  }
0x9f: {  	[hbm4b:s6+s14] =	stream.strided.scatter [tilespmem:s7], [sflag:$0x3], $0x100, s22, s14, $0x38;
	[tilespmem:$0x1EF00] =	vst v63  }
0xa0: {  	s18 =	smov.u32 s19;
	s11 =	simm.s32 $0x1D000;
	s19 =	sadd.s32 $0x80, s6  }
0xa1: {  	[hbm4b:s19+s14] =	stream.strided.scatter [tilespmem:s11], [sflag:$0x3], $0x100, s22, s14, $0x38;
	[tilespmem:$0x1EF00] =	vst v63  }
0xa2: {  	s13 =	simm.s32 $0x1D100;
	s12 =	sadd.s32 $0x100, s6  }
0xa3: {  	[hbm4b:s12+s14] =	stream.strided.scatter [tilespmem:s13], [sflag:$0x3], $0x100, s22, s14, $0x38;
	[tilespmem:$0x1EF00] =	vst v63  }
0xa4: {  	s16 =	sadd.s32 $0x180, s6;
	s19 =	simm.s32 $0x1D200  }
0xa5: {  	[hbm4b:s16+s14] =	stream.strided.scatter [tilespmem:s19], [sflag:$0x3], $0x100, s22, s14, $0x38;
	[tilespmem:$0x1EF00] =	vst v63  }
0xa6: {  	s12 =	sadd.s32 $0x200, s6;
	s13 =	simm.s32 $0x1D300  }
0xa7: {  	[hbm4b:s12+s14] =	stream.strided.scatter [tilespmem:s13], [sflag:$0x3], $0x100, s22, s14, $0x38;
	[tilespmem:$0x1EF00] =	vst v63  }
0xa8: {  	s16 =	sadd.s32 $0x280, s6;
	s19 =	simm.s32 $0x1D400  }
0xa9: {  	[hbm4b:s16+s14] =	stream.strided.scatter [tilespmem:s19], [sflag:$0x3], $0x100, s22, s14, $0x38;
	[tilespmem:$0x1EF00] =	vst v63  }
0xaa: {  	s12 =	sadd.s32 $0x300, s6;
	s13 =	simm.s32 $0x1D500  }
0xab: {  	[hbm4b:s12+s14] =	stream.strided.scatter [tilespmem:s13], [sflag:$0x3], $0x100, s22, s14, $0x38;
	[tilespmem:$0x1EF00] =	vst v63  }
0xac: {  	s16 =	sadd.s32 $0x380, s6;
	s19 =	simm.s32 $0x1D600  }
0xad: {  	[hbm4b:s16+s14] =	stream.strided.scatter [tilespmem:s19], [sflag:$0x3], $0x100, s22, s14, $0x38;
	[tilespmem:$0x1EF00] =	vst v63  }
0xae: {  	s12 =	sadd.s32 $0x400, s6;
	s13 =	simm.s32 $0x1D700  }
0xaf: {  	[hbm4b:s12+s14] =	stream.strided.scatter [tilespmem:s13], [sflag:$0x3], $0x100, s22, s14, $0x38;
	[tilespmem:$0x1EF00] =	vst v63  }
0xb0: {  	s16 =	sadd.s32 $0x480, s6;
	s19 =	simm.s32 $0x1D800  }
0xb1: {  	[hbm4b:s16+s14] =	stream.strided.scatter [tilespmem:s19], [sflag:$0x3], $0x100, s22, s14, $0x38;
	[tilespmem:$0x1EF00] =	vst v63  }
0xb2: {  	s12 =	sadd.s32 $0x500, s6;
	s13 =	simm.s32 $0x1D900  }
0xb3: {  	[hbm4b:s12+s14] =	stream.strided.scatter [tilespmem:s13], [sflag:$0x3], $0x100, s22, s14, $0x38;
	[tilespmem:$0x1EF00] =	vst v63  }
0xb4: {  	s16 =	sadd.s32 $0x580, s6;
	s19 =	simm.s32 $0x1DA00  }
0xb5: {  	[hbm4b:s16+s14] =	stream.strided.scatter [tilespmem:s19], [sflag:$0x3], $0x100, s22, s14, $0x38;
	[tilespmem:$0x1EF00] =	vst v63  }
0xb6: {  	s12 =	sadd.s32 $0x600, s6;
	s13 =	simm.s32 $0x1DB00  }
0xb7: {  	[hbm4b:s12+s14] =	stream.strided.scatter [tilespmem:s13], [sflag:$0x3], $0x100, s22, s14, $0x38;
	[tilespmem:$0x1EF00] =	vst v63  }
0xb8: {  	s16 =	sadd.s32 $0x680, s6;
	s19 =	simm.s32 $0x1DC00  }
0xb9: {  	[hbm4b:s16+s14] =	stream.strided.scatter [tilespmem:s19], [sflag:$0x3], $0x100, s22, s14, $0x38;
	[tilespmem:$0x1EF00] =	vst v63  }
0xba: {  	s12 =	sadd.s32 $0x700, s6;
	s13 =	simm.s32 $0x1DD00  }
0xbb: {  	[hbm4b:s12+s14] =	stream.strided.scatter [tilespmem:s13], [sflag:$0x3], $0x100, s22, s14, $0x38;
	[tilespmem:$0x1EF00] =	vst v63  }
0xbc: {  	s6 =	sadd.s32 $0x780, s6;
	s16 =	simm.s32 $0x1DE00  }
0xbd: {  	[hbm4b:s6+s14] =	stream.strided.scatter [tilespmem:s16], [sflag:$0x3], $0x100, s22, s14, $0x38;
	[tilespmem:$0x1EF00] =	vst v63  }
0xbe: {  	s6 =	simm.s32 @!p0 $0x3  }
0xbf: {  	_ =	swait.ge @!p0 [sflag:s6], $0x1000  }
0xc0: {  	[sflag:s6] =	ssyncset.done @!p0 $0x0  }
0xc1: {  	s19 =	simm.s32 $0x18870;
	[sflag:s6] =	ssyncadd.s32 @!p0 $0xFFFFF000  }
0xc2: {  	v0 =	vld [tilespmem:s19+$0x0]  }
0xc3: {  	v1 =	vld [tilespmem:s19+$0xFFFFFFA0]  }
0xc4: {  	v2 =	vld [tilespmem:s19+$0xFFFFFFB0]  }
0xc5: {  	v3 =	vld [tilespmem:s19+$0xFFFFFFC0]  }
0xc6: {  	v5 =	vld [tilespmem:s19+$0xFFFFFFD0]  }
0xc7: {  	v6 =	vld [tilespmem:s19+$0xFFFFFFE0]  }
0xc8: {  	v7 =	vld [tilespmem:s19+$0xFFFFFFF0]  }
0xc9: {  	s16 =	simm.s32 $0x1C740;
	v8 =	vld [tilespmem:s19+$0xFFFFFF90]  }
0xca: {  	v11 =	vld [tilespmem:s16+$0x30]  }
0xcb: {  	v13 =	vld [tilespmem:s16+$0xFFFFFFC0]  }
0xcc: {  	v14 =	vld [tilespmem:s16+$0xFFFFFFD0]  }
0xcd: {  	v9 =	vld [tilespmem:s16+$0xFFFFFFE0]  }
0xce: {  	v10 =	vld.idx.msk [tilespmem:v0+s4+$0x0], $0xffff  }
0xcf: {  	v12 =	vld.idx.msk [tilespmem:v1+s4+$0x0], $0xffff  }
0xd0: {  	v4 =	vld.idx.msk [tilespmem:v2+s4+$0x0], $0xffff  }
0xd1: {  	v3 =	vld.idx.msk [tilespmem:v3+s4+$0x0], $0xffff  }
0xd2: {  	v2 =	vld.idx.msk [tilespmem:v5+s4+$0x0], $0xffff  }
0xd3: {  	v8 =	vld.idx.msk [tilespmem:v8+s4+$0x0], $0xffff  }
0xd4: {  	v0 =	vld.idx.msk [tilespmem:v6+s4+$0x0], $0xffff  }
0xd5: {  	v1 =	vld.idx.msk [tilespmem:v7+s4+$0x0], $0xffff  }
0xd6: {  	v7 =	vld [tilespmem:s16+$0xFFFFFFF0]  }
0xd7: {  	v5 =	vld [tilespmem:s16+$0x0];
	v10 =	vadd.f32 v11, v10  }
0xd8: {  	s7 =	simm.s32 $0x188F0;
	s11 =	simm.s32 $0x1DF40;
	s12 =	simm.s32 $0x0;
	v6 =	vld [tilespmem:s16+$0x10];
	v11 =	vadd.f32 v13, v8  }
0xd9: {  	s13 =	simm.s32 $0x18A70;
	s6 =	simm.s32 $0x1DFF0;
	s19 =	simm.s32 $0x1C740;
	v8 =	vld [tilespmem:s16+$0x20];
	[tilespmem:s11+$0x30] =	vst v10;
	v10 =	vadd.f32 v14, v12  }
.LBB2_7:
0xda: {  	v12 =	vld [tilespmem:s13+$0x0];
	s12 =	sadd.s32 $0x8, s12;
	[tilespmem:s11+$0xFFFFFFC0] =	vst v11;
	v4 =	vadd.f32 v9, v4  }
0xdb: {  	v9 =	vld [tilespmem:s13+$0xFFFFFFA0];
	p0 =	slt.u32 s12, $0x78;
	[tilespmem:s11+$0xFFFFFFD0] =	vst v10;
	v3 =	vadd.f32 v7, v3  }
0xdc: {  	v7 =	vld [tilespmem:s13+$0xFFFFFFB0];
	[tilespmem:s11+$0xFFFFFFE0] =	vst v4;
	v2 =	vadd.f32 v5, v2  }
0xdd: {  	v5 =	vld [tilespmem:s13+$0xFFFFFFC0];
	[tilespmem:s11+$0xFFFFFFF0] =	vst v3;
	v0 =	vadd.f32 v6, v0  }
0xde: {  	v6 =	vld [tilespmem:s13+$0xFFFFFFD0];
	[tilespmem:s11+$0x0] =	vst v2;
	v1 =	vadd.f32 v8, v1  }
0xdf: {  	v8 =	vld [tilespmem:s13+$0xFFFFFFE0];
	[tilespmem:s11+$0x10] =	vst v0  }
0xe0: {  	v10 =	vld [tilespmem:s13+$0xFFFFFFF0];
	[tilespmem:s11+$0x20] =	vst v1  }
0xe1: {  	v1 =	vld [tilespmem:s13+$0xFFFFFF90]  }
0xe2: {  	s19 =	sadd.s32 $0x80, s19;
	v11 =	vld.idx.msk [tilespmem:v12+s4+$0x0], $0xffff  }
0xe3: {  	v12 =	vld [tilespmem:s19+$0x30]  }
0xe4: {  	v13 =	vld.idx.msk [tilespmem:v9+s4+$0x0], $0xffff  }
0xe5: {  	v4 =	vld.idx.msk [tilespmem:v7+s4+$0x0], $0xffff  }
0xe6: {  	v3 =	vld.idx.msk [tilespmem:v5+s4+$0x0], $0xffff  }
0xe7: {  	v2 =	vld.idx.msk [tilespmem:v6+s4+$0x0], $0xffff  }
0xe8: {  	v0 =	vld.idx.msk [tilespmem:v8+s4+$0x0], $0xffff;
	v5 =	vadd.f32 v12, v11  }
0xe9: {  	s11 =	sadd.s32 $0x100, s11;
	v6 =	vld.idx.msk [tilespmem:v1+s4+$0x0], $0xffff  }
0xea: {  	v1 =	vld.idx.msk [tilespmem:v10+s4+$0x0], $0xffff;
	[tilespmem:s11+$0x30] =	vst v5  }
0xeb: {  	v8 =	vld [tilespmem:s19+$0xFFFFFFC0]  }
0xec: {  	v10 =	vld [tilespmem:s19+$0xFFFFFFD0]  }
.Ltmp2:
0xed: {  	v9 =	vld [tilespmem:s19+$0xFFFFFFE0];
	(pc) =	sbr.rel @p0 .LBB2_7-.Ltmp2, $4  }
0xee: {  	v7 =	vld [tilespmem:s19+$0xFFFFFFF0]  }
0xef: {  	v5 =	vld [tilespmem:s19+$0x0]  }
0xf0: {  	v11 =	vadd.f32 v8, v6;
	v6 =	vld [tilespmem:s19+$0x10]  }
0xf1: {  	s13 =	sadd.s32 $0x200, s13;
	v10 =	vadd.f32 v10, v13;
	v8 =	vld [tilespmem:s19+$0x20]  }
0xf2: {  	[tilespmem:s11+$0xFFFFFFC0] =	vst v11;
	v4 =	vadd.f32 v9, v4  }
0xf3: {  	[tilespmem:s11+$0xFFFFFFD0] =	vst v10;
	v3 =	vadd.f32 v7, v3  }
0xf4: {  	[tilespmem:s11+$0xFFFFFFE0] =	vst v4;
	v2 =	vadd.f32 v5, v2  }
0xf5: {  	[tilespmem:s11+$0xFFFFFFF0] =	vst v3;
	v0 =	vadd.f32 v6, v0  }
0xf6: {  	[tilespmem:s11+$0x0] =	vst v2;
	v1 =	vadd.f32 v8, v1  }
0xf7: {  	[tilespmem:s11+$0x10] =	vst v0  }
0xf8: {  	[tilespmem:s11+$0x20] =	vst v1  }
0xf9: {  	v0 =	vld [tilespmem:s7+$0x0]  }
0xfa: {  	v1 =	vld [tilespmem:s7+$0xFFFFFFA0]  }
0xfb: {  	v2 =	vld [tilespmem:s7+$0xFFFFFFB0]  }
0xfc: {  	v3 =	vld [tilespmem:s7+$0xFFFFFFC0]  }
0xfd: {  	v5 =	vld [tilespmem:s7+$0xFFFFFFD0]  }
0xfe: {  	v6 =	vld [tilespmem:s7+$0xFFFFFFE0]  }
0xff: {  	v7 =	vld [tilespmem:s7+$0xFFFFFFF0]  }
0x100: {  	v8 =	vld [tilespmem:s7+$0xFFFFFF90]  }
0x101: {  	v11 =	vld [tilespmem:s16+$0x30]  }
0x102: {  	v14 =	vld [tilespmem:s16+$0xFFFFFFD0]  }
0x103: {  	v9 =	vld [tilespmem:s16+$0xFFFFFFE0]  }
0x104: {  	v10 =	vld.idx.msk [tilespmem:v0+s4+$0x0], $0xffff  }
0x105: {  	v12 =	vld.idx.msk [tilespmem:v1+s4+$0x0], $0xffff  }
0x106: {  	v4 =	vld.idx.msk [tilespmem:v2+s4+$0x0], $0xffff  }
0x107: {  	v3 =	vld.idx.msk [tilespmem:v3+s4+$0x0], $0xffff  }
0x108: {  	v13 =	vld.idx.msk [tilespmem:v8+s4+$0x0], $0xffff  }
0x109: {  	v1 =	vld.idx.msk [tilespmem:v7+s4+$0x0], $0xffff  }
0x10a: {  	v7 =	vld [tilespmem:s16+$0xFFFFFFC0]  }
0x10b: {  	v2 =	vld.idx.msk [tilespmem:v5+s4+$0x0], $0xffff  }
0x10c: {  	v0 =	vld.idx.msk [tilespmem:v6+s4+$0x0], $0xffff  }
0x10d: {  	v8 =	vld [tilespmem:s16+$0xFFFFFFF0]  }
0x10e: {  	v6 =	vld [tilespmem:s16+$0x0];
	v10 =	vadd.f32 v11, v10  }
0x10f: {  	v5 =	vld [tilespmem:s16+$0x10];
	v11 =	vadd.f32 v7, v13  }
0x110: {  	s11 =	simm.s32 $0x18AF0;
	s7 =	simm.s32 $0x0;
	v7 =	vld [tilespmem:s16+$0x20];
	[tilespmem:s6+$0x0] =	vst v10;
	v10 =	vadd.f32 v14, v12  }
.LBB2_9:
0x111: {  	v12 =	vld [tilespmem:s11+$0x0];
	s7 =	sadd.s32 $0x8, s7;
	[tilespmem:s6+$0xFFFFFF90] =	vst v11;
	v4 =	vadd.f32 v9, v4  }
0x112: {  	v9 =	vld [tilespmem:s11+$0xFFFFFFA0];
	p0 =	slt.u32 s7, $0x78;
	[tilespmem:s6+$0xFFFFFFA0] =	vst v10;
	v3 =	vadd.f32 v8, v3  }
0x113: {  	v8 =	vld [tilespmem:s11+$0xFFFFFFB0];
	[tilespmem:s6+$0xFFFFFFB0] =	vst v4;
	v2 =	vadd.f32 v6, v2  }
0x114: {  	v6 =	vld [tilespmem:s11+$0xFFFFFFC0];
	[tilespmem:s6+$0xFFFFFFC0] =	vst v3;
	v0 =	vadd.f32 v5, v0  }
0x115: {  	v5 =	vld [tilespmem:s11+$0xFFFFFFD0];
	[tilespmem:s6+$0xFFFFFFD0] =	vst v2;
	v1 =	vadd.f32 v7, v1  }
0x116: {  	v7 =	vld [tilespmem:s11+$0xFFFFFFE0];
	[tilespmem:s6+$0xFFFFFFE0] =	vst v0  }
0x117: {  	v10 =	vld [tilespmem:s11+$0xFFFFFFF0];
	[tilespmem:s6+$0xFFFFFFF0] =	vst v1  }
0x118: {  	v1 =	vld [tilespmem:s11+$0xFFFFFF90]  }
0x119: {  	s16 =	sadd.s32 $0x80, s16;
	v11 =	vld.idx.msk [tilespmem:v12+s4+$0x0], $0xffff  }
0x11a: {  	v12 =	vld [tilespmem:s16+$0x30]  }
0x11b: {  	v13 =	vld.idx.msk [tilespmem:v9+s4+$0x0], $0xffff  }
0x11c: {  	v4 =	vld.idx.msk [tilespmem:v8+s4+$0x0], $0xffff  }
0x11d: {  	v3 =	vld.idx.msk [tilespmem:v6+s4+$0x0], $0xffff  }
0x11e: {  	v2 =	vld.idx.msk [tilespmem:v5+s4+$0x0], $0xffff  }
0x11f: {  	v0 =	vld.idx.msk [tilespmem:v7+s4+$0x0], $0xffff;
	v5 =	vadd.f32 v12, v11  }
0x120: {  	s6 =	sadd.s32 $0x100, s6;
	v7 =	vld.idx.msk [tilespmem:v1+s4+$0x0], $0xffff  }
0x121: {  	v1 =	vld.idx.msk [tilespmem:v10+s4+$0x0], $0xffff;
	[tilespmem:s6+$0x0] =	vst v5  }
0x122: {  	v5 =	vld [tilespmem:s16+$0xFFFFFFC0]  }
0x123: {  	v10 =	vld [tilespmem:s16+$0xFFFFFFD0]  }
.Ltmp3:
0x124: {  	v9 =	vld [tilespmem:s16+$0xFFFFFFE0];
	(pc) =	sbr.rel @p0 .LBB2_9-.Ltmp3, $4  }
0x125: {  	v8 =	vld [tilespmem:s16+$0xFFFFFFF0]  }
0x126: {  	v6 =	vld [tilespmem:s16+$0x0]  }
0x127: {  	v11 =	vadd.f32 v5, v7;
	v5 =	vld [tilespmem:s16+$0x10]  }
0x128: {  	s11 =	sadd.s32 $0x200, s11;
	v10 =	vadd.f32 v10, v13;
	v7 =	vld [tilespmem:s16+$0x20]  }
0x129: {  	[tilespmem:s6+$0xFFFFFF90] =	vst v11;
	v4 =	vadd.f32 v9, v4  }
0x12a: {  	[tilespmem:s6+$0xFFFFFFA0] =	vst v10;
	v3 =	vadd.f32 v8, v3  }
0x12b: {  	[tilespmem:s6+$0xFFFFFFB0] =	vst v4;
	v2 =	vadd.f32 v6, v2  }
0x12c: {  	[tilespmem:s6+$0xFFFFFFC0] =	vst v3;
	v0 =	vadd.f32 v5, v0  }
0x12d: {  	[tilespmem:s6+$0xFFFFFFD0] =	vst v2;
	v1 =	vadd.f32 v7, v1  }
0x12e: {  	[tilespmem:s6+$0xFFFFFFE0] =	vst v0  }
0x12f: {  	s3 =	sadd.s32 s3, s10;
	s12 =	simm.s32 $0x1DF00;
	[tilespmem:s6+$0xFFFFFFF0] =	vst v1  }
0x130: {  	[hbm4b:s3+s14] =	stream.strided.scatter [tilespmem:s12], [sflag:$0x3], $0x100, s22, s14, $0x38;
	[tilespmem:$0x1EF00] =	vst v63  }
0x131: {  	s7 =	simm.s32 $0x1E000;
	s13 =	sadd.s32 $0x80, s3  }
0x132: {  	[hbm4b:s13+s14] =	stream.strided.scatter [tilespmem:s7], [sflag:$0x3], $0x100, s22, s14, $0x38;
	[tilespmem:$0x1EF00] =	vst v63  }
0x133: {  	s19 =	simm.s32 $0x1E100;
	s16 =	sadd.s32 $0x100, s3  }
0x134: {  	[hbm4b:s16+s14] =	stream.strided.scatter [tilespmem:s19], [sflag:$0x3], $0x100, s22, s14, $0x38;
	[tilespmem:$0x1EF00] =	vst v63  }
0x135: {  	s11 =	sadd.s32 $0x180, s3  }
0x136: {  	[hbm4b:s11+s14] =	stream.strided.scatter [tilespmem:s20], [sflag:$0x3], $0x100, s22, s14, $0x38;
	[tilespmem:$0x1EF00] =	vst v63  }
0x137: {  	s12 =	sadd.s32 $0x200, s3  }
0x138: {  	[hbm4b:s12+s14] =	stream.strided.scatter [tilespmem:s17], [sflag:$0x3], $0x100, s22, s14, $0x38;
	[tilespmem:$0x1EF00] =	vst v63  }
0x139: {  	s13 =	sadd.s32 $0x280, s3  }
0x13a: {  	[hbm4b:s13+s14] =	stream.strided.scatter [tilespmem:s15], [sflag:$0x3], $0x100, s22, s14, $0x38;
	[tilespmem:$0x1EF00] =	vst v63  }
0x13b: {  	s16 =	sadd.s32 $0x300, s3  }
0x13c: {  	[hbm4b:s16+s14] =	stream.strided.scatter [tilespmem:s2], [sflag:$0x3], $0x100, s22, s14, $0x38;
	[tilespmem:$0x1EF00] =	vst v63  }
0x13d: {  	s19 =	sadd.s32 $0x380, s3  }
0x13e: {  	[hbm4b:s19+s14] =	stream.strided.scatter [tilespmem:s5], [sflag:$0x3], $0x100, s22, s14, $0x38;
	[tilespmem:$0x1EF00] =	vst v63  }
0x13f: {  	s7 =	sadd.s32 $0x400, s3  }
0x140: {  	[hbm4b:s7+s14] =	stream.strided.scatter [tilespmem:s8], [sflag:$0x3], $0x100, s22, s14, $0x38;
	[tilespmem:$0x1EF00] =	vst v63  }
0x141: {  	s11 =	sadd.s32 $0x480, s3  }
0x142: {  	[hbm4b:s11+s14] =	stream.strided.scatter [tilespmem:s9], [sflag:$0x3], $0x100, s22, s14, $0x38;
	[tilespmem:$0x1EF00] =	vst v63  }
0x143: {  	s12 =	sadd.s32 $0x500, s3  }
0x144: {  	[hbm4b:s12+s14] =	stream.strided.scatter [tilespmem:s23], [sflag:$0x3], $0x100, s22, s14, $0x38;
	[tilespmem:$0x1EF00] =	vst v63  }
0x145: {  	s13 =	sadd.s32 $0x580, s3  }
0x146: {  	[hbm4b:s13+s14] =	stream.strided.scatter [tilespmem:s24], [sflag:$0x3], $0x100, s22, s14, $0x38;
	[tilespmem:$0x1EF00] =	vst v63  }
0x147: {  	s16 =	sadd.s32 $0x600, s3  }
0x148: {  	[hbm4b:s16+s14] =	stream.strided.scatter [tilespmem:s25], [sflag:$0x3], $0x100, s22, s14, $0x38;
	[tilespmem:$0x1EF00] =	vst v63  }
0x149: {  	s19 =	sadd.s32 $0x680, s3  }
0x14a: {  	[hbm4b:s19+s14] =	stream.strided.scatter [tilespmem:s26], [sflag:$0x3], $0x100, s22, s14, $0x38;
	[tilespmem:$0x1EF00] =	vst v63  }
0x14b: {  	s0 =	sor.u32 $0x1, s0;
	s7 =	sadd.s32 $0x700, s3  }
0x14c: {  	[hbm4b:s7+s14] =	stream.strided.scatter [tilespmem:s28], [sflag:$0x3], $0x100, s22, s14, $0x38;
	[tilespmem:$0x1EF00] =	vst v63  }
0x14d: {  	s3 =	sadd.s32 $0x780, s3;
	s11 =	sshll.u32 s0, $0xA  }
0x14e: {  	[hbm4b:s3+s14] =	stream.strided.scatter [tilespmem:s29], [sflag:$0x3], $0x100, s22, s14, $0x38;
	[tilespmem:$0x1EF00] =	vst v63  }
0x14f: {  	s3 =	sadd.s32 $0x400, s11  }
0x150: {  	s12 =	rddreg [dreg:$0x1];
	s3 =	sand.u32 $0x3800, s3  }
0x151: {  	s13 =	simm.s32 $0x200;
	s16 =	simm.s32 $0x18700;
	s3 =	sadd.s32 s12, s3  }
0x152: {  	[tilespmem:s16], [sflag:$0x2] =	stream.strided.gather [hbm4b:s3+s13], $0x2000, s1, s13, $0x38;
	[tilespmem:$0x1EF00] =	vst v63  }
0x153: {  	_ =	swait.ge [sflag:s21], $0x2000  }
0x154: {  	[sflag:s21] =	ssyncset.done $0x0  }
0x155: {  	[sflag:s21] =	ssyncadd.s32 $0xFFFFE000  }
0x156: {  	_ =	swait.ge [sflag:s30], $0x1000  }
0x157: {  	[sflag:s30] =	ssyncset.done $0x0  }
0x158: {  	s19 =	simm.s32 $0x1A740;
	[sflag:s30] =	ssyncadd.s32 $0xFFFFF000  }
0x159: {  	v0 =	vld [tilespmem:s19+$0x30]  }
0x15a: {  	v1 =	vld [tilespmem:s19+$0xFFFFFFD0]  }
0x15b: {  	v2 =	vld [tilespmem:s19+$0xFFFFFFE0]  }
0x15c: {  	v3 =	vld [tilespmem:s19+$0xFFFFFFF0]  }
0x15d: {  	v5 =	vld [tilespmem:s19+$0x0]  }
0x15e: {  	v6 =	vld [tilespmem:s19+$0x10]  }
0x15f: {  	v7 =	vld [tilespmem:s19+$0x20]  }
0x160: {  	s3 =	simm.s32 $0x1C740;
	v8 =	vld [tilespmem:s19+$0xFFFFFFC0]  }
0x161: {  	v11 =	vld [tilespmem:s3+$0x30]  }
0x162: {  	v13 =	vld [tilespmem:s3+$0xFFFFFFC0]  }
0x163: {  	v14 =	vld [tilespmem:s3+$0xFFFFFFD0]  }
0x164: {  	v9 =	vld [tilespmem:s3+$0xFFFFFFE0]  }
0x165: {  	v10 =	vld.idx.msk [tilespmem:v0+s4+$0x0], $0xffff  }
0x166: {  	v12 =	vld.idx.msk [tilespmem:v1+s4+$0x0], $0xffff  }
0x167: {  	v4 =	vld.idx.msk [tilespmem:v2+s4+$0x0], $0xffff  }
0x168: {  	v3 =	vld.idx.msk [tilespmem:v3+s4+$0x0], $0xffff  }
0x169: {  	v2 =	vld.idx.msk [tilespmem:v5+s4+$0x0], $0xffff  }
0x16a: {  	v8 =	vld.idx.msk [tilespmem:v8+s4+$0x0], $0xffff  }
0x16b: {  	v0 =	vld.idx.msk [tilespmem:v6+s4+$0x0], $0xffff  }
0x16c: {  	v1 =	vld.idx.msk [tilespmem:v7+s4+$0x0], $0xffff  }
0x16d: {  	v7 =	vld [tilespmem:s3+$0xFFFFFFF0]  }
0x16e: {  	v5 =	vld [tilespmem:s3+$0x0];
	v10 =	vadd.f32 v11, v10  }
0x16f: {  	s7 =	simm.s32 $0x1A7F0;
	s11 =	simm.s32 $0x1CF40;
	s12 =	simm.s32 $0x0;
	v6 =	vld [tilespmem:s3+$0x10];
	v11 =	vadd.f32 v13, v8  }
0x170: {  	s16 =	simm.s32 $0x1A940;
	s13 =	simm.s32 $0x1C740;
	s19 =	smov.u32 s18;
	v8 =	vld [tilespmem:s3+$0x20];
	[tilespmem:s11+$0x30] =	vst v10;
	v10 =	vadd.f32 v14, v12  }
.LBB2_11:
0x171: {  	v12 =	vld [tilespmem:s16+$0x30];
	s12 =	sadd.s32 $0x8, s12;
	[tilespmem:s11+$0xFFFFFFC0] =	vst v11;
	v4 =	vadd.f32 v9, v4  }
0x172: {  	v9 =	vld [tilespmem:s16+$0xFFFFFFD0];
	p0 =	slt.u32 s12, $0x78;
	[tilespmem:s11+$0xFFFFFFD0] =	vst v10;
	v3 =	vadd.f32 v7, v3  }
0x173: {  	v7 =	vld [tilespmem:s16+$0xFFFFFFE0];
	[tilespmem:s11+$0xFFFFFFE0] =	vst v4;
	v2 =	vadd.f32 v5, v2  }
0x174: {  	v5 =	vld [tilespmem:s16+$0xFFFFFFF0];
	[tilespmem:s11+$0xFFFFFFF0] =	vst v3;
	v0 =	vadd.f32 v6, v0  }
0x175: {  	v6 =	vld [tilespmem:s16+$0x0];
	[tilespmem:s11+$0x0] =	vst v2;
	v1 =	vadd.f32 v8, v1  }
0x176: {  	v8 =	vld [tilespmem:s16+$0x10];
	[tilespmem:s11+$0x10] =	vst v0  }
0x177: {  	v10 =	vld [tilespmem:s16+$0x20];
	[tilespmem:s11+$0x20] =	vst v1  }
0x178: {  	v1 =	vld [tilespmem:s16+$0xFFFFFFC0]  }
0x179: {  	s13 =	sadd.s32 $0x80, s13;
	v11 =	vld.idx.msk [tilespmem:v12+s4+$0x0], $0xffff  }
0x17a: {  	v12 =	vld [tilespmem:s13+$0x30]  }
0x17b: {  	v13 =	vld.idx.msk [tilespmem:v9+s4+$0x0], $0xffff  }
0x17c: {  	v4 =	vld.idx.msk [tilespmem:v7+s4+$0x0], $0xffff  }
0x17d: {  	v3 =	vld.idx.msk [tilespmem:v5+s4+$0x0], $0xffff  }
0x17e: {  	v2 =	vld.idx.msk [tilespmem:v6+s4+$0x0], $0xffff  }
0x17f: {  	v0 =	vld.idx.msk [tilespmem:v8+s4+$0x0], $0xffff;
	v5 =	vadd.f32 v12, v11  }
0x180: {  	s11 =	sadd.s32 $0x100, s11;
	v6 =	vld.idx.msk [tilespmem:v1+s4+$0x0], $0xffff  }
0x181: {  	s6 =	simm.s32 $0x1CFF0;
	v1 =	vld.idx.msk [tilespmem:v10+s4+$0x0], $0xffff;
	[tilespmem:s11+$0x30] =	vst v5  }
0x182: {  	v8 =	vld [tilespmem:s13+$0xFFFFFFC0]  }
0x183: {  	v10 =	vld [tilespmem:s13+$0xFFFFFFD0]  }
.Ltmp4:
0x184: {  	v9 =	vld [tilespmem:s13+$0xFFFFFFE0];
	(pc) =	sbr.rel @p0 .LBB2_11-.Ltmp4, $4  }
0x185: {  	v7 =	vld [tilespmem:s13+$0xFFFFFFF0]  }
0x186: {  	v5 =	vld [tilespmem:s13+$0x0]  }
0x187: {  	v11 =	vadd.f32 v8, v6;
	v6 =	vld [tilespmem:s13+$0x10]  }
0x188: {  	s16 =	sadd.s32 $0x200, s16;
	v10 =	vadd.f32 v10, v13;
	v8 =	vld [tilespmem:s13+$0x20]  }
0x189: {  	[tilespmem:s11+$0xFFFFFFC0] =	vst v11;
	v4 =	vadd.f32 v9, v4  }
0x18a: {  	[tilespmem:s11+$0xFFFFFFD0] =	vst v10;
	v3 =	vadd.f32 v7, v3  }
0x18b: {  	[tilespmem:s11+$0xFFFFFFE0] =	vst v4;
	v2 =	vadd.f32 v5, v2  }
0x18c: {  	[tilespmem:s11+$0xFFFFFFF0] =	vst v3;
	v0 =	vadd.f32 v6, v0  }
0x18d: {  	[tilespmem:s11+$0x0] =	vst v2;
	v1 =	vadd.f32 v8, v1  }
0x18e: {  	[tilespmem:s11+$0x10] =	vst v0  }
0x18f: {  	[tilespmem:s11+$0x20] =	vst v1  }
0x190: {  	v0 =	vld [tilespmem:s7+$0x0]  }
0x191: {  	v1 =	vld [tilespmem:s7+$0xFFFFFFA0]  }
0x192: {  	v2 =	vld [tilespmem:s7+$0xFFFFFFB0]  }
0x193: {  	v3 =	vld [tilespmem:s7+$0xFFFFFFC0]  }
0x194: {  	v5 =	vld [tilespmem:s7+$0xFFFFFFD0]  }
0x195: {  	v6 =	vld [tilespmem:s7+$0xFFFFFFE0]  }
0x196: {  	v7 =	vld [tilespmem:s7+$0xFFFFFFF0]  }
0x197: {  	v8 =	vld [tilespmem:s7+$0xFFFFFF90]  }
0x198: {  	v11 =	vld [tilespmem:s3+$0x30]  }
0x199: {  	v13 =	vld [tilespmem:s3+$0xFFFFFFC0]  }
0x19a: {  	v14 =	vld [tilespmem:s3+$0xFFFFFFD0]  }
0x19b: {  	v9 =	vld [tilespmem:s3+$0xFFFFFFE0]  }
0x19c: {  	v10 =	vld.idx.msk [tilespmem:v0+s4+$0x0], $0xffff  }
0x19d: {  	v12 =	vld.idx.msk [tilespmem:v1+s4+$0x0], $0xffff  }
0x19e: {  	v4 =	vld.idx.msk [tilespmem:v2+s4+$0x0], $0xffff  }
0x19f: {  	v3 =	vld.idx.msk [tilespmem:v3+s4+$0x0], $0xffff  }
0x1a0: {  	v0 =	vld.idx.msk [tilespmem:v6+s4+$0x0], $0xffff  }
0x1a1: {  	v6 =	vld.idx.msk [tilespmem:v8+s4+$0x0], $0xffff  }
0x1a2: {  	v2 =	vld.idx.msk [tilespmem:v5+s4+$0x0], $0xffff  }
0x1a3: {  	v1 =	vld.idx.msk [tilespmem:v7+s4+$0x0], $0xffff  }
0x1a4: {  	v8 =	vld [tilespmem:s3+$0xFFFFFFF0]  }
0x1a5: {  	v7 =	vld [tilespmem:s3+$0x0];
	v10 =	vadd.f32 v11, v10  }
0x1a6: {  	v5 =	vld [tilespmem:s3+$0x10];
	v11 =	vadd.f32 v13, v6  }
0x1a7: {  	s11 =	simm.s32 $0x1A9F0;
	s7 =	simm.s32 $0x0;
	v6 =	vld [tilespmem:s3+$0x20];
	[tilespmem:s6+$0x0] =	vst v10;
	v10 =	vadd.f32 v14, v12  }
.LBB2_13:
0x1a8: {  	v12 =	vld [tilespmem:s11+$0x0];
	s7 =	sadd.s32 $0x8, s7;
	[tilespmem:s6+$0xFFFFFF90] =	vst v11;
	v4 =	vadd.f32 v9, v4  }
0x1a9: {  	v9 =	vld [tilespmem:s11+$0xFFFFFFA0];
	p0 =	slt.u32 s7, $0x78;
	[tilespmem:s6+$0xFFFFFFA0] =	vst v10;
	v3 =	vadd.f32 v8, v3  }
0x1aa: {  	v8 =	vld [tilespmem:s11+$0xFFFFFFB0];
	[tilespmem:s6+$0xFFFFFFB0] =	vst v4;
	v2 =	vadd.f32 v7, v2  }
0x1ab: {  	v7 =	vld [tilespmem:s11+$0xFFFFFFC0];
	[tilespmem:s6+$0xFFFFFFC0] =	vst v3;
	v0 =	vadd.f32 v5, v0  }
0x1ac: {  	v5 =	vld [tilespmem:s11+$0xFFFFFFD0];
	[tilespmem:s6+$0xFFFFFFD0] =	vst v2;
	v1 =	vadd.f32 v6, v1  }
0x1ad: {  	v6 =	vld [tilespmem:s11+$0xFFFFFFE0];
	[tilespmem:s6+$0xFFFFFFE0] =	vst v0  }
0x1ae: {  	v10 =	vld [tilespmem:s11+$0xFFFFFFF0];
	[tilespmem:s6+$0xFFFFFFF0] =	vst v1  }
0x1af: {  	v1 =	vld [tilespmem:s11+$0xFFFFFF90]  }
0x1b0: {  	s3 =	sadd.s32 $0x80, s3;
	v11 =	vld.idx.msk [tilespmem:v12+s4+$0x0], $0xffff  }
0x1b1: {  	v12 =	vld [tilespmem:s3+$0x30]  }
0x1b2: {  	v13 =	vld.idx.msk [tilespmem:v9+s4+$0x0], $0xffff  }
0x1b3: {  	v4 =	vld.idx.msk [tilespmem:v8+s4+$0x0], $0xffff  }
0x1b4: {  	v3 =	vld.idx.msk [tilespmem:v7+s4+$0x0], $0xffff  }
0x1b5: {  	v2 =	vld.idx.msk [tilespmem:v5+s4+$0x0], $0xffff  }
0x1b6: {  	v0 =	vld.idx.msk [tilespmem:v6+s4+$0x0], $0xffff;
	v5 =	vadd.f32 v12, v11  }
0x1b7: {  	s6 =	sadd.s32 $0x100, s6;
	v6 =	vld.idx.msk [tilespmem:v1+s4+$0x0], $0xffff  }
0x1b8: {  	v1 =	vld.idx.msk [tilespmem:v10+s4+$0x0], $0xffff;
	[tilespmem:s6+$0x0] =	vst v5  }
0x1b9: {  	v5 =	vld [tilespmem:s3+$0xFFFFFFC0]  }
0x1ba: {  	v10 =	vld [tilespmem:s3+$0xFFFFFFD0]  }
.Ltmp5:
0x1bb: {  	v9 =	vld [tilespmem:s3+$0xFFFFFFE0];
	(pc) =	sbr.rel @p0 .LBB2_13-.Ltmp5, $4  }
0x1bc: {  	v8 =	vld [tilespmem:s3+$0xFFFFFFF0]  }
0x1bd: {  	v7 =	vld [tilespmem:s3+$0x0]  }
0x1be: {  	v11 =	vadd.f32 v5, v6;
	v5 =	vld [tilespmem:s3+$0x10]  }
0x1bf: {  	s11 =	sadd.s32 $0x200, s11;
	v10 =	vadd.f32 v10, v13;
	v6 =	vld [tilespmem:s3+$0x20]  }
0x1c0: {  	[tilespmem:s6+$0xFFFFFF90] =	vst v11;
	v4 =	vadd.f32 v9, v4  }
0x1c1: {  	[tilespmem:s6+$0xFFFFFFA0] =	vst v10;
	v3 =	vadd.f32 v8, v3  }
0x1c2: {  	[tilespmem:s6+$0xFFFFFFB0] =	vst v4;
	v2 =	vadd.f32 v7, v2  }
0x1c3: {  	[tilespmem:s6+$0xFFFFFFC0] =	vst v3  }
0x1c4: {  	[tilespmem:s6+$0xFFFFFFD0] =	vst v2  }
0x1c5: {  	s0 =	sshll.u32 s0, $0x13;
	v0 =	vadd.f32 v5, v0;
	s3 =	rddreg [dreg:$0x5]  }
0x1c6: {  	v1 =	vadd.f32 v6, v1;
	s0 =	sor.u32 s3, s0  }
0x1c7: {  	[tilespmem:s6+$0xFFFFFFE0] =	vst v0;
	s0 =	sshrl.u32 s0, $0x3  }
0x1c8: {  	s13 =	simm.s32 $0x1CF00;
	[tilespmem:s6+$0xFFFFFFF0] =	vst v1;
	s3 =	sadd.s32 s19, s0  }
0x1c9: {  	[hbm4b:s3+s14] =	stream.strided.scatter [tilespmem:s13], [sflag:$0x3], $0x100, s22, s14, $0x38;
	[tilespmem:$0x1EF00] =	vst v63  }
0x1ca: {  	s7 =	simm.s32 $0x1D000;
	s16 =	sadd.s32 $0x80, s3  }
0x1cb: {  	[hbm4b:s16+s14] =	stream.strided.scatter [tilespmem:s7], [sflag:$0x3], $0x100, s22, s14, $0x38;
	[tilespmem:$0x1EF00] =	vst v63  }
0x1cc: {  	s12 =	simm.s32 $0x1D100;
	s11 =	sadd.s32 $0x100, s3  }
0x1cd: {  	[hbm4b:s11+s14] =	stream.strided.scatter [tilespmem:s12], [sflag:$0x3], $0x100, s22, s14, $0x38;
	[tilespmem:$0x1EF00] =	vst v63  }
0x1ce: {  	s13 =	sadd.s32 $0x180, s3;
	s16 =	simm.s32 $0x1D200  }
0x1cf: {  	[hbm4b:s13+s14] =	stream.strided.scatter [tilespmem:s16], [sflag:$0x3], $0x100, s22, s14, $0x38;
	[tilespmem:$0x1EF00] =	vst v63  }
0x1d0: {  	s11 =	sadd.s32 $0x200, s3;
	s12 =	simm.s32 $0x1D300  }
0x1d1: {  	[hbm4b:s11+s14] =	stream.strided.scatter [tilespmem:s12], [sflag:$0x3], $0x100, s22, s14, $0x38;
	[tilespmem:$0x1EF00] =	vst v63  }
0x1d2: {  	s13 =	sadd.s32 $0x280, s3;
	s16 =	simm.s32 $0x1D400  }
0x1d3: {  	[hbm4b:s13+s14] =	stream.strided.scatter [tilespmem:s16], [sflag:$0x3], $0x100, s22, s14, $0x38;
	[tilespmem:$0x1EF00] =	vst v63  }
0x1d4: {  	s11 =	sadd.s32 $0x300, s3;
	s12 =	simm.s32 $0x1D500  }
0x1d5: {  	[hbm4b:s11+s14] =	stream.strided.scatter [tilespmem:s12], [sflag:$0x3], $0x100, s22, s14, $0x38;
	[tilespmem:$0x1EF00] =	vst v63  }
0x1d6: {  	s13 =	sadd.s32 $0x380, s3;
	s16 =	simm.s32 $0x1D600  }
0x1d7: {  	[hbm4b:s13+s14] =	stream.strided.scatter [tilespmem:s16], [sflag:$0x3], $0x100, s22, s14, $0x38;
	[tilespmem:$0x1EF00] =	vst v63  }
0x1d8: {  	s11 =	sadd.s32 $0x400, s3;
	s12 =	simm.s32 $0x1D700  }
0x1d9: {  	[hbm4b:s11+s14] =	stream.strided.scatter [tilespmem:s12], [sflag:$0x3], $0x100, s22, s14, $0x38;
	[tilespmem:$0x1EF00] =	vst v63  }
0x1da: {  	s13 =	sadd.s32 $0x480, s3;
	s16 =	simm.s32 $0x1D800  }
0x1db: {  	[hbm4b:s13+s14] =	stream.strided.scatter [tilespmem:s16], [sflag:$0x3], $0x100, s22, s14, $0x38;
	[tilespmem:$0x1EF00] =	vst v63  }
0x1dc: {  	s11 =	sadd.s32 $0x500, s3;
	s12 =	simm.s32 $0x1D900  }
0x1dd: {  	[hbm4b:s11+s14] =	stream.strided.scatter [tilespmem:s12], [sflag:$0x3], $0x100, s22, s14, $0x38;
	[tilespmem:$0x1EF00] =	vst v63  }
0x1de: {  	s13 =	sadd.s32 $0x580, s3;
	s16 =	simm.s32 $0x1DA00  }
0x1df: {  	[hbm4b:s13+s14] =	stream.strided.scatter [tilespmem:s16], [sflag:$0x3], $0x100, s22, s14, $0x38;
	[tilespmem:$0x1EF00] =	vst v63  }
0x1e0: {  	s11 =	sadd.s32 $0x600, s3;
	s12 =	simm.s32 $0x1DB00  }
0x1e1: {  	[hbm4b:s11+s14] =	stream.strided.scatter [tilespmem:s12], [sflag:$0x3], $0x100, s22, s14, $0x38;
	[tilespmem:$0x1EF00] =	vst v63  }
0x1e2: {  	s13 =	sadd.s32 $0x680, s3;
	s16 =	simm.s32 $0x1DC00  }
0x1e3: {  	[hbm4b:s13+s14] =	stream.strided.scatter [tilespmem:s16], [sflag:$0x3], $0x100, s22, s14, $0x38;
	[tilespmem:$0x1EF00] =	vst v63  }
0x1e4: {  	s11 =	sadd.s32 $0x700, s3;
	s12 =	simm.s32 $0x1DD00  }
0x1e5: {  	[hbm4b:s11+s14] =	stream.strided.scatter [tilespmem:s12], [sflag:$0x3], $0x100, s22, s14, $0x38;
	[tilespmem:$0x1EF00] =	vst v63  }
0x1e6: {  	s3 =	sadd.s32 $0x780, s3;
	s13 =	simm.s32 $0x1DE00  }
0x1e7: {  	[hbm4b:s3+s14] =	stream.strided.scatter [tilespmem:s13], [sflag:$0x3], $0x100, s22, s14, $0x38;
	[tilespmem:$0x1EF00] =	vst v63  }
0x1e8: {  	_ =	swait.ge [sflag:s30], $0x1000  }
0x1e9: {  	[sflag:s30] =	ssyncset.done $0x0  }
0x1ea: {  	s16 =	simm.s32 $0x1A870;
	[sflag:s30] =	ssyncadd.s32 $0xFFFFF000  }
0x1eb: {  	v0 =	vld [tilespmem:s16+$0x0]  }
0x1ec: {  	v1 =	vld [tilespmem:s16+$0xFFFFFFA0]  }
0x1ed: {  	v2 =	vld [tilespmem:s16+$0xFFFFFFB0]  }
0x1ee: {  	v3 =	vld [tilespmem:s16+$0xFFFFFFC0]  }
0x1ef: {  	v5 =	vld [tilespmem:s16+$0xFFFFFFD0]  }
0x1f0: {  	v6 =	vld [tilespmem:s16+$0xFFFFFFE0]  }
0x1f1: {  	v7 =	vld [tilespmem:s16+$0xFFFFFFF0]  }
0x1f2: {  	s3 =	simm.s32 $0x1C740;
	v8 =	vld [tilespmem:s16+$0xFFFFFF90]  }
0x1f3: {  	v11 =	vld [tilespmem:s3+$0x30]  }
0x1f4: {  	v13 =	vld [tilespmem:s3+$0xFFFFFFC0]  }
0x1f5: {  	v14 =	vld [tilespmem:s3+$0xFFFFFFD0]  }
0x1f6: {  	v9 =	vld [tilespmem:s3+$0xFFFFFFE0]  }
0x1f7: {  	v10 =	vld.idx.msk [tilespmem:v0+s4+$0x0], $0xffff  }
0x1f8: {  	v12 =	vld.idx.msk [tilespmem:v1+s4+$0x0], $0xffff  }
0x1f9: {  	v4 =	vld.idx.msk [tilespmem:v2+s4+$0x0], $0xffff  }
0x1fa: {  	v3 =	vld.idx.msk [tilespmem:v3+s4+$0x0], $0xffff  }
0x1fb: {  	v2 =	vld.idx.msk [tilespmem:v5+s4+$0x0], $0xffff  }
0x1fc: {  	v8 =	vld.idx.msk [tilespmem:v8+s4+$0x0], $0xffff  }
0x1fd: {  	v0 =	vld.idx.msk [tilespmem:v6+s4+$0x0], $0xffff  }
0x1fe: {  	v1 =	vld.idx.msk [tilespmem:v7+s4+$0x0], $0xffff  }
0x1ff: {  	v7 =	vld [tilespmem:s3+$0xFFFFFFF0]  }
0x200: {  	v5 =	vld [tilespmem:s3+$0x0];
	v10 =	vadd.f32 v11, v10  }
0x201: {  	s7 =	simm.s32 $0x1A8F0;
	s11 =	simm.s32 $0x1DF40;
	v6 =	vld [tilespmem:s3+$0x10];
	v11 =	vadd.f32 v13, v8  }
0x202: {  	s12 =	simm.s32 $0x0;
	s13 =	simm.s32 $0x1C740;
	s16 =	simm.s32 $0x1AA70;
	v8 =	vld [tilespmem:s3+$0x20];
	[tilespmem:s11+$0x30] =	vst v10;
	v10 =	vadd.f32 v14, v12  }
.LBB2_15:
0x203: {  	v12 =	vld [tilespmem:s16+$0x0];
	s12 =	sadd.s32 $0x8, s12;
	[tilespmem:s11+$0xFFFFFFC0] =	vst v11;
	v4 =	vadd.f32 v9, v4  }
0x204: {  	v9 =	vld [tilespmem:s16+$0xFFFFFFA0];
	p0 =	slt.u32 s12, $0x78;
	[tilespmem:s11+$0xFFFFFFD0] =	vst v10;
	v3 =	vadd.f32 v7, v3  }
0x205: {  	v7 =	vld [tilespmem:s16+$0xFFFFFFB0];
	[tilespmem:s11+$0xFFFFFFE0] =	vst v4;
	v2 =	vadd.f32 v5, v2  }
0x206: {  	v5 =	vld [tilespmem:s16+$0xFFFFFFC0];
	[tilespmem:s11+$0xFFFFFFF0] =	vst v3;
	v0 =	vadd.f32 v6, v0  }
0x207: {  	v6 =	vld [tilespmem:s16+$0xFFFFFFD0];
	[tilespmem:s11+$0x0] =	vst v2;
	v1 =	vadd.f32 v8, v1  }
0x208: {  	v8 =	vld [tilespmem:s16+$0xFFFFFFE0];
	[tilespmem:s11+$0x10] =	vst v0  }
0x209: {  	v10 =	vld [tilespmem:s16+$0xFFFFFFF0];
	[tilespmem:s11+$0x20] =	vst v1  }
0x20a: {  	v1 =	vld [tilespmem:s16+$0xFFFFFF90]  }
0x20b: {  	s13 =	sadd.s32 $0x80, s13;
	v11 =	vld.idx.msk [tilespmem:v12+s4+$0x0], $0xffff  }
0x20c: {  	v12 =	vld [tilespmem:s13+$0x30]  }
0x20d: {  	v13 =	vld.idx.msk [tilespmem:v9+s4+$0x0], $0xffff  }
0x20e: {  	v4 =	vld.idx.msk [tilespmem:v7+s4+$0x0], $0xffff  }
0x20f: {  	v3 =	vld.idx.msk [tilespmem:v5+s4+$0x0], $0xffff  }
0x210: {  	v2 =	vld.idx.msk [tilespmem:v6+s4+$0x0], $0xffff  }
0x211: {  	v0 =	vld.idx.msk [tilespmem:v8+s4+$0x0], $0xffff;
	v5 =	vadd.f32 v12, v11  }
0x212: {  	s11 =	sadd.s32 $0x100, s11;
	v6 =	vld.idx.msk [tilespmem:v1+s4+$0x0], $0xffff  }
0x213: {  	s6 =	simm.s32 $0x1DFF0;
	v1 =	vld.idx.msk [tilespmem:v10+s4+$0x0], $0xffff;
	[tilespmem:s11+$0x30] =	vst v5  }
0x214: {  	v8 =	vld [tilespmem:s13+$0xFFFFFFC0]  }
0x215: {  	v10 =	vld [tilespmem:s13+$0xFFFFFFD0]  }
.Ltmp6:
0x216: {  	v9 =	vld [tilespmem:s13+$0xFFFFFFE0];
	(pc) =	sbr.rel @p0 .LBB2_15-.Ltmp6, $4  }
0x217: {  	v7 =	vld [tilespmem:s13+$0xFFFFFFF0]  }
0x218: {  	v5 =	vld [tilespmem:s13+$0x0]  }
0x219: {  	v11 =	vadd.f32 v8, v6;
	v6 =	vld [tilespmem:s13+$0x10]  }
0x21a: {  	s16 =	sadd.s32 $0x200, s16;
	v10 =	vadd.f32 v10, v13;
	v8 =	vld [tilespmem:s13+$0x20]  }
0x21b: {  	[tilespmem:s11+$0xFFFFFFC0] =	vst v11;
	v4 =	vadd.f32 v9, v4  }
0x21c: {  	[tilespmem:s11+$0xFFFFFFD0] =	vst v10;
	v3 =	vadd.f32 v7, v3  }
0x21d: {  	[tilespmem:s11+$0xFFFFFFE0] =	vst v4;
	v2 =	vadd.f32 v5, v2  }
0x21e: {  	[tilespmem:s11+$0xFFFFFFF0] =	vst v3;
	v0 =	vadd.f32 v6, v0  }
0x21f: {  	[tilespmem:s11+$0x0] =	vst v2;
	v1 =	vadd.f32 v8, v1  }
0x220: {  	[tilespmem:s11+$0x10] =	vst v0  }
0x221: {  	[tilespmem:s11+$0x20] =	vst v1  }
0x222: {  	v0 =	vld [tilespmem:s7+$0x0]  }
0x223: {  	v1 =	vld [tilespmem:s7+$0xFFFFFFA0]  }
0x224: {  	v2 =	vld [tilespmem:s7+$0xFFFFFFB0]  }
0x225: {  	v3 =	vld [tilespmem:s7+$0xFFFFFFC0]  }
0x226: {  	v5 =	vld [tilespmem:s7+$0xFFFFFFD0]  }
0x227: {  	v6 =	vld [tilespmem:s7+$0xFFFFFFE0]  }
0x228: {  	v7 =	vld [tilespmem:s7+$0xFFFFFFF0]  }
0x229: {  	v8 =	vld [tilespmem:s7+$0xFFFFFF90]  }
0x22a: {  	v11 =	vld [tilespmem:s3+$0x30]  }
0x22b: {  	v14 =	vld [tilespmem:s3+$0xFFFFFFD0]  }
0x22c: {  	v9 =	vld [tilespmem:s3+$0xFFFFFFE0]  }
0x22d: {  	v10 =	vld.idx.msk [tilespmem:v0+s4+$0x0], $0xffff  }
0x22e: {  	v12 =	vld.idx.msk [tilespmem:v1+s4+$0x0], $0xffff  }
0x22f: {  	v4 =	vld.idx.msk [tilespmem:v2+s4+$0x0], $0xffff  }
0x230: {  	v3 =	vld.idx.msk [tilespmem:v3+s4+$0x0], $0xffff  }
0x231: {  	v13 =	vld.idx.msk [tilespmem:v8+s4+$0x0], $0xffff  }
0x232: {  	v1 =	vld.idx.msk [tilespmem:v7+s4+$0x0], $0xffff  }
0x233: {  	v7 =	vld [tilespmem:s3+$0xFFFFFFC0]  }
0x234: {  	v2 =	vld.idx.msk [tilespmem:v5+s4+$0x0], $0xffff  }
0x235: {  	v0 =	vld.idx.msk [tilespmem:v6+s4+$0x0], $0xffff  }
0x236: {  	v8 =	vld [tilespmem:s3+$0xFFFFFFF0]  }
0x237: {  	v6 =	vld [tilespmem:s3+$0x0];
	v10 =	vadd.f32 v11, v10  }
0x238: {  	v5 =	vld [tilespmem:s3+$0x10];
	v11 =	vadd.f32 v7, v13  }
0x239: {  	s11 =	simm.s32 $0x1AAF0;
	s7 =	simm.s32 $0x0;
	v7 =	vld [tilespmem:s3+$0x20];
	[tilespmem:s6+$0x0] =	vst v10;
	v10 =	vadd.f32 v14, v12  }
.LBB2_17:
0x23a: {  	v12 =	vld [tilespmem:s11+$0x0];
	s7 =	sadd.s32 $0x8, s7;
	[tilespmem:s6+$0xFFFFFF90] =	vst v11;
	v4 =	vadd.f32 v9, v4  }
0x23b: {  	v9 =	vld [tilespmem:s11+$0xFFFFFFA0];
	p0 =	slt.u32 s7, $0x78;
	[tilespmem:s6+$0xFFFFFFA0] =	vst v10;
	v3 =	vadd.f32 v8, v3  }
0x23c: {  	v8 =	vld [tilespmem:s11+$0xFFFFFFB0];
	[tilespmem:s6+$0xFFFFFFB0] =	vst v4;
	v2 =	vadd.f32 v6, v2  }
0x23d: {  	v6 =	vld [tilespmem:s11+$0xFFFFFFC0];
	[tilespmem:s6+$0xFFFFFFC0] =	vst v3;
	v0 =	vadd.f32 v5, v0  }
0x23e: {  	v5 =	vld [tilespmem:s11+$0xFFFFFFD0];
	[tilespmem:s6+$0xFFFFFFD0] =	vst v2;
	v1 =	vadd.f32 v7, v1  }
0x23f: {  	v7 =	vld [tilespmem:s11+$0xFFFFFFE0];
	[tilespmem:s6+$0xFFFFFFE0] =	vst v0  }
0x240: {  	v10 =	vld [tilespmem:s11+$0xFFFFFFF0];
	[tilespmem:s6+$0xFFFFFFF0] =	vst v1  }
0x241: {  	v1 =	vld [tilespmem:s11+$0xFFFFFF90]  }
0x242: {  	s3 =	sadd.s32 $0x80, s3;
	v11 =	vld.idx.msk [tilespmem:v12+s4+$0x0], $0xffff  }
0x243: {  	v12 =	vld [tilespmem:s3+$0x30]  }
0x244: {  	v13 =	vld.idx.msk [tilespmem:v9+s4+$0x0], $0xffff  }
0x245: {  	v4 =	vld.idx.msk [tilespmem:v8+s4+$0x0], $0xffff  }
0x246: {  	v3 =	vld.idx.msk [tilespmem:v6+s4+$0x0], $0xffff  }
0x247: {  	v2 =	vld.idx.msk [tilespmem:v5+s4+$0x0], $0xffff  }
0x248: {  	v0 =	vld.idx.msk [tilespmem:v7+s4+$0x0], $0xffff;
	v5 =	vadd.f32 v12, v11  }
0x249: {  	s6 =	sadd.s32 $0x100, s6;
	v7 =	vld.idx.msk [tilespmem:v1+s4+$0x0], $0xffff  }
0x24a: {  	v1 =	vld.idx.msk [tilespmem:v10+s4+$0x0], $0xffff;
	[tilespmem:s6+$0x0] =	vst v5  }
0x24b: {  	v5 =	vld [tilespmem:s3+$0xFFFFFFC0]  }
0x24c: {  	v10 =	vld [tilespmem:s3+$0xFFFFFFD0]  }
.Ltmp7:
0x24d: {  	v9 =	vld [tilespmem:s3+$0xFFFFFFE0];
	(pc) =	sbr.rel @p0 .LBB2_17-.Ltmp7, $4  }
0x24e: {  	v8 =	vld [tilespmem:s3+$0xFFFFFFF0]  }
0x24f: {  	v6 =	vld [tilespmem:s3+$0x0]  }
0x250: {  	v11 =	vadd.f32 v5, v7;
	v5 =	vld [tilespmem:s3+$0x10]  }
0x251: {  	s11 =	sadd.s32 $0x200, s11;
	v10 =	vadd.f32 v10, v13;
	v7 =	vld [tilespmem:s3+$0x20]  }
0x252: {  	[tilespmem:s6+$0xFFFFFF90] =	vst v11;
	v4 =	vadd.f32 v9, v4  }
0x253: {  	[tilespmem:s6+$0xFFFFFFA0] =	vst v10;
	v3 =	vadd.f32 v8, v3  }
0x254: {  	[tilespmem:s6+$0xFFFFFFB0] =	vst v4;
	v2 =	vadd.f32 v6, v2  }
0x255: {  	[tilespmem:s6+$0xFFFFFFC0] =	vst v3;
	v0 =	vadd.f32 v5, v0  }
0x256: {  	[tilespmem:s6+$0xFFFFFFD0] =	vst v2;
	v1 =	vadd.f32 v7, v1  }
0x257: {  	[tilespmem:s6+$0xFFFFFFE0] =	vst v0  }
0x258: {  	s0 =	sadd.s32 s0, s10;
	s3 =	simm.s32 $0x1DF00;
	[tilespmem:s6+$0xFFFFFFF0] =	vst v1  }
0x259: {  	[hbm4b:s0+s14] =	stream.strided.scatter [tilespmem:s3], [sflag:$0x3], $0x100, s22, s14, $0x38;
	[tilespmem:$0x1EF00] =	vst v63  }
0x25a: {  	s12 =	simm.s32 $0x1E000;
	s11 =	sadd.s32 $0x80, s0  }
0x25b: {  	[hbm4b:s11+s14] =	stream.strided.scatter [tilespmem:s12], [sflag:$0x3], $0x100, s22, s14, $0x38;
	[tilespmem:$0x1EF00] =	vst v63  }
0x25c: {  	s16 =	simm.s32 $0x1E100;
	s13 =	sadd.s32 $0x100, s0  }
0x25d: {  	[hbm4b:s13+s14] =	stream.strided.scatter [tilespmem:s16], [sflag:$0x3], $0x100, s22, s14, $0x38;
	[tilespmem:$0x1EF00] =	vst v63  }
0x25e: {  	s6 =	sadd.s32 $0x180, s0  }
0x25f: {  	[hbm4b:s6+s14] =	stream.strided.scatter [tilespmem:s20], [sflag:$0x3], $0x100, s22, s14, $0x38;
	[tilespmem:$0x1EF00] =	vst v63  }
0x260: {  	s7 =	sadd.s32 $0x200, s0  }
0x261: {  	[hbm4b:s7+s14] =	stream.strided.scatter [tilespmem:s17], [sflag:$0x3], $0x100, s22, s14, $0x38;
	[tilespmem:$0x1EF00] =	vst v63  }
0x262: {  	s11 =	sadd.s32 $0x280, s0  }
0x263: {  	[hbm4b:s11+s14] =	stream.strided.scatter [tilespmem:s15], [sflag:$0x3], $0x100, s22, s14, $0x38;
	[tilespmem:$0x1EF00] =	vst v63  }
0x264: {  	s12 =	sadd.s32 $0x300, s0  }
0x265: {  	[hbm4b:s12+s14] =	stream.strided.scatter [tilespmem:s2], [sflag:$0x3], $0x100, s22, s14, $0x38;
	[tilespmem:$0x1EF00] =	vst v63  }
0x266: {  	s13 =	sadd.s32 $0x380, s0  }
0x267: {  	[hbm4b:s13+s14] =	stream.strided.scatter [tilespmem:s5], [sflag:$0x3], $0x100, s22, s14, $0x38;
	[tilespmem:$0x1EF00] =	vst v63  }
0x268: {  	s16 =	sadd.s32 $0x400, s0  }
0x269: {  	[hbm4b:s16+s14] =	stream.strided.scatter [tilespmem:s8], [sflag:$0x3], $0x100, s22, s14, $0x38;
	[tilespmem:$0x1EF00] =	vst v63  }
0x26a: {  	s6 =	sadd.s32 $0x480, s0  }
0x26b: {  	[hbm4b:s6+s14] =	stream.strided.scatter [tilespmem:s9], [sflag:$0x3], $0x100, s22, s14, $0x38;
	[tilespmem:$0x1EF00] =	vst v63  }
0x26c: {  	s7 =	sadd.s32 $0x500, s0  }
0x26d: {  	[hbm4b:s7+s14] =	stream.strided.scatter [tilespmem:s23], [sflag:$0x3], $0x100, s22, s14, $0x38;
	[tilespmem:$0x1EF00] =	vst v63  }
0x26e: {  	s11 =	sadd.s32 $0x580, s0  }
0x26f: {  	[hbm4b:s11+s14] =	stream.strided.scatter [tilespmem:s24], [sflag:$0x3], $0x100, s22, s14, $0x38;
	[tilespmem:$0x1EF00] =	vst v63  }
0x270: {  	s31 =	sadd.s32 $0x1, s31;
	s12 =	sadd.s32 $0x600, s0  }
0x271: {  	[hbm4b:s12+s14] =	stream.strided.scatter [tilespmem:s25], [sflag:$0x3], $0x100, s22, s14, $0x38;
	[tilespmem:$0x1EF00] =	vst v63  }
0x272: {  	p0 =	sne.s32 s31, $0x8;
	s13 =	sadd.s32 $0x680, s0  }
0x273: {  	[hbm4b:s13+s14] =	stream.strided.scatter [tilespmem:s26], [sflag:$0x3], $0x100, s22, s14, $0x38;
	[tilespmem:$0x1EF00] =	vst v63  }
.Ltmp8:
0x274: {  	_ = 	snop;
	(pc) =	sbr.rel @p0 .LBB2_2-.Ltmp8, $4  }
0x275: {  	s16 =	sadd.s32 $0x700, s0  }
0x276: {  	[hbm4b:s16+s14] =	stream.strided.scatter [tilespmem:s28], [sflag:$0x3], $0x100, s22, s14, $0x38;
	[tilespmem:$0x1EF00] =	vst v63  }
0x277: {  	s0 =	sadd.s32 $0x780, s0  }
0x278: {  	[hbm4b:s0+s14] =	stream.strided.scatter [tilespmem:s29], [sflag:$0x3], $0x100, s22, s14, $0x38;
	[tilespmem:$0x1EF00] =	vst v63  }
0x279: {  	s31 =	simm.s32 $0x0;
	s0 =	rddreg [dreg:$0xa];
	s1 =	simm.s32 $0x400  }
0x27a: {  	[tilespmem:s31], [sflag:$0x1] =	stream.strided.gather [hbm4b:s0+s14], $0x18700, s1, s14, $0x38;
	[tilespmem:$0x1EF00] =	vst v63  }
0x27b: {  	s13 =	rddreg [dreg:$0xb];
	s3 =	simm.s32 $0x1C700  }
0x27c: {  	[tilespmem:s3], [sflag:$0x1] =	stream.strided.gather [hbm4b:s13+s14], $0x800, s1, s14, $0x38;
	[tilespmem:$0x1EF00] =	vst v63  }
0x27d: {  	_ =	swait.ge [sflag:s30], $0x1000  }
0x27e: {  	[sflag:s30] =	ssyncset.done $0x0  }
0x27f: {  	[sflag:s30] =	ssyncadd.s32 $0xFFFFF000  }
0x280: {  	_ =	swait.ge [sflag:s30], $0x1000  }
0x281: {  	[sflag:s30] =	ssyncset.done $0x0  }
0x282: {  	s16 =	simm.s32 $0x1;
	[sflag:s30] =	ssyncadd.s32 $0xFFFFF000  }
0x283: {  	_ =	swait.ge [sflag:s16], $0x18700  }
0x284: {  	[sflag:s16] =	ssyncset.done $0x0  }
0x285: {  	[sflag:s16] =	ssyncadd.s32 $0xFFFE7900  }
0x286: {  	_ =	swait.ge [sflag:s16], $0x800  }
0x287: {  	[sflag:s16] =	ssyncset.done $0x0  }
0x288: {  	[sflag:s16] =	ssyncadd.s32 $0xFFFFF800  }
.LBB2_20:
0x289: {  	s0 =	sshll.u32 s31, $0xB;
	s3 =	rddreg [dreg:$0x8];
	s1 =	simm.s32 $0x400  }
0x28a: {  	s13 =	simm.s32 $0x200;
	s6 =	simm.s32 $0x1A700;
	s0 =	sadd.s32 s0, s3  }
0x28b: {  	[tilespmem:s6], [sflag:$0x2] =	stream.strided.gather [hbm4b:s0+s13], $0x2000, s1, s13, $0x38;
	[tilespmem:$0x1EF00] =	vst v63  }
0x28c: {  	_ =	swait.ge [sflag:s21], $0x2000  }
0x28d: {  	p0 =	seq.s32 s31, $0x0;
	[sflag:s21] =	ssyncset.done $0x0  }
0x28e: {  	s0 =	simm.s32 @!p0 $0x3;
	[sflag:s21] =	ssyncadd.s32 $0xFFFFE000  }
0x28f: {  	_ =	swait.ge @!p0 [sflag:s0], $0x1000  }
0x290: {  	[sflag:s0] =	ssyncset.done @!p0 $0x0  }
0x291: {  	s16 =	simm.s32 $0x18740;
	[sflag:s0] =	ssyncadd.s32 @!p0 $0xFFFFF000  }
0x292: {  	v0 =	vld [tilespmem:s16+$0x30]  }
0x293: {  	v1 =	vld [tilespmem:s16+$0xFFFFFFD0]  }
0x294: {  	v2 =	vld [tilespmem:s16+$0xFFFFFFE0]  }
0x295: {  	v3 =	vld [tilespmem:s16+$0xFFFFFFF0]  }
0x296: {  	v5 =	vld [tilespmem:s16+$0x0]  }
0x297: {  	v6 =	vld [tilespmem:s16+$0x10]  }
0x298: {  	v7 =	vld [tilespmem:s16+$0x20]  }
0x299: {  	s3 =	simm.s32 $0x1C740;
	v8 =	vld [tilespmem:s16+$0xFFFFFFC0]  }
0x29a: {  	v11 =	vld [tilespmem:s3+$0x30]  }
0x29b: {  	v13 =	vld [tilespmem:s3+$0xFFFFFFC0]  }
0x29c: {  	v14 =	vld [tilespmem:s3+$0xFFFFFFD0]  }
0x29d: {  	v9 =	vld [tilespmem:s3+$0xFFFFFFE0]  }
0x29e: {  	v10 =	vld.idx.msk [tilespmem:v0+s4+$0x0], $0xffff  }
0x29f: {  	v12 =	vld.idx.msk [tilespmem:v1+s4+$0x0], $0xffff  }
0x2a0: {  	v4 =	vld.idx.msk [tilespmem:v2+s4+$0x0], $0xffff  }
0x2a1: {  	v3 =	vld.idx.msk [tilespmem:v3+s4+$0x0], $0xffff  }
0x2a2: {  	v2 =	vld.idx.msk [tilespmem:v5+s4+$0x0], $0xffff  }
0x2a3: {  	v8 =	vld.idx.msk [tilespmem:v8+s4+$0x0], $0xffff  }
0x2a4: {  	v0 =	vld.idx.msk [tilespmem:v6+s4+$0x0], $0xffff  }
0x2a5: {  	v1 =	vld.idx.msk [tilespmem:v7+s4+$0x0], $0xffff  }
0x2a6: {  	v7 =	vld [tilespmem:s3+$0xFFFFFFF0]  }
0x2a7: {  	v5 =	vld [tilespmem:s3+$0x0];
	v10 =	vadd.f32 v11, v10  }
0x2a8: {  	s7 =	simm.s32 $0x1CF40;
	s11 =	simm.s32 $0x0;
	v6 =	vld [tilespmem:s3+$0x10];
	v11 =	vadd.f32 v13, v8  }
0x2a9: {  	s12 =	simm.s32 $0x18940;
	s0 =	sshll.u32 s31, $0x1;
	s16 =	simm.s32 $0x1C740;
	v8 =	vld [tilespmem:s3+$0x20];
	[tilespmem:s7+$0x30] =	vst v10;
	v10 =	vadd.f32 v14, v12  }
.LBB2_21:
0x2aa: {  	v12 =	vld [tilespmem:s12+$0x30];
	s11 =	sadd.s32 $0x8, s11;
	[tilespmem:s7+$0xFFFFFFC0] =	vst v11;
	v4 =	vadd.f32 v9, v4  }
0x2ab: {  	v9 =	vld [tilespmem:s12+$0xFFFFFFD0];
	p1 =	slt.u32 s11, $0x78;
	[tilespmem:s7+$0xFFFFFFD0] =	vst v10;
	v3 =	vadd.f32 v7, v3  }
0x2ac: {  	v7 =	vld [tilespmem:s12+$0xFFFFFFE0];
	[tilespmem:s7+$0xFFFFFFE0] =	vst v4;
	v2 =	vadd.f32 v5, v2  }
0x2ad: {  	v5 =	vld [tilespmem:s12+$0xFFFFFFF0];
	[tilespmem:s7+$0xFFFFFFF0] =	vst v3;
	v0 =	vadd.f32 v6, v0  }
0x2ae: {  	v6 =	vld [tilespmem:s12+$0x0];
	[tilespmem:s7+$0x0] =	vst v2;
	v1 =	vadd.f32 v8, v1  }
0x2af: {  	v8 =	vld [tilespmem:s12+$0x10];
	[tilespmem:s7+$0x10] =	vst v0  }
0x2b0: {  	v10 =	vld [tilespmem:s12+$0x20];
	[tilespmem:s7+$0x20] =	vst v1  }
0x2b1: {  	v1 =	vld [tilespmem:s12+$0xFFFFFFC0]  }
0x2b2: {  	s16 =	sadd.s32 $0x80, s16;
	v11 =	vld.idx.msk [tilespmem:v12+s4+$0x0], $0xffff  }
0x2b3: {  	v12 =	vld [tilespmem:s16+$0x30]  }
0x2b4: {  	v13 =	vld.idx.msk [tilespmem:v9+s4+$0x0], $0xffff  }
0x2b5: {  	v4 =	vld.idx.msk [tilespmem:v7+s4+$0x0], $0xffff  }
0x2b6: {  	v3 =	vld.idx.msk [tilespmem:v5+s4+$0x0], $0xffff  }
0x2b7: {  	v2 =	vld.idx.msk [tilespmem:v6+s4+$0x0], $0xffff  }
0x2b8: {  	v0 =	vld.idx.msk [tilespmem:v8+s4+$0x0], $0xffff;
	v5 =	vadd.f32 v12, v11  }
0x2b9: {  	s7 =	sadd.s32 $0x100, s7;
	v6 =	vld.idx.msk [tilespmem:v1+s4+$0x0], $0xffff  }
0x2ba: {  	s13 =	simm.s32 $0x187F0;
	s6 =	simm.s32 $0x1CFF0;
	v1 =	vld.idx.msk [tilespmem:v10+s4+$0x0], $0xffff;
	[tilespmem:s7+$0x30] =	vst v5  }
0x2bb: {  	v8 =	vld [tilespmem:s16+$0xFFFFFFC0]  }
0x2bc: {  	v10 =	vld [tilespmem:s16+$0xFFFFFFD0]  }
.Ltmp9:
0x2bd: {  	v9 =	vld [tilespmem:s16+$0xFFFFFFE0];
	(pc) =	sbr.rel @p1 .LBB2_21-.Ltmp9, $4  }
0x2be: {  	v7 =	vld [tilespmem:s16+$0xFFFFFFF0]  }
0x2bf: {  	v5 =	vld [tilespmem:s16+$0x0]  }
0x2c0: {  	v11 =	vadd.f32 v8, v6;
	v6 =	vld [tilespmem:s16+$0x10]  }
0x2c1: {  	s12 =	sadd.s32 $0x200, s12;
	v10 =	vadd.f32 v10, v13;
	v8 =	vld [tilespmem:s16+$0x20]  }
0x2c2: {  	[tilespmem:s7+$0xFFFFFFC0] =	vst v11;
	v4 =	vadd.f32 v9, v4  }
0x2c3: {  	[tilespmem:s7+$0xFFFFFFD0] =	vst v10;
	v3 =	vadd.f32 v7, v3  }
0x2c4: {  	[tilespmem:s7+$0xFFFFFFE0] =	vst v4;
	v2 =	vadd.f32 v5, v2  }
0x2c5: {  	[tilespmem:s7+$0xFFFFFFF0] =	vst v3;
	v0 =	vadd.f32 v6, v0  }
0x2c6: {  	[tilespmem:s7+$0x0] =	vst v2;
	v1 =	vadd.f32 v8, v1  }
0x2c7: {  	[tilespmem:s7+$0x10] =	vst v0  }
0x2c8: {  	[tilespmem:s7+$0x20] =	vst v1  }
0x2c9: {  	v0 =	vld [tilespmem:s13+$0x0]  }
0x2ca: {  	v1 =	vld [tilespmem:s13+$0xFFFFFFA0]  }
0x2cb: {  	v2 =	vld [tilespmem:s13+$0xFFFFFFB0]  }
0x2cc: {  	v3 =	vld [tilespmem:s13+$0xFFFFFFC0]  }
0x2cd: {  	v5 =	vld [tilespmem:s13+$0xFFFFFFD0]  }
0x2ce: {  	v6 =	vld [tilespmem:s13+$0xFFFFFFE0]  }
0x2cf: {  	v7 =	vld [tilespmem:s13+$0xFFFFFFF0]  }
0x2d0: {  	v8 =	vld [tilespmem:s13+$0xFFFFFF90]  }
0x2d1: {  	v11 =	vld [tilespmem:s3+$0x30]  }
0x2d2: {  	v13 =	vld [tilespmem:s3+$0xFFFFFFC0]  }
0x2d3: {  	v14 =	vld [tilespmem:s3+$0xFFFFFFD0]  }
0x2d4: {  	v9 =	vld [tilespmem:s3+$0xFFFFFFE0]  }
0x2d5: {  	v10 =	vld.idx.msk [tilespmem:v0+s4+$0x0], $0xffff  }
0x2d6: {  	v12 =	vld.idx.msk [tilespmem:v1+s4+$0x0], $0xffff  }
0x2d7: {  	v4 =	vld.idx.msk [tilespmem:v2+s4+$0x0], $0xffff  }
0x2d8: {  	v3 =	vld.idx.msk [tilespmem:v3+s4+$0x0], $0xffff  }
0x2d9: {  	v0 =	vld.idx.msk [tilespmem:v6+s4+$0x0], $0xffff  }
0x2da: {  	v6 =	vld.idx.msk [tilespmem:v8+s4+$0x0], $0xffff  }
0x2db: {  	v2 =	vld.idx.msk [tilespmem:v5+s4+$0x0], $0xffff  }
0x2dc: {  	v1 =	vld.idx.msk [tilespmem:v7+s4+$0x0], $0xffff  }
0x2dd: {  	v8 =	vld [tilespmem:s3+$0xFFFFFFF0]  }
0x2de: {  	v7 =	vld [tilespmem:s3+$0x0];
	v10 =	vadd.f32 v11, v10  }
0x2df: {  	v5 =	vld [tilespmem:s3+$0x10];
	v11 =	vadd.f32 v13, v6  }
0x2e0: {  	s11 =	simm.s32 $0x189F0;
	s7 =	simm.s32 $0x0;
	v6 =	vld [tilespmem:s3+$0x20];
	[tilespmem:s6+$0x0] =	vst v10;
	v10 =	vadd.f32 v14, v12  }
.LBB2_23:
0x2e1: {  	v12 =	vld [tilespmem:s11+$0x0];
	s7 =	sadd.s32 $0x8, s7;
	[tilespmem:s6+$0xFFFFFF90] =	vst v11;
	v4 =	vadd.f32 v9, v4  }
0x2e2: {  	v9 =	vld [tilespmem:s11+$0xFFFFFFA0];
	p1 =	slt.u32 s7, $0x78;
	[tilespmem:s6+$0xFFFFFFA0] =	vst v10;
	v3 =	vadd.f32 v8, v3  }
0x2e3: {  	v8 =	vld [tilespmem:s11+$0xFFFFFFB0];
	[tilespmem:s6+$0xFFFFFFB0] =	vst v4;
	v2 =	vadd.f32 v7, v2  }
0x2e4: {  	v7 =	vld [tilespmem:s11+$0xFFFFFFC0];
	[tilespmem:s6+$0xFFFFFFC0] =	vst v3;
	v0 =	vadd.f32 v5, v0  }
0x2e5: {  	v5 =	vld [tilespmem:s11+$0xFFFFFFD0];
	[tilespmem:s6+$0xFFFFFFD0] =	vst v2;
	v1 =	vadd.f32 v6, v1  }
0x2e6: {  	v6 =	vld [tilespmem:s11+$0xFFFFFFE0];
	[tilespmem:s6+$0xFFFFFFE0] =	vst v0  }
0x2e7: {  	v10 =	vld [tilespmem:s11+$0xFFFFFFF0];
	[tilespmem:s6+$0xFFFFFFF0] =	vst v1  }
0x2e8: {  	v1 =	vld [tilespmem:s11+$0xFFFFFF90]  }
0x2e9: {  	s3 =	sadd.s32 $0x80, s3;
	v11 =	vld.idx.msk [tilespmem:v12+s4+$0x0], $0xffff  }
0x2ea: {  	v12 =	vld [tilespmem:s3+$0x30]  }
0x2eb: {  	v13 =	vld.idx.msk [tilespmem:v9+s4+$0x0], $0xffff  }
0x2ec: {  	v4 =	vld.idx.msk [tilespmem:v8+s4+$0x0], $0xffff  }
0x2ed: {  	v3 =	vld.idx.msk [tilespmem:v7+s4+$0x0], $0xffff  }
0x2ee: {  	v2 =	vld.idx.msk [tilespmem:v5+s4+$0x0], $0xffff  }
0x2ef: {  	v0 =	vld.idx.msk [tilespmem:v6+s4+$0x0], $0xffff;
	v5 =	vadd.f32 v12, v11  }
0x2f0: {  	s6 =	sadd.s32 $0x100, s6;
	v6 =	vld.idx.msk [tilespmem:v1+s4+$0x0], $0xffff  }
0x2f1: {  	v1 =	vld.idx.msk [tilespmem:v10+s4+$0x0], $0xffff;
	[tilespmem:s6+$0x0] =	vst v5  }
0x2f2: {  	v5 =	vld [tilespmem:s3+$0xFFFFFFC0]  }
0x2f3: {  	v10 =	vld [tilespmem:s3+$0xFFFFFFD0]  }
.Ltmp10:
0x2f4: {  	v9 =	vld [tilespmem:s3+$0xFFFFFFE0];
	(pc) =	sbr.rel @p1 .LBB2_23-.Ltmp10, $4  }
0x2f5: {  	v8 =	vld [tilespmem:s3+$0xFFFFFFF0]  }
0x2f6: {  	v7 =	vld [tilespmem:s3+$0x0]  }
0x2f7: {  	v11 =	vadd.f32 v5, v6;
	v5 =	vld [tilespmem:s3+$0x10]  }
0x2f8: {  	s11 =	sadd.s32 $0x200, s11;
	v10 =	vadd.f32 v10, v13;
	v6 =	vld [tilespmem:s3+$0x20]  }
0x2f9: {  	[tilespmem:s6+$0xFFFFFF90] =	vst v11;
	v4 =	vadd.f32 v9, v4  }
0x2fa: {  	[tilespmem:s6+$0xFFFFFFA0] =	vst v10;
	v3 =	vadd.f32 v8, v3  }
0x2fb: {  	[tilespmem:s6+$0xFFFFFFB0] =	vst v4;
	v2 =	vadd.f32 v7, v2  }
0x2fc: {  	[tilespmem:s6+$0xFFFFFFC0] =	vst v3  }
0x2fd: {  	[tilespmem:s6+$0xFFFFFFD0] =	vst v2  }
0x2fe: {  	s3 =	sshll.u32 s31, $0x14;
	v0 =	vadd.f32 v5, v0;
	s7 =	rddreg [dreg:$0x9]  }
0x2ff: {  	v1 =	vadd.f32 v6, v1;
	s3 =	sor.u32 s7, s3  }
0x300: {  	[tilespmem:s6+$0xFFFFFFE0] =	vst v0;
	s3 =	sshrl.u32 s3, $0x3  }
0x301: {  	s1 =	simm.s32 $0x1CF00;
	[tilespmem:s6+$0xFFFFFFF0] =	vst v1;
	s6 =	sadd.s32 s19, s3  }
0x302: {  	[hbm4b:s6+s14] =	stream.strided.scatter [tilespmem:s1], [sflag:$0x3], $0x100, s22, s14, $0x38;
	[tilespmem:$0x1EF00] =	vst v63  }
0x303: {  	s11 =	simm.s32 $0x1D000;
	s1 =	sadd.s32 $0x80, s6  }
0x304: {  	[hbm4b:s1+s14] =	stream.strided.scatter [tilespmem:s11], [sflag:$0x3], $0x100, s22, s14, $0x38;
	[tilespmem:$0x1EF00] =	vst v63  }
0x305: {  	s13 =	simm.s32 $0x1D100;
	s12 =	sadd.s32 $0x100, s6  }
0x306: {  	[hbm4b:s12+s14] =	stream.strided.scatter [tilespmem:s13], [sflag:$0x3], $0x100, s22, s14, $0x38;
	[tilespmem:$0x1EF00] =	vst v63  }
0x307: {  	s19 =	simm.s32 $0x1D200;
	s16 =	sadd.s32 $0x180, s6  }
0x308: {  	[hbm4b:s16+s14] =	stream.strided.scatter [tilespmem:s19], [sflag:$0x3], $0x100, s22, s14, $0x38;
	[tilespmem:$0x1EF00] =	vst v63  }
0x309: {  	s1 =	sadd.s32 $0x200, s6;
	s11 =	simm.s32 $0x1D300  }
0x30a: {  	[hbm4b:s1+s14] =	stream.strided.scatter [tilespmem:s11], [sflag:$0x3], $0x100, s22, s14, $0x38;
	[tilespmem:$0x1EF00] =	vst v63  }
0x30b: {  	s12 =	sadd.s32 $0x280, s6;
	s13 =	simm.s32 $0x1D400  }
0x30c: {  	[hbm4b:s12+s14] =	stream.strided.scatter [tilespmem:s13], [sflag:$0x3], $0x100, s22, s14, $0x38;
	[tilespmem:$0x1EF00] =	vst v63  }
0x30d: {  	s16 =	sadd.s32 $0x300, s6;
	s19 =	simm.s32 $0x1D500  }
0x30e: {  	[hbm4b:s16+s14] =	stream.strided.scatter [tilespmem:s19], [sflag:$0x3], $0x100, s22, s14, $0x38;
	[tilespmem:$0x1EF00] =	vst v63  }
0x30f: {  	s1 =	sadd.s32 $0x380, s6;
	s11 =	simm.s32 $0x1D600  }
0x310: {  	[hbm4b:s1+s14] =	stream.strided.scatter [tilespmem:s11], [sflag:$0x3], $0x100, s22, s14, $0x38;
	[tilespmem:$0x1EF00] =	vst v63  }
0x311: {  	s12 =	sadd.s32 $0x400, s6;
	s13 =	simm.s32 $0x1D700  }
0x312: {  	[hbm4b:s12+s14] =	stream.strided.scatter [tilespmem:s13], [sflag:$0x3], $0x100, s22, s14, $0x38;
	[tilespmem:$0x1EF00] =	vst v63  }
0x313: {  	s16 =	sadd.s32 $0x480, s6;
	s19 =	simm.s32 $0x1D800  }
0x314: {  	[hbm4b:s16+s14] =	stream.strided.scatter [tilespmem:s19], [sflag:$0x3], $0x100, s22, s14, $0x38;
	[tilespmem:$0x1EF00] =	vst v63  }
0x315: {  	s1 =	sadd.s32 $0x500, s6;
	s11 =	simm.s32 $0x1D900  }
0x316: {  	[hbm4b:s1+s14] =	stream.strided.scatter [tilespmem:s11], [sflag:$0x3], $0x100, s22, s14, $0x38;
	[tilespmem:$0x1EF00] =	vst v63  }
0x317: {  	s12 =	sadd.s32 $0x580, s6;
	s13 =	simm.s32 $0x1DA00  }
0x318: {  	[hbm4b:s12+s14] =	stream.strided.scatter [tilespmem:s13], [sflag:$0x3], $0x100, s22, s14, $0x38;
	[tilespmem:$0x1EF00] =	vst v63  }
0x319: {  	s16 =	sadd.s32 $0x600, s6;
	s19 =	simm.s32 $0x1DB00  }
0x31a: {  	[hbm4b:s16+s14] =	stream.strided.scatter [tilespmem:s19], [sflag:$0x3], $0x100, s22, s14, $0x38;
	[tilespmem:$0x1EF00] =	vst v63  }
0x31b: {  	s1 =	sadd.s32 $0x680, s6;
	s11 =	simm.s32 $0x1DC00  }
0x31c: {  	[hbm4b:s1+s14] =	stream.strided.scatter [tilespmem:s11], [sflag:$0x3], $0x100, s22, s14, $0x38;
	[tilespmem:$0x1EF00] =	vst v63  }
0x31d: {  	s12 =	sadd.s32 $0x700, s6;
	s13 =	simm.s32 $0x1DD00  }
0x31e: {  	[hbm4b:s12+s14] =	stream.strided.scatter [tilespmem:s13], [sflag:$0x3], $0x100, s22, s14, $0x38;
	[tilespmem:$0x1EF00] =	vst v63  }
0x31f: {  	s6 =	sadd.s32 $0x780, s6;
	s16 =	simm.s32 $0x1DE00  }
0x320: {  	[hbm4b:s6+s14] =	stream.strided.scatter [tilespmem:s16], [sflag:$0x3], $0x100, s22, s14, $0x38;
	[tilespmem:$0x1EF00] =	vst v63  }
0x321: {  	s6 =	simm.s32 @!p0 $0x3  }
0x322: {  	_ =	swait.ge @!p0 [sflag:s6], $0x1000  }
0x323: {  	[sflag:s6] =	ssyncset.done @!p0 $0x0  }
0x324: {  	s19 =	simm.s32 $0x18870;
	[sflag:s6] =	ssyncadd.s32 @!p0 $0xFFFFF000  }
0x325: {  	v0 =	vld [tilespmem:s19+$0x0]  }
0x326: {  	v1 =	vld [tilespmem:s19+$0xFFFFFFA0]  }
0x327: {  	v2 =	vld [tilespmem:s19+$0xFFFFFFB0]  }
0x328: {  	v3 =	vld [tilespmem:s19+$0xFFFFFFC0]  }
0x329: {  	v5 =	vld [tilespmem:s19+$0xFFFFFFD0]  }
0x32a: {  	v6 =	vld [tilespmem:s19+$0xFFFFFFE0]  }
0x32b: {  	v7 =	vld [tilespmem:s19+$0xFFFFFFF0]  }
0x32c: {  	s16 =	simm.s32 $0x1C740;
	v8 =	vld [tilespmem:s19+$0xFFFFFF90]  }
0x32d: {  	v11 =	vld [tilespmem:s16+$0x30]  }
0x32e: {  	v14 =	vld [tilespmem:s16+$0xFFFFFFD0]  }
0x32f: {  	v9 =	vld [tilespmem:s16+$0xFFFFFFE0]  }
0x330: {  	v10 =	vld.idx.msk [tilespmem:v0+s4+$0x0], $0xffff  }
0x331: {  	v12 =	vld.idx.msk [tilespmem:v1+s4+$0x0], $0xffff  }
0x332: {  	v4 =	vld.idx.msk [tilespmem:v2+s4+$0x0], $0xffff  }
0x333: {  	v3 =	vld.idx.msk [tilespmem:v3+s4+$0x0], $0xffff  }
0x334: {  	v13 =	vld.idx.msk [tilespmem:v8+s4+$0x0], $0xffff  }
0x335: {  	v1 =	vld.idx.msk [tilespmem:v7+s4+$0x0], $0xffff  }
0x336: {  	v7 =	vld [tilespmem:s16+$0xFFFFFFC0]  }
0x337: {  	v2 =	vld.idx.msk [tilespmem:v5+s4+$0x0], $0xffff  }
0x338: {  	v0 =	vld.idx.msk [tilespmem:v6+s4+$0x0], $0xffff  }
0x339: {  	v8 =	vld [tilespmem:s16+$0xFFFFFFF0]  }
0x33a: {  	v6 =	vld [tilespmem:s16+$0x0];
	v10 =	vadd.f32 v11, v10  }
0x33b: {  	s7 =	simm.s32 $0x1DF40;
	v5 =	vld [tilespmem:s16+$0x10];
	v11 =	vadd.f32 v7, v13  }
0x33c: {  	s11 =	simm.s32 $0x0;
	s12 =	simm.s32 $0x18A70;
	s13 =	simm.s32 $0x1C740;
	v7 =	vld [tilespmem:s16+$0x20];
	[tilespmem:s7+$0x30] =	vst v10;
	v10 =	vadd.f32 v14, v12  }
.LBB2_25:
0x33d: {  	v12 =	vld [tilespmem:s12+$0x0];
	s11 =	sadd.s32 $0x8, s11;
	[tilespmem:s7+$0xFFFFFFC0] =	vst v11;
	v4 =	vadd.f32 v9, v4  }
0x33e: {  	v9 =	vld [tilespmem:s12+$0xFFFFFFA0];
	p0 =	slt.u32 s11, $0x78;
	[tilespmem:s7+$0xFFFFFFD0] =	vst v10;
	v3 =	vadd.f32 v8, v3  }
0x33f: {  	v8 =	vld [tilespmem:s12+$0xFFFFFFB0];
	[tilespmem:s7+$0xFFFFFFE0] =	vst v4;
	v2 =	vadd.f32 v6, v2  }
0x340: {  	v6 =	vld [tilespmem:s12+$0xFFFFFFC0];
	[tilespmem:s7+$0xFFFFFFF0] =	vst v3;
	v0 =	vadd.f32 v5, v0  }
0x341: {  	v5 =	vld [tilespmem:s12+$0xFFFFFFD0];
	[tilespmem:s7+$0x0] =	vst v2;
	v1 =	vadd.f32 v7, v1  }
0x342: {  	v7 =	vld [tilespmem:s12+$0xFFFFFFE0];
	[tilespmem:s7+$0x10] =	vst v0  }
0x343: {  	v10 =	vld [tilespmem:s12+$0xFFFFFFF0];
	[tilespmem:s7+$0x20] =	vst v1  }
0x344: {  	v1 =	vld [tilespmem:s12+$0xFFFFFF90]  }
0x345: {  	s13 =	sadd.s32 $0x80, s13;
	v11 =	vld.idx.msk [tilespmem:v12+s4+$0x0], $0xffff  }
0x346: {  	v12 =	vld [tilespmem:s13+$0x30]  }
0x347: {  	v13 =	vld.idx.msk [tilespmem:v9+s4+$0x0], $0xffff  }
0x348: {  	v4 =	vld.idx.msk [tilespmem:v8+s4+$0x0], $0xffff  }
0x349: {  	v3 =	vld.idx.msk [tilespmem:v6+s4+$0x0], $0xffff  }
0x34a: {  	v2 =	vld.idx.msk [tilespmem:v5+s4+$0x0], $0xffff  }
0x34b: {  	v0 =	vld.idx.msk [tilespmem:v7+s4+$0x0], $0xffff;
	v5 =	vadd.f32 v12, v11  }
0x34c: {  	s7 =	sadd.s32 $0x100, s7;
	v7 =	vld.idx.msk [tilespmem:v1+s4+$0x0], $0xffff  }
0x34d: {  	s19 =	simm.s32 $0x188F0;
	s6 =	simm.s32 $0x1DFF0;
	v1 =	vld.idx.msk [tilespmem:v10+s4+$0x0], $0xffff;
	[tilespmem:s7+$0x30] =	vst v5  }
0x34e: {  	v5 =	vld [tilespmem:s13+$0xFFFFFFC0]  }
0x34f: {  	v10 =	vld [tilespmem:s13+$0xFFFFFFD0]  }
.Ltmp11:
0x350: {  	v9 =	vld [tilespmem:s13+$0xFFFFFFE0];
	(pc) =	sbr.rel @p0 .LBB2_25-.Ltmp11, $4  }
0x351: {  	v8 =	vld [tilespmem:s13+$0xFFFFFFF0]  }
0x352: {  	v6 =	vld [tilespmem:s13+$0x0]  }
0x353: {  	v11 =	vadd.f32 v5, v7;
	v5 =	vld [tilespmem:s13+$0x10]  }
0x354: {  	s12 =	sadd.s32 $0x200, s12;
	v10 =	vadd.f32 v10, v13;
	v7 =	vld [tilespmem:s13+$0x20]  }
0x355: {  	[tilespmem:s7+$0xFFFFFFC0] =	vst v11;
	v4 =	vadd.f32 v9, v4  }
0x356: {  	[tilespmem:s7+$0xFFFFFFD0] =	vst v10;
	v3 =	vadd.f32 v8, v3  }
0x357: {  	[tilespmem:s7+$0xFFFFFFE0] =	vst v4;
	v2 =	vadd.f32 v6, v2  }
0x358: {  	[tilespmem:s7+$0xFFFFFFF0] =	vst v3;
	v0 =	vadd.f32 v5, v0  }
0x359: {  	[tilespmem:s7+$0x0] =	vst v2;
	v1 =	vadd.f32 v7, v1  }
0x35a: {  	[tilespmem:s7+$0x10] =	vst v0  }
0x35b: {  	[tilespmem:s7+$0x20] =	vst v1  }
0x35c: {  	v0 =	vld [tilespmem:s19+$0x0]  }
0x35d: {  	v1 =	vld [tilespmem:s19+$0xFFFFFFA0]  }
0x35e: {  	v2 =	vld [tilespmem:s19+$0xFFFFFFB0]  }
0x35f: {  	v3 =	vld [tilespmem:s19+$0xFFFFFFC0]  }
0x360: {  	v5 =	vld [tilespmem:s19+$0xFFFFFFD0]  }
0x361: {  	v6 =	vld [tilespmem:s19+$0xFFFFFFE0]  }
0x362: {  	v7 =	vld [tilespmem:s19+$0xFFFFFFF0]  }
0x363: {  	v8 =	vld [tilespmem:s19+$0xFFFFFF90]  }
0x364: {  	v11 =	vld [tilespmem:s16+$0x30]  }
0x365: {  	v14 =	vld [tilespmem:s16+$0xFFFFFFD0]  }
0x366: {  	v9 =	vld [tilespmem:s16+$0xFFFFFFE0]  }
0x367: {  	v10 =	vld.idx.msk [tilespmem:v0+s4+$0x0], $0xffff  }
0x368: {  	v12 =	vld.idx.msk [tilespmem:v1+s4+$0x0], $0xffff  }
0x369: {  	v4 =	vld.idx.msk [tilespmem:v2+s4+$0x0], $0xffff  }
0x36a: {  	v3 =	vld.idx.msk [tilespmem:v3+s4+$0x0], $0xffff  }
0x36b: {  	v13 =	vld.idx.msk [tilespmem:v8+s4+$0x0], $0xffff  }
0x36c: {  	v1 =	vld.idx.msk [tilespmem:v7+s4+$0x0], $0xffff  }
0x36d: {  	v7 =	vld [tilespmem:s16+$0xFFFFFFC0]  }
0x36e: {  	v2 =	vld.idx.msk [tilespmem:v5+s4+$0x0], $0xffff  }
0x36f: {  	v0 =	vld.idx.msk [tilespmem:v6+s4+$0x0], $0xffff  }
0x370: {  	v8 =	vld [tilespmem:s16+$0xFFFFFFF0]  }
0x371: {  	v6 =	vld [tilespmem:s16+$0x0];
	v10 =	vadd.f32 v11, v10  }
0x372: {  	v5 =	vld [tilespmem:s16+$0x10];
	v11 =	vadd.f32 v7, v13  }
0x373: {  	s11 =	simm.s32 $0x18AF0;
	s7 =	simm.s32 $0x0;
	v7 =	vld [tilespmem:s16+$0x20];
	[tilespmem:s6+$0x0] =	vst v10;
	v10 =	vadd.f32 v14, v12  }
.LBB2_27:
0x374: {  	v12 =	vld [tilespmem:s11+$0x0];
	s7 =	sadd.s32 $0x8, s7;
	[tilespmem:s6+$0xFFFFFF90] =	vst v11;
	v4 =	vadd.f32 v9, v4  }
0x375: {  	v9 =	vld [tilespmem:s11+$0xFFFFFFA0];
	p0 =	slt.u32 s7, $0x78;
	[tilespmem:s6+$0xFFFFFFA0] =	vst v10;
	v3 =	vadd.f32 v8, v3  }
0x376: {  	v8 =	vld [tilespmem:s11+$0xFFFFFFB0];
	[tilespmem:s6+$0xFFFFFFB0] =	vst v4;
	v2 =	vadd.f32 v6, v2  }
0x377: {  	v6 =	vld [tilespmem:s11+$0xFFFFFFC0];
	[tilespmem:s6+$0xFFFFFFC0] =	vst v3;
	v0 =	vadd.f32 v5, v0  }
0x378: {  	v5 =	vld [tilespmem:s11+$0xFFFFFFD0];
	[tilespmem:s6+$0xFFFFFFD0] =	vst v2;
	v1 =	vadd.f32 v7, v1  }
0x379: {  	v7 =	vld [tilespmem:s11+$0xFFFFFFE0];
	[tilespmem:s6+$0xFFFFFFE0] =	vst v0  }
0x37a: {  	v10 =	vld [tilespmem:s11+$0xFFFFFFF0];
	[tilespmem:s6+$0xFFFFFFF0] =	vst v1  }
0x37b: {  	v1 =	vld [tilespmem:s11+$0xFFFFFF90]  }
0x37c: {  	s16 =	sadd.s32 $0x80, s16;
	v11 =	vld.idx.msk [tilespmem:v12+s4+$0x0], $0xffff  }
0x37d: {  	v12 =	vld [tilespmem:s16+$0x30]  }
0x37e: {  	v13 =	vld.idx.msk [tilespmem:v9+s4+$0x0], $0xffff  }
0x37f: {  	v4 =	vld.idx.msk [tilespmem:v8+s4+$0x0], $0xffff  }
0x380: {  	v3 =	vld.idx.msk [tilespmem:v6+s4+$0x0], $0xffff  }
0x381: {  	v2 =	vld.idx.msk [tilespmem:v5+s4+$0x0], $0xffff  }
0x382: {  	v0 =	vld.idx.msk [tilespmem:v7+s4+$0x0], $0xffff;
	v5 =	vadd.f32 v12, v11  }
0x383: {  	s6 =	sadd.s32 $0x100, s6;
	v7 =	vld.idx.msk [tilespmem:v1+s4+$0x0], $0xffff  }
0x384: {  	v1 =	vld.idx.msk [tilespmem:v10+s4+$0x0], $0xffff;
	[tilespmem:s6+$0x0] =	vst v5  }
0x385: {  	v5 =	vld [tilespmem:s16+$0xFFFFFFC0]  }
0x386: {  	v10 =	vld [tilespmem:s16+$0xFFFFFFD0]  }
.Ltmp12:
0x387: {  	v9 =	vld [tilespmem:s16+$0xFFFFFFE0];
	(pc) =	sbr.rel @p0 .LBB2_27-.Ltmp12, $4  }
0x388: {  	v8 =	vld [tilespmem:s16+$0xFFFFFFF0]  }
0x389: {  	v6 =	vld [tilespmem:s16+$0x0]  }
0x38a: {  	v11 =	vadd.f32 v5, v7;
	v5 =	vld [tilespmem:s16+$0x10]  }
0x38b: {  	s11 =	sadd.s32 $0x200, s11;
	v10 =	vadd.f32 v10, v13;
	v7 =	vld [tilespmem:s16+$0x20]  }
0x38c: {  	[tilespmem:s6+$0xFFFFFF90] =	vst v11;
	v4 =	vadd.f32 v9, v4  }
0x38d: {  	[tilespmem:s6+$0xFFFFFFA0] =	vst v10;
	v3 =	vadd.f32 v8, v3  }
0x38e: {  	[tilespmem:s6+$0xFFFFFFB0] =	vst v4;
	v2 =	vadd.f32 v6, v2  }
0x38f: {  	[tilespmem:s6+$0xFFFFFFC0] =	vst v3;
	v0 =	vadd.f32 v5, v0  }
0x390: {  	[tilespmem:s6+$0xFFFFFFD0] =	vst v2;
	v1 =	vadd.f32 v7, v1  }
0x391: {  	[tilespmem:s6+$0xFFFFFFE0] =	vst v0  }
0x392: {  	s3 =	sadd.s32 s3, s10;
	s1 =	simm.s32 $0x1DF00;
	[tilespmem:s6+$0xFFFFFFF0] =	vst v1  }
0x393: {  	[hbm4b:s3+s14] =	stream.strided.scatter [tilespmem:s1], [sflag:$0x3], $0x100, s22, s14, $0x38;
	[tilespmem:$0x1EF00] =	vst v63  }
0x394: {  	s13 =	simm.s32 $0x1E000;
	s12 =	sadd.s32 $0x80, s3  }
0x395: {  	[hbm4b:s12+s14] =	stream.strided.scatter [tilespmem:s13], [sflag:$0x3], $0x100, s22, s14, $0x38;
	[tilespmem:$0x1EF00] =	vst v63  }
0x396: {  	s19 =	simm.s32 $0x1E100;
	s16 =	sadd.s32 $0x100, s3  }
0x397: {  	[hbm4b:s16+s14] =	stream.strided.scatter [tilespmem:s19], [sflag:$0x3], $0x100, s22, s14, $0x38;
	[tilespmem:$0x1EF00] =	vst v63  }
0x398: {  	s7 =	sadd.s32 $0x180, s3  }
0x399: {  	[hbm4b:s7+s14] =	stream.strided.scatter [tilespmem:s20], [sflag:$0x3], $0x100, s22, s14, $0x38;
	[tilespmem:$0x1EF00] =	vst v63  }
0x39a: {  	s11 =	sadd.s32 $0x200, s3  }
0x39b: {  	[hbm4b:s11+s14] =	stream.strided.scatter [tilespmem:s17], [sflag:$0x3], $0x100, s22, s14, $0x38;
	[tilespmem:$0x1EF00] =	vst v63  }
0x39c: {  	s12 =	sadd.s32 $0x280, s3  }
0x39d: {  	[hbm4b:s12+s14] =	stream.strided.scatter [tilespmem:s15], [sflag:$0x3], $0x100, s22, s14, $0x38;
	[tilespmem:$0x1EF00] =	vst v63  }
0x39e: {  	s13 =	sadd.s32 $0x300, s3  }
0x39f: {  	[hbm4b:s13+s14] =	stream.strided.scatter [tilespmem:s2], [sflag:$0x3], $0x100, s22, s14, $0x38;
	[tilespmem:$0x1EF00] =	vst v63  }
0x3a0: {  	s16 =	sadd.s32 $0x380, s3  }
0x3a1: {  	[hbm4b:s16+s14] =	stream.strided.scatter [tilespmem:s5], [sflag:$0x3], $0x100, s22, s14, $0x38;
	[tilespmem:$0x1EF00] =	vst v63  }
0x3a2: {  	s19 =	sadd.s32 $0x400, s3  }
0x3a3: {  	[hbm4b:s19+s14] =	stream.strided.scatter [tilespmem:s8], [sflag:$0x3], $0x100, s22, s14, $0x38;
	[tilespmem:$0x1EF00] =	vst v63  }
0x3a4: {  	s1 =	sadd.s32 $0x480, s3  }
0x3a5: {  	[hbm4b:s1+s14] =	stream.strided.scatter [tilespmem:s9], [sflag:$0x3], $0x100, s22, s14, $0x38;
	[tilespmem:$0x1EF00] =	vst v63  }
0x3a6: {  	s7 =	sadd.s32 $0x500, s3  }
0x3a7: {  	[hbm4b:s7+s14] =	stream.strided.scatter [tilespmem:s23], [sflag:$0x3], $0x100, s22, s14, $0x38;
	[tilespmem:$0x1EF00] =	vst v63  }
0x3a8: {  	s11 =	sadd.s32 $0x580, s3  }
0x3a9: {  	[hbm4b:s11+s14] =	stream.strided.scatter [tilespmem:s24], [sflag:$0x3], $0x100, s22, s14, $0x38;
	[tilespmem:$0x1EF00] =	vst v63  }
0x3aa: {  	s12 =	sadd.s32 $0x600, s3  }
0x3ab: {  	[hbm4b:s12+s14] =	stream.strided.scatter [tilespmem:s25], [sflag:$0x3], $0x100, s22, s14, $0x38;
	[tilespmem:$0x1EF00] =	vst v63  }
0x3ac: {  	s13 =	sadd.s32 $0x680, s3  }
0x3ad: {  	[hbm4b:s13+s14] =	stream.strided.scatter [tilespmem:s26], [sflag:$0x3], $0x100, s22, s14, $0x38;
	[tilespmem:$0x1EF00] =	vst v63  }
0x3ae: {  	s0 =	sor.u32 $0x1, s0;
	s16 =	sadd.s32 $0x700, s3  }
0x3af: {  	[hbm4b:s16+s14] =	stream.strided.scatter [tilespmem:s28], [sflag:$0x3], $0x100, s22, s14, $0x38;
	[tilespmem:$0x1EF00] =	vst v63  }
0x3b0: {  	p0 =	sgt.u32 s0, $0xE;
	s3 =	sadd.s32 $0x780, s3  }
0x3b1: {  	[hbm4b:s3+s14] =	stream.strided.scatter [tilespmem:s29], [sflag:$0x3], $0x100, s22, s14, $0x38;
	[tilespmem:$0x1EF00] =	vst v63  }
0x3b2: {  	s3 =	sshll.u32 @!p0 s0, $0xA  }
0x3b3: {  	s3 =	sadd.s32 @!p0 $0x400, s3  }
0x3b4: {  	s6 =	rddreg [dreg:$0x1];
	s7 =	simm.s32 @!p0 $0x400;
	s3 =	sand.u32 @!p0 $0x3800, s3  }
0x3b5: {  	s11 =	simm.s32 @!p0 $0x18700;
	s3 =	sadd.s32 @!p0 s6, s3;
	s6 =	simm.s32 @!p0 $0x200  }
0x3b6: {  	[tilespmem:s11], [sflag:$0x2] =	stream.strided.gather @!p0 [hbm4b:s3+s6], $0x2000, s7, s6, $0x38;
	[tilespmem:$0x1EF00] =	vst v63  }
0x3b7: {  	_ =	swait.ge [sflag:s21], $0x2000  }
0x3b8: {  	[sflag:s21] =	ssyncset.done $0x0  }
0x3b9: {  	[sflag:s21] =	ssyncadd.s32 $0xFFFFE000  }
0x3ba: {  	_ =	swait.ge [sflag:s30], $0x1000  }
0x3bb: {  	[sflag:s30] =	ssyncset.done $0x0  }
0x3bc: {  	s19 =	simm.s32 $0x1A740;
	[sflag:s30] =	ssyncadd.s32 $0xFFFFF000  }
0x3bd: {  	v0 =	vld [tilespmem:s19+$0x30]  }
0x3be: {  	v1 =	vld [tilespmem:s19+$0xFFFFFFD0]  }
0x3bf: {  	v2 =	vld [tilespmem:s19+$0xFFFFFFE0]  }
0x3c0: {  	v3 =	vld [tilespmem:s19+$0xFFFFFFF0]  }
0x3c1: {  	v5 =	vld [tilespmem:s19+$0x0]  }
0x3c2: {  	v6 =	vld [tilespmem:s19+$0x10]  }
0x3c3: {  	v7 =	vld [tilespmem:s19+$0x20]  }
0x3c4: {  	s3 =	simm.s32 $0x1C740;
	v8 =	vld [tilespmem:s19+$0xFFFFFFC0]  }
0x3c5: {  	v11 =	vld [tilespmem:s3+$0x30]  }
0x3c6: {  	v14 =	vld [tilespmem:s3+$0xFFFFFFD0]  }
0x3c7: {  	v9 =	vld [tilespmem:s3+$0xFFFFFFE0]  }
0x3c8: {  	v10 =	vld.idx.msk [tilespmem:v0+s4+$0x0], $0xffff  }
0x3c9: {  	v12 =	vld.idx.msk [tilespmem:v1+s4+$0x0], $0xffff  }
0x3ca: {  	v4 =	vld.idx.msk [tilespmem:v2+s4+$0x0], $0xffff  }
0x3cb: {  	v3 =	vld.idx.msk [tilespmem:v3+s4+$0x0], $0xffff  }
0x3cc: {  	v13 =	vld.idx.msk [tilespmem:v8+s4+$0x0], $0xffff  }
0x3cd: {  	v1 =	vld.idx.msk [tilespmem:v7+s4+$0x0], $0xffff  }
0x3ce: {  	v7 =	vld [tilespmem:s3+$0xFFFFFFC0]  }
0x3cf: {  	v2 =	vld.idx.msk [tilespmem:v5+s4+$0x0], $0xffff  }
0x3d0: {  	v0 =	vld.idx.msk [tilespmem:v6+s4+$0x0], $0xffff  }
0x3d1: {  	v8 =	vld [tilespmem:s3+$0xFFFFFFF0]  }
0x3d2: {  	v6 =	vld [tilespmem:s3+$0x0];
	v10 =	vadd.f32 v11, v10  }
0x3d3: {  	s7 =	simm.s32 $0x1CF40;
	v5 =	vld [tilespmem:s3+$0x10];
	v11 =	vadd.f32 v7, v13  }
0x3d4: {  	s12 =	simm.s32 $0x1A940;
	s13 =	simm.s32 $0x1C740;
	s11 =	simm.s32 $0x0;
	v7 =	vld [tilespmem:s3+$0x20];
	[tilespmem:s7+$0x30] =	vst v10;
	v10 =	vadd.f32 v14, v12  }
.LBB2_29:
0x3d5: {  	v12 =	vld [tilespmem:s12+$0x30];
	s11 =	sadd.s32 $0x8, s11;
	[tilespmem:s7+$0xFFFFFFC0] =	vst v11;
	v4 =	vadd.f32 v9, v4  }
0x3d6: {  	v9 =	vld [tilespmem:s12+$0xFFFFFFD0];
	p0 =	slt.u32 s11, $0x78;
	[tilespmem:s7+$0xFFFFFFD0] =	vst v10;
	v3 =	vadd.f32 v8, v3  }
0x3d7: {  	v8 =	vld [tilespmem:s12+$0xFFFFFFE0];
	[tilespmem:s7+$0xFFFFFFE0] =	vst v4;
	v2 =	vadd.f32 v6, v2  }
0x3d8: {  	v6 =	vld [tilespmem:s12+$0xFFFFFFF0];
	[tilespmem:s7+$0xFFFFFFF0] =	vst v3;
	v0 =	vadd.f32 v5, v0  }
0x3d9: {  	v5 =	vld [tilespmem:s12+$0x0];
	[tilespmem:s7+$0x0] =	vst v2;
	v1 =	vadd.f32 v7, v1  }
0x3da: {  	v7 =	vld [tilespmem:s12+$0x10];
	[tilespmem:s7+$0x10] =	vst v0  }
0x3db: {  	v10 =	vld [tilespmem:s12+$0x20];
	[tilespmem:s7+$0x20] =	vst v1  }
0x3dc: {  	v1 =	vld [tilespmem:s12+$0xFFFFFFC0]  }
0x3dd: {  	s13 =	sadd.s32 $0x80, s13;
	v11 =	vld.idx.msk [tilespmem:v12+s4+$0x0], $0xffff  }
0x3de: {  	v12 =	vld [tilespmem:s13+$0x30]  }
0x3df: {  	v13 =	vld.idx.msk [tilespmem:v9+s4+$0x0], $0xffff  }
0x3e0: {  	v4 =	vld.idx.msk [tilespmem:v8+s4+$0x0], $0xffff  }
0x3e1: {  	v3 =	vld.idx.msk [tilespmem:v6+s4+$0x0], $0xffff  }
0x3e2: {  	v2 =	vld.idx.msk [tilespmem:v5+s4+$0x0], $0xffff  }
0x3e3: {  	v0 =	vld.idx.msk [tilespmem:v7+s4+$0x0], $0xffff;
	v5 =	vadd.f32 v12, v11  }
0x3e4: {  	s7 =	sadd.s32 $0x100, s7;
	v7 =	vld.idx.msk [tilespmem:v1+s4+$0x0], $0xffff  }
0x3e5: {  	s16 =	simm.s32 $0x1A7F0;
	s6 =	simm.s32 $0x1CFF0;
	v1 =	vld.idx.msk [tilespmem:v10+s4+$0x0], $0xffff;
	[tilespmem:s7+$0x30] =	vst v5  }
0x3e6: {  	v5 =	vld [tilespmem:s13+$0xFFFFFFC0]  }
0x3e7: {  	v10 =	vld [tilespmem:s13+$0xFFFFFFD0]  }
.Ltmp13:
0x3e8: {  	v9 =	vld [tilespmem:s13+$0xFFFFFFE0];
	(pc) =	sbr.rel @p0 .LBB2_29-.Ltmp13, $4  }
0x3e9: {  	v8 =	vld [tilespmem:s13+$0xFFFFFFF0]  }
0x3ea: {  	v6 =	vld [tilespmem:s13+$0x0]  }
0x3eb: {  	v11 =	vadd.f32 v5, v7;
	v5 =	vld [tilespmem:s13+$0x10]  }
0x3ec: {  	s12 =	sadd.s32 $0x200, s12;
	v10 =	vadd.f32 v10, v13;
	v7 =	vld [tilespmem:s13+$0x20]  }
0x3ed: {  	[tilespmem:s7+$0xFFFFFFC0] =	vst v11;
	v4 =	vadd.f32 v9, v4  }
0x3ee: {  	[tilespmem:s7+$0xFFFFFFD0] =	vst v10;
	v3 =	vadd.f32 v8, v3  }
0x3ef: {  	[tilespmem:s7+$0xFFFFFFE0] =	vst v4;
	v2 =	vadd.f32 v6, v2  }
0x3f0: {  	[tilespmem:s7+$0xFFFFFFF0] =	vst v3;
	v0 =	vadd.f32 v5, v0  }
0x3f1: {  	[tilespmem:s7+$0x0] =	vst v2;
	v1 =	vadd.f32 v7, v1  }
0x3f2: {  	[tilespmem:s7+$0x10] =	vst v0  }
0x3f3: {  	[tilespmem:s7+$0x20] =	vst v1  }
0x3f4: {  	v0 =	vld [tilespmem:s16+$0x0]  }
0x3f5: {  	v1 =	vld [tilespmem:s16+$0xFFFFFFA0]  }
0x3f6: {  	v2 =	vld [tilespmem:s16+$0xFFFFFFB0]  }
0x3f7: {  	v3 =	vld [tilespmem:s16+$0xFFFFFFC0]  }
0x3f8: {  	v5 =	vld [tilespmem:s16+$0xFFFFFFD0]  }
0x3f9: {  	v6 =	vld [tilespmem:s16+$0xFFFFFFE0]  }
0x3fa: {  	v7 =	vld [tilespmem:s16+$0xFFFFFFF0]  }
0x3fb: {  	v8 =	vld [tilespmem:s16+$0xFFFFFF90]  }
0x3fc: {  	v11 =	vld [tilespmem:s3+$0x30]  }
0x3fd: {  	v13 =	vld [tilespmem:s3+$0xFFFFFFC0]  }
0x3fe: {  	v14 =	vld [tilespmem:s3+$0xFFFFFFD0]  }
0x3ff: {  	v9 =	vld [tilespmem:s3+$0xFFFFFFE0]  }
0x400: {  	v10 =	vld.idx.msk [tilespmem:v0+s4+$0x0], $0xffff  }
0x401: {  	v12 =	vld.idx.msk [tilespmem:v1+s4+$0x0], $0xffff  }
0x402: {  	v4 =	vld.idx.msk [tilespmem:v2+s4+$0x0], $0xffff  }
0x403: {  	v3 =	vld.idx.msk [tilespmem:v3+s4+$0x0], $0xffff  }
0x404: {  	v0 =	vld.idx.msk [tilespmem:v6+s4+$0x0], $0xffff  }
0x405: {  	v6 =	vld.idx.msk [tilespmem:v8+s4+$0x0], $0xffff  }
0x406: {  	v2 =	vld.idx.msk [tilespmem:v5+s4+$0x0], $0xffff  }
0x407: {  	v1 =	vld.idx.msk [tilespmem:v7+s4+$0x0], $0xffff  }
0x408: {  	v8 =	vld [tilespmem:s3+$0xFFFFFFF0]  }
0x409: {  	v7 =	vld [tilespmem:s3+$0x0];
	v10 =	vadd.f32 v11, v10  }
0x40a: {  	v5 =	vld [tilespmem:s3+$0x10];
	v11 =	vadd.f32 v13, v6  }
0x40b: {  	s11 =	simm.s32 $0x1A9F0;
	s19 =	smov.u32 s18;
	s7 =	simm.s32 $0x0;
	v6 =	vld [tilespmem:s3+$0x20];
	[tilespmem:s6+$0x0] =	vst v10;
	v10 =	vadd.f32 v14, v12  }
.LBB2_31:
0x40c: {  	v12 =	vld [tilespmem:s11+$0x0];
	s7 =	sadd.s32 $0x8, s7;
	[tilespmem:s6+$0xFFFFFF90] =	vst v11;
	v4 =	vadd.f32 v9, v4  }
0x40d: {  	v9 =	vld [tilespmem:s11+$0xFFFFFFA0];
	p0 =	slt.u32 s7, $0x78;
	[tilespmem:s6+$0xFFFFFFA0] =	vst v10;
	v3 =	vadd.f32 v8, v3  }
0x40e: {  	v8 =	vld [tilespmem:s11+$0xFFFFFFB0];
	[tilespmem:s6+$0xFFFFFFB0] =	vst v4;
	v2 =	vadd.f32 v7, v2  }
0x40f: {  	v7 =	vld [tilespmem:s11+$0xFFFFFFC0];
	[tilespmem:s6+$0xFFFFFFC0] =	vst v3;
	v0 =	vadd.f32 v5, v0  }
0x410: {  	v5 =	vld [tilespmem:s11+$0xFFFFFFD0];
	[tilespmem:s6+$0xFFFFFFD0] =	vst v2;
	v1 =	vadd.f32 v6, v1  }
0x411: {  	v6 =	vld [tilespmem:s11+$0xFFFFFFE0];
	[tilespmem:s6+$0xFFFFFFE0] =	vst v0  }
0x412: {  	v10 =	vld [tilespmem:s11+$0xFFFFFFF0];
	[tilespmem:s6+$0xFFFFFFF0] =	vst v1  }
0x413: {  	v1 =	vld [tilespmem:s11+$0xFFFFFF90]  }
0x414: {  	s3 =	sadd.s32 $0x80, s3;
	v11 =	vld.idx.msk [tilespmem:v12+s4+$0x0], $0xffff  }
0x415: {  	v12 =	vld [tilespmem:s3+$0x30]  }
0x416: {  	v13 =	vld.idx.msk [tilespmem:v9+s4+$0x0], $0xffff  }
0x417: {  	v4 =	vld.idx.msk [tilespmem:v8+s4+$0x0], $0xffff  }
0x418: {  	v3 =	vld.idx.msk [tilespmem:v7+s4+$0x0], $0xffff  }
0x419: {  	v2 =	vld.idx.msk [tilespmem:v5+s4+$0x0], $0xffff  }
0x41a: {  	v0 =	vld.idx.msk [tilespmem:v6+s4+$0x0], $0xffff;
	v5 =	vadd.f32 v12, v11  }
0x41b: {  	s6 =	sadd.s32 $0x100, s6;
	v6 =	vld.idx.msk [tilespmem:v1+s4+$0x0], $0xffff  }
0x41c: {  	v1 =	vld.idx.msk [tilespmem:v10+s4+$0x0], $0xffff;
	[tilespmem:s6+$0x0] =	vst v5  }
0x41d: {  	v5 =	vld [tilespmem:s3+$0xFFFFFFC0]  }
0x41e: {  	v10 =	vld [tilespmem:s3+$0xFFFFFFD0]  }
.Ltmp14:
0x41f: {  	v9 =	vld [tilespmem:s3+$0xFFFFFFE0];
	(pc) =	sbr.rel @p0 .LBB2_31-.Ltmp14, $4  }
0x420: {  	v8 =	vld [tilespmem:s3+$0xFFFFFFF0]  }
0x421: {  	v7 =	vld [tilespmem:s3+$0x0]  }
0x422: {  	v11 =	vadd.f32 v5, v6;
	v5 =	vld [tilespmem:s3+$0x10]  }
0x423: {  	s11 =	sadd.s32 $0x200, s11;
	v10 =	vadd.f32 v10, v13;
	v6 =	vld [tilespmem:s3+$0x20]  }
0x424: {  	[tilespmem:s6+$0xFFFFFF90] =	vst v11;
	v4 =	vadd.f32 v9, v4  }
0x425: {  	[tilespmem:s6+$0xFFFFFFA0] =	vst v10;
	v3 =	vadd.f32 v8, v3  }
0x426: {  	[tilespmem:s6+$0xFFFFFFB0] =	vst v4;
	v2 =	vadd.f32 v7, v2  }
0x427: {  	[tilespmem:s6+$0xFFFFFFC0] =	vst v3  }
0x428: {  	[tilespmem:s6+$0xFFFFFFD0] =	vst v2  }
0x429: {  	s0 =	sshll.u32 s0, $0x13;
	v0 =	vadd.f32 v5, v0;
	s3 =	rddreg [dreg:$0x9]  }
0x42a: {  	v1 =	vadd.f32 v6, v1;
	s0 =	sor.u32 s3, s0  }
0x42b: {  	[tilespmem:s6+$0xFFFFFFE0] =	vst v0;
	s0 =	sshrl.u32 s0, $0x3  }
0x42c: {  	s1 =	simm.s32 $0x1CF00;
	[tilespmem:s6+$0xFFFFFFF0] =	vst v1;
	s3 =	sadd.s32 s19, s0  }
0x42d: {  	[hbm4b:s3+s14] =	stream.strided.scatter [tilespmem:s1], [sflag:$0x3], $0x100, s22, s14, $0x38;
	[tilespmem:$0x1EF00] =	vst v63  }
0x42e: {  	s7 =	simm.s32 $0x1D000;
	s1 =	sadd.s32 $0x80, s3  }
0x42f: {  	[hbm4b:s1+s14] =	stream.strided.scatter [tilespmem:s7], [sflag:$0x3], $0x100, s22, s14, $0x38;
	[tilespmem:$0x1EF00] =	vst v63  }
0x430: {  	s12 =	simm.s32 $0x1D100;
	s11 =	sadd.s32 $0x100, s3  }
0x431: {  	[hbm4b:s11+s14] =	stream.strided.scatter [tilespmem:s12], [sflag:$0x3], $0x100, s22, s14, $0x38;
	[tilespmem:$0x1EF00] =	vst v63  }
0x432: {  	s16 =	simm.s32 $0x1D200;
	s13 =	sadd.s32 $0x180, s3  }
0x433: {  	[hbm4b:s13+s14] =	stream.strided.scatter [tilespmem:s16], [sflag:$0x3], $0x100, s22, s14, $0x38;
	[tilespmem:$0x1EF00] =	vst v63  }
0x434: {  	s1 =	sadd.s32 $0x200, s3;
	s7 =	simm.s32 $0x1D300  }
0x435: {  	[hbm4b:s1+s14] =	stream.strided.scatter [tilespmem:s7], [sflag:$0x3], $0x100, s22, s14, $0x38;
	[tilespmem:$0x1EF00] =	vst v63  }
0x436: {  	s11 =	sadd.s32 $0x280, s3;
	s12 =	simm.s32 $0x1D400  }
0x437: {  	[hbm4b:s11+s14] =	stream.strided.scatter [tilespmem:s12], [sflag:$0x3], $0x100, s22, s14, $0x38;
	[tilespmem:$0x1EF00] =	vst v63  }
0x438: {  	s13 =	sadd.s32 $0x300, s3;
	s16 =	simm.s32 $0x1D500  }
0x439: {  	[hbm4b:s13+s14] =	stream.strided.scatter [tilespmem:s16], [sflag:$0x3], $0x100, s22, s14, $0x38;
	[tilespmem:$0x1EF00] =	vst v63  }
0x43a: {  	s1 =	sadd.s32 $0x380, s3;
	s7 =	simm.s32 $0x1D600  }
0x43b: {  	[hbm4b:s1+s14] =	stream.strided.scatter [tilespmem:s7], [sflag:$0x3], $0x100, s22, s14, $0x38;
	[tilespmem:$0x1EF00] =	vst v63  }
0x43c: {  	s11 =	sadd.s32 $0x400, s3;
	s12 =	simm.s32 $0x1D700  }
0x43d: {  	[hbm4b:s11+s14] =	stream.strided.scatter [tilespmem:s12], [sflag:$0x3], $0x100, s22, s14, $0x38;
	[tilespmem:$0x1EF00] =	vst v63  }
0x43e: {  	s13 =	sadd.s32 $0x480, s3;
	s16 =	simm.s32 $0x1D800  }
0x43f: {  	[hbm4b:s13+s14] =	stream.strided.scatter [tilespmem:s16], [sflag:$0x3], $0x100, s22, s14, $0x38;
	[tilespmem:$0x1EF00] =	vst v63  }
0x440: {  	s1 =	sadd.s32 $0x500, s3;
	s7 =	simm.s32 $0x1D900  }
0x441: {  	[hbm4b:s1+s14] =	stream.strided.scatter [tilespmem:s7], [sflag:$0x3], $0x100, s22, s14, $0x38;
	[tilespmem:$0x1EF00] =	vst v63  }
0x442: {  	s11 =	sadd.s32 $0x580, s3;
	s12 =	simm.s32 $0x1DA00  }
0x443: {  	[hbm4b:s11+s14] =	stream.strided.scatter [tilespmem:s12], [sflag:$0x3], $0x100, s22, s14, $0x38;
	[tilespmem:$0x1EF00] =	vst v63  }
0x444: {  	s13 =	sadd.s32 $0x600, s3;
	s16 =	simm.s32 $0x1DB00  }
0x445: {  	[hbm4b:s13+s14] =	stream.strided.scatter [tilespmem:s16], [sflag:$0x3], $0x100, s22, s14, $0x38;
	[tilespmem:$0x1EF00] =	vst v63  }
0x446: {  	s1 =	sadd.s32 $0x680, s3;
	s7 =	simm.s32 $0x1DC00  }
0x447: {  	[hbm4b:s1+s14] =	stream.strided.scatter [tilespmem:s7], [sflag:$0x3], $0x100, s22, s14, $0x38;
	[tilespmem:$0x1EF00] =	vst v63  }
0x448: {  	s11 =	sadd.s32 $0x700, s3;
	s12 =	simm.s32 $0x1DD00  }
0x449: {  	[hbm4b:s11+s14] =	stream.strided.scatter [tilespmem:s12], [sflag:$0x3], $0x100, s22, s14, $0x38;
	[tilespmem:$0x1EF00] =	vst v63  }
0x44a: {  	s3 =	sadd.s32 $0x780, s3;
	s13 =	simm.s32 $0x1DE00  }
0x44b: {  	[hbm4b:s3+s14] =	stream.strided.scatter [tilespmem:s13], [sflag:$0x3], $0x100, s22, s14, $0x38;
	[tilespmem:$0x1EF00] =	vst v63  }
0x44c: {  	_ =	swait.ge [sflag:s30], $0x1000  }
0x44d: {  	[sflag:s30] =	ssyncset.done $0x0  }
0x44e: {  	s16 =	simm.s32 $0x1A870;
	[sflag:s30] =	ssyncadd.s32 $0xFFFFF000  }
0x44f: {  	v0 =	vld [tilespmem:s16+$0x0]  }
0x450: {  	v1 =	vld [tilespmem:s16+$0xFFFFFFA0]  }
0x451: {  	v2 =	vld [tilespmem:s16+$0xFFFFFFB0]  }
0x452: {  	v3 =	vld [tilespmem:s16+$0xFFFFFFC0]  }
0x453: {  	v5 =	vld [tilespmem:s16+$0xFFFFFFD0]  }
0x454: {  	v6 =	vld [tilespmem:s16+$0xFFFFFFE0]  }
0x455: {  	v7 =	vld [tilespmem:s16+$0xFFFFFFF0]  }
0x456: {  	s3 =	simm.s32 $0x1C740;
	v8 =	vld [tilespmem:s16+$0xFFFFFF90]  }
0x457: {  	v11 =	vld [tilespmem:s3+$0x30]  }
0x458: {  	v14 =	vld [tilespmem:s3+$0xFFFFFFD0]  }
0x459: {  	v9 =	vld [tilespmem:s3+$0xFFFFFFE0]  }
0x45a: {  	v10 =	vld.idx.msk [tilespmem:v0+s4+$0x0], $0xffff  }
0x45b: {  	v12 =	vld.idx.msk [tilespmem:v1+s4+$0x0], $0xffff  }
0x45c: {  	v4 =	vld.idx.msk [tilespmem:v2+s4+$0x0], $0xffff  }
0x45d: {  	v3 =	vld.idx.msk [tilespmem:v3+s4+$0x0], $0xffff  }
0x45e: {  	v13 =	vld.idx.msk [tilespmem:v8+s4+$0x0], $0xffff  }
0x45f: {  	v1 =	vld.idx.msk [tilespmem:v7+s4+$0x0], $0xffff  }
0x460: {  	v7 =	vld [tilespmem:s3+$0xFFFFFFC0]  }
0x461: {  	v2 =	vld.idx.msk [tilespmem:v5+s4+$0x0], $0xffff  }
0x462: {  	v0 =	vld.idx.msk [tilespmem:v6+s4+$0x0], $0xffff  }
0x463: {  	v8 =	vld [tilespmem:s3+$0xFFFFFFF0]  }
0x464: {  	v6 =	vld [tilespmem:s3+$0x0];
	v10 =	vadd.f32 v11, v10  }
0x465: {  	s7 =	simm.s32 $0x1DF40;
	v5 =	vld [tilespmem:s3+$0x10];
	v11 =	vadd.f32 v7, v13  }
0x466: {  	s11 =	simm.s32 $0x0;
	s12 =	simm.s32 $0x1AA70;
	s13 =	simm.s32 $0x1C740;
	v7 =	vld [tilespmem:s3+$0x20];
	[tilespmem:s7+$0x30] =	vst v10;
	v10 =	vadd.f32 v14, v12  }
.LBB2_33:
0x467: {  	v12 =	vld [tilespmem:s12+$0x0];
	s11 =	sadd.s32 $0x8, s11;
	[tilespmem:s7+$0xFFFFFFC0] =	vst v11;
	v4 =	vadd.f32 v9, v4  }
0x468: {  	v9 =	vld [tilespmem:s12+$0xFFFFFFA0];
	p0 =	slt.u32 s11, $0x78;
	[tilespmem:s7+$0xFFFFFFD0] =	vst v10;
	v3 =	vadd.f32 v8, v3  }
0x469: {  	v8 =	vld [tilespmem:s12+$0xFFFFFFB0];
	[tilespmem:s7+$0xFFFFFFE0] =	vst v4;
	v2 =	vadd.f32 v6, v2  }
0x46a: {  	v6 =	vld [tilespmem:s12+$0xFFFFFFC0];
	[tilespmem:s7+$0xFFFFFFF0] =	vst v3;
	v0 =	vadd.f32 v5, v0  }
0x46b: {  	v5 =	vld [tilespmem:s12+$0xFFFFFFD0];
	[tilespmem:s7+$0x0] =	vst v2;
	v1 =	vadd.f32 v7, v1  }
0x46c: {  	v7 =	vld [tilespmem:s12+$0xFFFFFFE0];
	[tilespmem:s7+$0x10] =	vst v0  }
0x46d: {  	v10 =	vld [tilespmem:s12+$0xFFFFFFF0];
	[tilespmem:s7+$0x20] =	vst v1  }
0x46e: {  	v1 =	vld [tilespmem:s12+$0xFFFFFF90]  }
0x46f: {  	s13 =	sadd.s32 $0x80, s13;
	v11 =	vld.idx.msk [tilespmem:v12+s4+$0x0], $0xffff  }
0x470: {  	v12 =	vld [tilespmem:s13+$0x30]  }
0x471: {  	v13 =	vld.idx.msk [tilespmem:v9+s4+$0x0], $0xffff  }
0x472: {  	v4 =	vld.idx.msk [tilespmem:v8+s4+$0x0], $0xffff  }
0x473: {  	v3 =	vld.idx.msk [tilespmem:v6+s4+$0x0], $0xffff  }
0x474: {  	v2 =	vld.idx.msk [tilespmem:v5+s4+$0x0], $0xffff  }
0x475: {  	v0 =	vld.idx.msk [tilespmem:v7+s4+$0x0], $0xffff;
	v5 =	vadd.f32 v12, v11  }
0x476: {  	s7 =	sadd.s32 $0x100, s7;
	v7 =	vld.idx.msk [tilespmem:v1+s4+$0x0], $0xffff  }
0x477: {  	s16 =	simm.s32 $0x1A8F0;
	s6 =	simm.s32 $0x1DFF0;
	v1 =	vld.idx.msk [tilespmem:v10+s4+$0x0], $0xffff;
	[tilespmem:s7+$0x30] =	vst v5  }
0x478: {  	v5 =	vld [tilespmem:s13+$0xFFFFFFC0]  }
0x479: {  	v10 =	vld [tilespmem:s13+$0xFFFFFFD0]  }
.Ltmp15:
0x47a: {  	v9 =	vld [tilespmem:s13+$0xFFFFFFE0];
	(pc) =	sbr.rel @p0 .LBB2_33-.Ltmp15, $4  }
0x47b: {  	v8 =	vld [tilespmem:s13+$0xFFFFFFF0]  }
0x47c: {  	v6 =	vld [tilespmem:s13+$0x0]  }
0x47d: {  	v11 =	vadd.f32 v5, v7;
	v5 =	vld [tilespmem:s13+$0x10]  }
0x47e: {  	s12 =	sadd.s32 $0x200, s12;
	v10 =	vadd.f32 v10, v13;
	v7 =	vld [tilespmem:s13+$0x20]  }
0x47f: {  	[tilespmem:s7+$0xFFFFFFC0] =	vst v11;
	v4 =	vadd.f32 v9, v4  }
0x480: {  	[tilespmem:s7+$0xFFFFFFD0] =	vst v10;
	v3 =	vadd.f32 v8, v3  }
0x481: {  	[tilespmem:s7+$0xFFFFFFE0] =	vst v4;
	v2 =	vadd.f32 v6, v2  }
0x482: {  	[tilespmem:s7+$0xFFFFFFF0] =	vst v3;
	v0 =	vadd.f32 v5, v0  }
0x483: {  	[tilespmem:s7+$0x0] =	vst v2;
	v1 =	vadd.f32 v7, v1  }
0x484: {  	[tilespmem:s7+$0x10] =	vst v0  }
0x485: {  	[tilespmem:s7+$0x20] =	vst v1  }
0x486: {  	v0 =	vld [tilespmem:s16+$0x0]  }
0x487: {  	v1 =	vld [tilespmem:s16+$0xFFFFFFA0]  }
0x488: {  	v2 =	vld [tilespmem:s16+$0xFFFFFFB0]  }
0x489: {  	v3 =	vld [tilespmem:s16+$0xFFFFFFC0]  }
0x48a: {  	v5 =	vld [tilespmem:s16+$0xFFFFFFD0]  }
0x48b: {  	v6 =	vld [tilespmem:s16+$0xFFFFFFE0]  }
0x48c: {  	v7 =	vld [tilespmem:s16+$0xFFFFFFF0]  }
0x48d: {  	v8 =	vld [tilespmem:s16+$0xFFFFFF90]  }
0x48e: {  	v11 =	vld [tilespmem:s3+$0x30]  }
0x48f: {  	v14 =	vld [tilespmem:s3+$0xFFFFFFD0]  }
0x490: {  	v9 =	vld [tilespmem:s3+$0xFFFFFFE0]  }
0x491: {  	v10 =	vld.idx.msk [tilespmem:v0+s4+$0x0], $0xffff  }
0x492: {  	v12 =	vld.idx.msk [tilespmem:v1+s4+$0x0], $0xffff  }
0x493: {  	v4 =	vld.idx.msk [tilespmem:v2+s4+$0x0], $0xffff  }
0x494: {  	v3 =	vld.idx.msk [tilespmem:v3+s4+$0x0], $0xffff  }
0x495: {  	v13 =	vld.idx.msk [tilespmem:v8+s4+$0x0], $0xffff  }
0x496: {  	v1 =	vld.idx.msk [tilespmem:v7+s4+$0x0], $0xffff  }
0x497: {  	v7 =	vld [tilespmem:s3+$0xFFFFFFC0]  }
0x498: {  	v2 =	vld.idx.msk [tilespmem:v5+s4+$0x0], $0xffff  }
0x499: {  	v0 =	vld.idx.msk [tilespmem:v6+s4+$0x0], $0xffff  }
0x49a: {  	v8 =	vld [tilespmem:s3+$0xFFFFFFF0]  }
0x49b: {  	v6 =	vld [tilespmem:s3+$0x0];
	v10 =	vadd.f32 v11, v10  }
0x49c: {  	v5 =	vld [tilespmem:s3+$0x10];
	v11 =	vadd.f32 v7, v13  }
0x49d: {  	s11 =	simm.s32 $0x1AAF0;
	s7 =	simm.s32 $0x0;
	v7 =	vld [tilespmem:s3+$0x20];
	[tilespmem:s6+$0x0] =	vst v10;
	v10 =	vadd.f32 v14, v12  }
.LBB2_35:
0x49e: {  	v12 =	vld [tilespmem:s11+$0x0];
	s7 =	sadd.s32 $0x8, s7;
	[tilespmem:s6+$0xFFFFFF90] =	vst v11;
	v4 =	vadd.f32 v9, v4  }
0x49f: {  	v9 =	vld [tilespmem:s11+$0xFFFFFFA0];
	p0 =	slt.u32 s7, $0x78;
	[tilespmem:s6+$0xFFFFFFA0] =	vst v10;
	v3 =	vadd.f32 v8, v3  }
0x4a0: {  	v8 =	vld [tilespmem:s11+$0xFFFFFFB0];
	[tilespmem:s6+$0xFFFFFFB0] =	vst v4;
	v2 =	vadd.f32 v6, v2  }
0x4a1: {  	v6 =	vld [tilespmem:s11+$0xFFFFFFC0];
	[tilespmem:s6+$0xFFFFFFC0] =	vst v3;
	v0 =	vadd.f32 v5, v0  }
0x4a2: {  	v5 =	vld [tilespmem:s11+$0xFFFFFFD0];
	[tilespmem:s6+$0xFFFFFFD0] =	vst v2;
	v1 =	vadd.f32 v7, v1  }
0x4a3: {  	v7 =	vld [tilespmem:s11+$0xFFFFFFE0];
	[tilespmem:s6+$0xFFFFFFE0] =	vst v0  }
0x4a4: {  	v10 =	vld [tilespmem:s11+$0xFFFFFFF0];
	[tilespmem:s6+$0xFFFFFFF0] =	vst v1  }
0x4a5: {  	v1 =	vld [tilespmem:s11+$0xFFFFFF90]  }
0x4a6: {  	s3 =	sadd.s32 $0x80, s3;
	v11 =	vld.idx.msk [tilespmem:v12+s4+$0x0], $0xffff  }
0x4a7: {  	v12 =	vld [tilespmem:s3+$0x30]  }
0x4a8: {  	v13 =	vld.idx.msk [tilespmem:v9+s4+$0x0], $0xffff  }
0x4a9: {  	v4 =	vld.idx.msk [tilespmem:v8+s4+$0x0], $0xffff  }
0x4aa: {  	v3 =	vld.idx.msk [tilespmem:v6+s4+$0x0], $0xffff  }
0x4ab: {  	v2 =	vld.idx.msk [tilespmem:v5+s4+$0x0], $0xffff  }
0x4ac: {  	v0 =	vld.idx.msk [tilespmem:v7+s4+$0x0], $0xffff;
	v5 =	vadd.f32 v12, v11  }
0x4ad: {  	s6 =	sadd.s32 $0x100, s6;
	v7 =	vld.idx.msk [tilespmem:v1+s4+$0x0], $0xffff  }
0x4ae: {  	v1 =	vld.idx.msk [tilespmem:v10+s4+$0x0], $0xffff;
	[tilespmem:s6+$0x0] =	vst v5  }
0x4af: {  	v5 =	vld [tilespmem:s3+$0xFFFFFFC0]  }
0x4b0: {  	v10 =	vld [tilespmem:s3+$0xFFFFFFD0]  }
.Ltmp16:
0x4b1: {  	v9 =	vld [tilespmem:s3+$0xFFFFFFE0];
	(pc) =	sbr.rel @p0 .LBB2_35-.Ltmp16, $4  }
0x4b2: {  	v8 =	vld [tilespmem:s3+$0xFFFFFFF0]  }
0x4b3: {  	v6 =	vld [tilespmem:s3+$0x0]  }
0x4b4: {  	v11 =	vadd.f32 v5, v7;
	v5 =	vld [tilespmem:s3+$0x10]  }
0x4b5: {  	s11 =	sadd.s32 $0x200, s11;
	v10 =	vadd.f32 v10, v13;
	v7 =	vld [tilespmem:s3+$0x20]  }
0x4b6: {  	[tilespmem:s6+$0xFFFFFF90] =	vst v11;
	v4 =	vadd.f32 v9, v4  }
0x4b7: {  	[tilespmem:s6+$0xFFFFFFA0] =	vst v10;
	v3 =	vadd.f32 v8, v3  }
0x4b8: {  	[tilespmem:s6+$0xFFFFFFB0] =	vst v4;
	v2 =	vadd.f32 v6, v2  }
0x4b9: {  	[tilespmem:s6+$0xFFFFFFC0] =	vst v3;
	v0 =	vadd.f32 v5, v0  }
0x4ba: {  	[tilespmem:s6+$0xFFFFFFD0] =	vst v2;
	v1 =	vadd.f32 v7, v1  }
0x4bb: {  	[tilespmem:s6+$0xFFFFFFE0] =	vst v0  }
0x4bc: {  	s0 =	sadd.s32 s0, s10;
	s1 =	simm.s32 $0x1DF00;
	[tilespmem:s6+$0xFFFFFFF0] =	vst v1  }
0x4bd: {  	[hbm4b:s0+s14] =	stream.strided.scatter [tilespmem:s1], [sflag:$0x3], $0x100, s22, s14, $0x38;
	[tilespmem:$0x1EF00] =	vst v63  }
0x4be: {  	s16 =	simm.s32 $0x1E000;
	s3 =	sadd.s32 $0x80, s0  }
0x4bf: {  	[hbm4b:s3+s14] =	stream.strided.scatter [tilespmem:s16], [sflag:$0x3], $0x100, s22, s14, $0x38;
	[tilespmem:$0x1EF00] =	vst v63  }
0x4c0: {  	s6 =	simm.s32 $0x1E100;
	s1 =	sadd.s32 $0x100, s0  }
0x4c1: {  	[hbm4b:s1+s14] =	stream.strided.scatter [tilespmem:s6], [sflag:$0x3], $0x100, s22, s14, $0x38;
	[tilespmem:$0x1EF00] =	vst v63  }
0x4c2: {  	s7 =	sadd.s32 $0x180, s0  }
0x4c3: {  	[hbm4b:s7+s14] =	stream.strided.scatter [tilespmem:s20], [sflag:$0x3], $0x100, s22, s14, $0x38;
	[tilespmem:$0x1EF00] =	vst v63  }
0x4c4: {  	s11 =	sadd.s32 $0x200, s0  }
0x4c5: {  	[hbm4b:s11+s14] =	stream.strided.scatter [tilespmem:s17], [sflag:$0x3], $0x100, s22, s14, $0x38;
	[tilespmem:$0x1EF00] =	vst v63  }
0x4c6: {  	s12 =	sadd.s32 $0x280, s0  }
0x4c7: {  	[hbm4b:s12+s14] =	stream.strided.scatter [tilespmem:s15], [sflag:$0x3], $0x100, s22, s14, $0x38;
	[tilespmem:$0x1EF00] =	vst v63  }
0x4c8: {  	s13 =	sadd.s32 $0x300, s0  }
0x4c9: {  	[hbm4b:s13+s14] =	stream.strided.scatter [tilespmem:s2], [sflag:$0x3], $0x100, s22, s14, $0x38;
	[tilespmem:$0x1EF00] =	vst v63  }
0x4ca: {  	s16 =	sadd.s32 $0x380, s0  }
0x4cb: {  	[hbm4b:s16+s14] =	stream.strided.scatter [tilespmem:s5], [sflag:$0x3], $0x100, s22, s14, $0x38;
	[tilespmem:$0x1EF00] =	vst v63  }
0x4cc: {  	s1 =	sadd.s32 $0x400, s0  }
0x4cd: {  	[hbm4b:s1+s14] =	stream.strided.scatter [tilespmem:s8], [sflag:$0x3], $0x100, s22, s14, $0x38;
	[tilespmem:$0x1EF00] =	vst v63  }
0x4ce: {  	s6 =	sadd.s32 $0x480, s0  }
0x4cf: {  	[hbm4b:s6+s14] =	stream.strided.scatter [tilespmem:s9], [sflag:$0x3], $0x100, s22, s14, $0x38;
	[tilespmem:$0x1EF00] =	vst v63  }
0x4d0: {  	s7 =	sadd.s32 $0x500, s0  }
0x4d1: {  	[hbm4b:s7+s14] =	stream.strided.scatter [tilespmem:s23], [sflag:$0x3], $0x100, s22, s14, $0x38;
	[tilespmem:$0x1EF00] =	vst v63  }
0x4d2: {  	s11 =	sadd.s32 $0x580, s0  }
0x4d3: {  	[hbm4b:s11+s14] =	stream.strided.scatter [tilespmem:s24], [sflag:$0x3], $0x100, s22, s14, $0x38;
	[tilespmem:$0x1EF00] =	vst v63  }
0x4d4: {  	s31 =	sadd.s32 $0x1, s31;
	s12 =	sadd.s32 $0x600, s0  }
0x4d5: {  	[hbm4b:s12+s14] =	stream.strided.scatter [tilespmem:s25], [sflag:$0x3], $0x100, s22, s14, $0x38;
	[tilespmem:$0x1EF00] =	vst v63  }
0x4d6: {  	p0 =	sne.s32 s31, $0x8;
	s13 =	sadd.s32 $0x680, s0  }
0x4d7: {  	[hbm4b:s13+s14] =	stream.strided.scatter [tilespmem:s26], [sflag:$0x3], $0x100, s22, s14, $0x38;
	[tilespmem:$0x1EF00] =	vst v63  }
.Ltmp17:
0x4d8: {  	_ = 	snop;
	(pc) =	sbr.rel @p0 .LBB2_20-.Ltmp17, $4  }
0x4d9: {  	s16 =	sadd.s32 $0x700, s0  }
0x4da: {  	[hbm4b:s16+s14] =	stream.strided.scatter [tilespmem:s28], [sflag:$0x3], $0x100, s22, s14, $0x38;
	[tilespmem:$0x1EF00] =	vst v63  }
0x4db: {  	s0 =	sadd.s32 $0x780, s0  }
0x4dc: {  	[hbm4b:s0+s14] =	stream.strided.scatter [tilespmem:s29], [sflag:$0x3], $0x100, s22, s14, $0x38;
	[tilespmem:$0x1EF00] =	vst v63  }
0x4dd: {  	_ =	swait.ge [sflag:s30], $0x1000  }
0x4de: {  	[sflag:s30] =	ssyncset.done $0x0  }
0x4df: {  	[sflag:s30] =	ssyncadd.s32 $0xFFFFF000  }
0x4e0: {  	_ =	swait.ge [sflag:s30], $0x1000  }
0x4e1: {  	s1 =	rddreg [dreg:$0xd]  }
0x4e2: {  	s0 =	rddreg [dreg:$0xc];
	s1 =	sadd.s32 $0x1, s1  }
0x4e3: {  	p0 =	sne.s32 s1, s0  }
.Ltmp18:
0x4e4: {  	_ = 	snop;
	(pc) =	sbr.rel @p0 .LBB2_1-.Ltmp18, $3  }
0x4e5: {  	_ =	sdelay $0x1  }
0x4e6: {  	[sflag:s30] =	ssyncset.done $0x0  }
0x4e7: {  	[sflag:s30] =	ssyncadd.s32 $0xFFFFF000  }
0x4e8: {  	_ =	sfence.sel $0x180000  }
0x4e9: {  	[bflag:$0x0] =	sbarrier.arrive $0xFFFF  }
0x4ea: {  	_ =	strace $0x90000047  }
0x4eb: {  	s0 =	stileid.u32;
	[bflag:$0x2] =	sbarrier.arrive $0xFFFF  }
0x4ec: {  	p0 =	sne.s32 s0, $0x0;
	s0 =	rddreg [dreg:$0x4]  }
0x4ed: {  	s0 =	sadd.s32 @!p0 $0x100000, s0  }
0x4ee: {  	[sflag:s0] =	ssyncadd.tile.s32 @!p0 $0x1;
	_ =	shalt  }
.Lfunc_end2:
_tile_overlayer_lowered:
.L_overlay_start_2:
0x4ef: {  	(tag) =	ssettag $0x2  }
0x4f0: {  	s0 =	rddreg [dreg:$0x0];
	s2 =	stileid.u32  }
0x4f1: {  	s1 =	rddreg [dreg:$0x1];
	p0 =	sne.s32 s2, $0x0  }
0x4f2: {  	s3 =	rddreg [dreg:$0x2];
	[bflag:$0x3] =	sbarrier.arrive $0xFFFF;
	s2 =	simm.s32 @!p0 $0x1C04  }
0x4f3: {  	[timem:s3], [sflag:s2] =	dma.local @!p0 [hbm:s0], s1  }
0x4f4: {  	s0 =	simm.s32 @!p0 $0x4  }
0x4f5: {  	_ =	swait.ge @!p0 [sflag:s0], s1  }
0x4f6: {  	s1 =	ssub.s32 @!p0 $0x0, s1;
	[sflag:s0] =	ssyncset.done @!p0 $0x0  }
0x4f7: {  	[sflag:s0] =	ssyncadd.s32 @!p0 s1  }
0x4f8: {  	[bflag:$0x3] =	sbarrier.arrive $0xFFFF  }
0x4f9: {  	_ =	shalt  }

</sc_bundles>
